<compile_context>
chip_gen: v7x
topology: tpu7x:2x2x1
jax: 0.10.2.dev20260603
libtpu: 0.0.44.dev20260713+nightly
codegen_flags: <defaults>
</compile_context>

<pallas_src>
import functools

import jax
import jax.numpy as jnp
from jax import lax
from jax.experimental import pallas as pl
from jax.experimental.pallas import tpu as pltpu
from jax.experimental.pallas import tpu_sc as plsc

_LN2 = 0.6931471805599453
_TN = 400


def _ssp(x):
    m = jnp.maximum(x, 0.0)
    return m + jnp.log(jnp.exp(x - m) + jnp.exp(-m)) - _LN2


def _dot(a, b):
    return jax.lax.dot_general(a, b, (((a.ndim - 1,), (0,)), ((), ())),
                               preferred_element_type=jnp.float32)


def _bdot(a, b):
    return _dot(a.astype(jnp.bfloat16), b.astype(jnp.bfloat16))



def _sc_gather(table, idx):
    V, Fd = table.shape
    B = idx.shape[0]
    try:
        info = plsc.get_sparse_core_info()
        nc, ns = info.num_cores, info.num_subcores
    except Exception:
        nc, ns = 2, 16
    nw = nc * ns
    per = B // nw
    assert per * nw == B and per % 8 == 0
    ch = 128
    nbuf = 6
    full = per // ch
    groups = full // nbuf
    rest = full - groups * nbuf
    tail = per - full * ch
    mesh = plsc.VectorSubcoreMesh(core_axis_name="c", subcore_axis_name="s")

    @functools.partial(
        pl.kernel, mesh=mesh,
        out_type=jax.ShapeDtypeStruct((B, Fd), table.dtype),
        scratch_types=[
            pltpu.VMEM((per,), jnp.int32),
            pltpu.VMEM((nbuf, ch, Fd), table.dtype),
            pltpu.SemaphoreType.DMA,
            pltpu.SemaphoreType.DMA,
        ],
    )
    def gather(table_hbm, idx_hbm, out_hbm, idx_v, rows_v, sem_g, sem_w):
        wid = lax.axis_index("s") * nc + lax.axis_index("c")
        base = wid * per
        pltpu.sync_copy(idx_hbm.at[pl.ds(base, per)], idx_v)

        def group(g, carry):
            off0 = g * nbuf * ch

            @pl.when(g > 0)
            def _():
                for b in range(nbuf):
                    pltpu.make_async_copy(
                        rows_v.at[b],
                        out_hbm.at[pl.ds(base + off0 + b * ch, ch)],
                        sem_w).wait()

            for b in range(nbuf):
                pltpu.async_copy(
                    table_hbm.at[idx_v.at[pl.ds(off0 + b * ch, ch)]],
                    rows_v.at[b], sem_g)

            for b in range(nbuf):
                pltpu.make_async_copy(
                    table_hbm.at[idx_v.at[pl.ds(off0 + b * ch, ch)]],
                    rows_v.at[b], sem_g).wait()
                pltpu.async_copy(
                    rows_v.at[b],
                    out_hbm.at[pl.ds(base + off0 + b * ch, ch)], sem_w)
            return carry

        lax.fori_loop(0, groups, group, 0)
        for b in range(nbuf):
            pltpu.make_async_copy(
                rows_v.at[b], out_hbm.at[pl.ds(base, ch)], sem_w).wait()
        for r in range(rest):
            off = (groups * nbuf + r) * ch
            pltpu.async_copy(table_hbm.at[idx_v.at[pl.ds(off, ch)]],
                             rows_v.at[0], sem_g).wait()
            pltpu.sync_copy(rows_v.at[0], out_hbm.at[pl.ds(base + off, ch)])
        if tail:
            off = full * ch
            pltpu.async_copy(
                table_hbm.at[idx_v.at[pl.ds(off, tail)]],
                rows_v.at[0].at[pl.ds(0, tail)], sem_g).wait()
            pltpu.sync_copy(rows_v.at[0].at[pl.ds(0, tail)],
                            out_hbm.at[pl.ds(base + off, tail)])

    return gather(table, idx)



def _embed_call(Zi, emb, w_in, b_in):
    N = Zi.shape[0]
    A, Fd = emb.shape
    grid = N // _TN

    def body(z_ref, emb_ref, wi_ref, bi_ref, x_ref, v_ref):
        ar = lax.broadcasted_iota(jnp.int32, (_TN, A), 1)
        onehot = (ar == z_ref[...]).astype(jnp.float32)
        x = _dot(onehot, emb_ref[...])
        x_ref[...] = x
        v_ref[...] = _dot(x, wi_ref[...]) + bi_ref[...]

    return pl.pallas_call(
        body,
        grid=(grid,),
        in_specs=[
            pl.BlockSpec((_TN, 1), lambda i: (i, 0)),
            pl.BlockSpec((A, Fd), lambda i: (0, 0)),
            pl.BlockSpec((Fd, Fd), lambda i: (0, 0)),
            pl.BlockSpec((1, Fd), lambda i: (0, 0)),
        ],
        out_specs=[
            pl.BlockSpec((_TN, Fd), lambda i: (i, 0)),
            pl.BlockSpec((_TN, Fd), lambda i: (i, 0)),
        ],
        out_shape=[
            jax.ShapeDtypeStruct((N, Fd), jnp.float32),
            jax.ShapeDtypeStruct((N, Fd), jnp.float32),
        ],
    )(Zi, emb, w_in, b_in)



def _filter_conv(rbf_ref, vj_ref, x_ref, fw1, fb1, fw2, fb2, w1, b1, w2, b2,
                 K, Fd, R):
    rows = _TN * K
    u = _ssp(_bdot(rbf_ref[...].reshape(rows, R), fw1[...]) + fb1[...])
    w = _bdot(u, fw2[...]) + fb2[...]
    p = w * vj_ref[...]
    y = p.reshape(_TN, K, Fd).sum(axis=1)
    y = _ssp(_dot(y, w1[...]) + b1[...])
    y = _dot(y, w2[...]) + b2[...]
    return x_ref[...] + y


def _interaction_mid(x, vj, rbf3, blk, nxt, K):
    N, Fd = x.shape
    R = rbf3.shape[-1]
    grid = N // _TN
    rows = _TN * K

    def body(rbf_ref, vj_ref, x_ref, fw1, fb1, fw2, fb2, w1, b1, w2, b2,
             wi, bi, xo_ref, vn_ref):
        xo = _filter_conv(rbf_ref, vj_ref, x_ref, fw1, fb1, fw2, fb2,
                          w1, b1, w2, b2, K, Fd, R)
        xo_ref[...] = xo
        vn_ref[...] = _dot(xo, wi[...]) + bi[...]

    wspec = lambda s: pl.BlockSpec(s, lambda i: (0, 0))
    return pl.pallas_call(
        body,
        grid=(grid,),
        in_specs=[
            pl.BlockSpec((_TN, K, R), lambda i: (i, 0, 0)),
            pl.BlockSpec((rows, Fd), lambda i: (i, 0)),
            pl.BlockSpec((_TN, Fd), lambda i: (i, 0)),
            wspec((R, Fd)), wspec((1, Fd)), wspec((Fd, Fd)), wspec((1, Fd)),
            wspec((Fd, Fd)), wspec((1, Fd)), wspec((Fd, Fd)), wspec((1, Fd)),
            wspec((Fd, Fd)), wspec((1, Fd)),
        ],
        out_specs=[
            pl.BlockSpec((_TN, Fd), lambda i: (i, 0)),
            pl.BlockSpec((_TN, Fd), lambda i: (i, 0)),
        ],
        out_shape=[
            jax.ShapeDtypeStruct((N, Fd), jnp.float32),
            jax.ShapeDtypeStruct((N, Fd), jnp.float32),
        ],
    )(rbf3, vj, x, blk["fw1"], blk["fb1"].reshape(1, Fd),
      blk["fw2"], blk["fb2"].reshape(1, Fd),
      blk["w1"], blk["b1"].reshape(1, Fd),
      blk["w2"], blk["b2"].reshape(1, Fd),
      nxt["w_in"], nxt["b_in"].reshape(1, Fd))


def _interaction_last(x, vj, rbf3, blk, ro, K):
    N, Fd = x.shape
    R = rbf3.shape[-1]
    H = ro["rw1"].shape[1]
    grid = N // _TN
    rows = _TN * K

    def body(rbf_ref, vj_ref, x_ref, fw1, fb1, fw2, fb2, w1, b1, w2, b2,
             rw1, rb1, rw2, rb2, out_ref, acc_ref):
        xo = _filter_conv(rbf_ref, vj_ref, x_ref, fw1, fb1, fw2, fb2,
                          w1, b1, w2, b2, K, Fd, R)
        h = _ssp(_dot(xo, rw1[...]) + rb1[...])
        i = pl.program_id(0)

        @pl.when(i == 0)
        def _():
            acc_ref[...] = jnp.zeros_like(acc_ref)

        acc_ref[...] += jnp.sum(h, axis=0, keepdims=True)

        @pl.when(i == grid - 1)
        def _():
            out_ref[...] = _dot(acc_ref[...], rw2[...]) + N * rb2[...]

    wspec = lambda s: pl.BlockSpec(s, lambda i: (0, 0))
    return pl.pallas_call(
        body,
        grid=(grid,),
        in_specs=[
            pl.BlockSpec((_TN, K, R), lambda i: (i, 0, 0)),
            pl.BlockSpec((rows, Fd), lambda i: (i, 0)),
            pl.BlockSpec((_TN, Fd), lambda i: (i, 0)),
            wspec((R, Fd)), wspec((1, Fd)), wspec((Fd, Fd)), wspec((1, Fd)),
            wspec((Fd, Fd)), wspec((1, Fd)), wspec((Fd, Fd)), wspec((1, Fd)),
            wspec((Fd, H)), wspec((1, H)), wspec((H, 1)), wspec((1, 1)),
        ],
        out_specs=pl.BlockSpec((1, 1), lambda i: (0, 0)),
        out_shape=jax.ShapeDtypeStruct((1, 1), jnp.float32),
        scratch_shapes=[pltpu.VMEM((1, H), jnp.float32)],
        compiler_params=pltpu.CompilerParams(
            dimension_semantics=("arbitrary",)),
    )(rbf3, vj, x, blk["fw1"], blk["fb1"].reshape(1, Fd),
      blk["fw2"], blk["fb2"].reshape(1, Fd),
      blk["w1"], blk["b1"].reshape(1, Fd),
      blk["w2"], blk["b2"].reshape(1, Fd),
      ro["rw1"], ro["rb1"].reshape(1, H), ro["rw2"],
      ro["rb2"].reshape(1, 1))



def kernel(Z, rbf, neighbors, params):
    emb = params["embedding"]
    blocks = params["blocks"]
    ro = params["readout"]
    N, K = neighbors.shape
    R = rbf.shape[-1]
    Fd = emb.shape[1]
    T = len(blocks)

    nbr = neighbors.reshape(N * K).astype(jnp.int32)
    Zi = Z.astype(jnp.int32).reshape(N, 1)
    rbf_b = rbf.astype(jnp.bfloat16)

    x, v = _embed_call(Zi, emb, blocks[0]["w_in"],
                       blocks[0]["b_in"].reshape(1, Fd))
    for t in range(T - 1):
        vj = _sc_gather(v, nbr)
        x, v = _interaction_mid(x, vj, rbf_b, blocks[t], blocks[t + 1], K)
    vj = _sc_gather(v, nbr)
    e = _interaction_last(x, vj, rbf_b, blocks[T - 1], ro, K)
    return e.reshape(())

# --- scband reference (transcript-rebuilt; emitter-appended) ---
"""Pipeline reference for scband-sch-net-8796093022489 (READ-ONLY COPY).

The authoritative reference and input builder live on the scoring server;
editing this copy changes nothing except your own understanding.
"""

import jax, jax.numpy as jnp
import numpy as np

N, K, F, R, T, A = 10000, 32, 128, 50, 3, 100


def ssp(x):
    # shifted softplus, the standard SchNet nonlinearity
    return jnp.logaddexp(x, 0.0) - jnp.log(2.0)


def _dense_params(key, fan_in, fan_out):
    kw, kb = jax.random.split(key)
    s = 1.0 / np.sqrt(fan_in)
    w = jax.random.uniform(kw, (fan_in, fan_out), minval=-s, maxval=s, dtype=jnp.float32)
    b = jax.random.uniform(kb, (fan_out,), minval=-s, maxval=s, dtype=jnp.float32)
    return w, b


def setup_inputs(seed: int = 0) -> dict:
    key = jax.random.key(seed)
    ks = jax.random.split(key, 4 + 6 * T + 2)
    Z = jax.random.randint(ks[0], (N,), 0, A)
    rbf = jax.random.uniform(ks[1], (N, K, R), dtype=jnp.float32)
    neighbors = jax.random.randint(ks[2], (N, K), 0, N)
    emb = jax.random.normal(ks[3], (A, F), dtype=jnp.float32) * 0.1
    blocks = []
    for t in range(T):
        base = 4 + 6 * t
        w_in, b_in = _dense_params(ks[base + 0], F, F)
        fw1, fb1 = _dense_params(ks[base + 1], R, F)
        fw2, fb2 = _dense_params(ks[base + 2], F, F)
        w1, b1 = _dense_params(ks[base + 3], F, F)
        w2, b2 = _dense_params(ks[base + 4], F, F)
        blocks.append(dict(w_in=w_in, b_in=b_in, fw1=fw1, fb1=fb1, fw2=fw2, fb2=fb2,
                           w1=w1, b1=b1, w2=w2, b2=b2))
    rw1, rb1 = _dense_params(ks[4 + 6 * T], F, F // 2)
    rw2, rb2 = _dense_params(ks[4 + 6 * T + 1], F // 2, 1)
    params = dict(embedding=emb, blocks=blocks,
                  readout=dict(rw1=rw1, rb1=rb1, rw2=rw2, rb2=rb2))
    return {"Z": Z, "rbf": rbf, "neighbors": neighbors, "params": params}


def _forward(Z, rbf, neighbors, params):
    # AtomEmbedding: table lookup by atomic number
    x = params["embedding"][Z]                                   # [N, F]
    for blk in params["blocks"]:
        # InteractionBlock (cfconv)
        v = x @ blk["w_in"] + blk["b_in"]                        # atom-wise dense [N, F]
        # filter-generating network from RBF-expanded distances
        W = ssp(rbf @ blk["fw1"] + blk["fb1"]) @ blk["fw2"] + blk["fb2"]  # [N, K, F]
        vj = v[neighbors]                                        # gather neighbor features [N, K, F]
        y = jnp.sum(vj * W, axis=1)                              # continuous-filter conv aggregate [N, F]
        y = ssp(y @ blk["w1"] + blk["b1"])
        y = y @ blk["w2"] + blk["b2"]
        x = x + y                                                # residual update
    # Readout: atom-wise MLP then sum-pool to total energy
    ro = params["readout"]
    h = ssp(x @ ro["rw1"] + ro["rb1"])
    atom_e = h @ ro["rw2"] + ro["rb2"]                           # [N, 1]
    return jnp.sum(atom_e)                                       # scalar energy E


def reference(Z, rbf, neighbors, params):
    return _forward(Z, rbf, neighbors, params)

if __name__ == "__main__":
    import jax
    _d = setup_inputs()
    print(jax.jit(kernel)(*tuple(_d.values())))

</pallas_src>

<mosaic_0001>
#map = affine_map<(d0, d1) -> (0, 0)>
#map1 = affine_map<(d0, d1) -> (0)>
module attributes {stable_mosaic.version = 14 : i64} {
  func.func @gather(%arg0: i32, %arg1: i32, %arg2: memref<10000x128xf32, #tpu.memory_space<hbm>>, %arg3: memref<320000xi32, #tpu.memory_space<hbm>>, %arg4: memref<320000x128xf32, #tpu.memory_space<hbm>>, %arg5: memref<10000xi32, #tpu.memory_space<vmem>>, %arg6: memref<6x128x128xf32, #tpu.memory_space<vmem>>, %arg7: memref<!tpu.dma_semaphore, #tpu.memory_space<semaphore_mem>>, %arg8: memref<!tpu.dma_semaphore, #tpu.memory_space<semaphore_mem>>) attributes {dimension_semantics = [#tpu.dimension_semantics<core_parallel>, #tpu.dimension_semantics<subcore_parallel>], iteration_bounds = array<i64: 2, 16>, scalar_prefetch = 0 : i64, scratch_operands = 4 : i64, tpu.core_type = #tpu.core_type<sc_vector_subcore>, window_params = [{transform_indices = #map}, {transform_indices = #map1}, {transform_indices = #map}]} {
    %mul3A = arith.constant 2 : i32
    %mul3A_0 = arith.muli %arg1, %mul3A : i32
    %add3A = arith.addi %mul3A_0, %arg0 : i32
    %mul3A_1 = arith.constant 10000 : i32
    %mul3A_2 = arith.muli %add3A, %mul3A_1 : i32
    "tpu.region"() ({
      %run_scoped3A_112 = tpu.sem_alloc : memref<!tpu.dma_semaphore, #tpu.memory_space<semaphore_mem>>
      %dma_start3A_113 = tpu.memref_slice %arg3[%mul3A_2] : memref<320000xi32, #tpu.memory_space<hbm>> -> memref<10000xi32, #tpu.memory_space<hbm>>
      %dma_start3A_114 = tpu.memref_slice %arg3[%mul3A_2] : memref<320000xi32, #tpu.memory_space<hbm>> -> memref<10000xi32, #tpu.memory_space<hbm>>
      tpu.enqueue_dma source(%dma_start3A_114 : memref<10000xi32, #tpu.memory_space<hbm>>) target(%arg5 : memref<10000xi32, #tpu.memory_space<vmem>>) target_semaphore(%run_scoped3A_112 : memref<!tpu.dma_semaphore, #tpu.memory_space<semaphore_mem>>)
      %dma_wait3A_115 = tpu.memref_slice %arg3[%mul3A_2] : memref<320000xi32, #tpu.memory_space<hbm>> -> memref<10000xi32, #tpu.memory_space<hbm>>
      %dma_wait3A_116 = tpu.memref_slice %arg3[%mul3A_2] : memref<320000xi32, #tpu.memory_space<hbm>> -> memref<10000xi32, #tpu.memory_space<hbm>>
      tpu.wait_dma2 semaphore(%run_scoped3A_112 : memref<!tpu.dma_semaphore, #tpu.memory_space<semaphore_mem>>) src(%dma_wait3A_116 : memref<10000xi32, #tpu.memory_space<hbm>>) dst(%arg5 : memref<10000xi32, #tpu.memory_space<vmem>>)
      tpu.yield
    }) : () -> ()
    %scan3A = arith.constant 0 : i32
    %scan3A_3 = arith.constant 0 : i32
    %scan3A_4 = arith.constant 13 : i32
    %scan3A_5 = arith.addi %scan3A_3, %scan3A_4 : i32
    %scan3A_6 = arith.constant 1 : i32
    scf.for %scan3A_112 = %scan3A_3 to %scan3A_5 step %scan3A_6  : i32 {
      %mul3A_113 = arith.constant 6 : i32
      %mul3A_114 = arith.muli %scan3A_112, %mul3A_113 : i32
      %mul3A_115 = arith.constant 128 : i32
      %mul3A_116 = arith.muli %mul3A_114, %mul3A_115 : i32
      %gt3A = arith.constant 0 : i32
      %gt3A_117 = arith.cmpi sgt, %scan3A_112, %gt3A : i32
      %convert_element_type3A = arith.extui %gt3A_117 : i1 to i32
      %cond3A = arith.constant 0 : i32
      %cond3A_118 = arith.cmpi ne, %convert_element_type3A, %cond3A : i32
      scf.if %cond3A_118 {
        %add3A_347 = arith.addi %mul3A_2, %mul3A_116 : i32
        %add3A_348 = arith.constant 0 : i32
        %add3A_349 = arith.addi %add3A_347, %add3A_348 : i32
        %dma_wait3A_350 = arith.constant 0 : i32
        %dma_wait3A_351 = arith.constant 0 : i32
        %dma_wait3A_352 = arith.constant 0 : i32
        %dma_wait3A_353 = tpu.memref_slice %arg6[%dma_wait3A_350, %dma_wait3A_351, %dma_wait3A_352] : memref<6x128x128xf32, #tpu.memory_space<vmem>> -> memref<1x128x128xf32, #tpu.memory_space<vmem>>
        %dma_wait3A_354 = tpu.memref_squeeze %dma_wait3A_353 : memref<1x128x128xf32, #tpu.memory_space<vmem>> -> memref<128x128xf32, #tpu.memory_space<vmem>>
        %dma_wait3A_355 = arith.constant 0 : i32
        %dma_wait3A_356 = tpu.memref_slice %arg4[%add3A_349, %dma_wait3A_355] : memref<320000x128xf32, #tpu.memory_space<hbm>> -> memref<128x128xf32, #tpu.memory_space<hbm>>
        %dma_wait3A_357 = arith.constant 0 : i32
        %dma_wait3A_358 = tpu.memref_slice %arg4[%add3A_349, %dma_wait3A_357] : memref<320000x128xf32, #tpu.memory_space<hbm>> -> memref<128x128xf32, #tpu.memory_space<hbm>>
        %dma_wait3A_359 = arith.constant 0 : i32
        %dma_wait3A_360 = arith.constant 0 : i32
        %dma_wait3A_361 = tpu.memref_slice %arg6[%dma_wait3A_350, %dma_wait3A_359, %dma_wait3A_360] : memref<6x128x128xf32, #tpu.memory_space<vmem>> -> memref<1x128x128xf32, #tpu.memory_space<vmem>>
        %dma_wait3A_362 = tpu.memref_squeeze %dma_wait3A_361 : memref<1x128x128xf32, #tpu.memory_space<vmem>> -> memref<128x128xf32, #tpu.memory_space<vmem>>
        tpu.wait_dma2 semaphore(%arg8 : memref<!tpu.dma_semaphore, #tpu.memory_space<semaphore_mem>>) src(%dma_wait3A_362 : memref<128x128xf32, #tpu.memory_space<vmem>>) dst(%dma_wait3A_358 : memref<128x128xf32, #tpu.memory_space<hbm>>)
        %add3A_363 = arith.addi %mul3A_2, %mul3A_116 : i32
        %add3A_364 = arith.constant 128 : i32
        %add3A_365 = arith.addi %add3A_363, %add3A_364 : i32
        %dma_wait3A_366 = arith.constant 1 : i32
        %dma_wait3A_367 = arith.constant 0 : i32
        %dma_wait3A_368 = arith.constant 0 : i32
        %dma_wait3A_369 = tpu.memref_slice %arg6[%dma_wait3A_366, %dma_wait3A_367, %dma_wait3A_368] : memref<6x128x128xf32, #tpu.memory_space<vmem>> -> memref<1x128x128xf32, #tpu.memory_space<vmem>>
        %dma_wait3A_370 = tpu.memref_squeeze %dma_wait3A_369 : memref<1x128x128xf32, #tpu.memory_space<vmem>> -> memref<128x128xf32, #tpu.memory_space<vmem>>
        %dma_wait3A_371 = arith.constant 0 : i32
        %dma_wait3A_372 = tpu.memref_slice %arg4[%add3A_365, %dma_wait3A_371] : memref<320000x128xf32, #tpu.memory_space<hbm>> -> memref<128x128xf32, #tpu.memory_space<hbm>>
        %dma_wait3A_373 = arith.constant 0 : i32
        %dma_wait3A_374 = tpu.memref_slice %arg4[%add3A_365, %dma_wait3A_373] : memref<320000x128xf32, #tpu.memory_space<hbm>> -> memref<128x128xf32, #tpu.memory_space<hbm>>
        %dma_wait3A_375 = arith.constant 0 : i32
        %dma_wait3A_376 = arith.constant 0 : i32
        %dma_wait3A_377 = tpu.memref_slice %arg6[%dma_wait3A_366, %dma_wait3A_375, %dma_wait3A_376] : memref<6x128x128xf32, #tpu.memory_space<vmem>> -> memref<1x128x128xf32, #tpu.memory_space<vmem>>
        %dma_wait3A_378 = tpu.memref_squeeze %dma_wait3A_377 : memref<1x128x128xf32, #tpu.memory_space<vmem>> -> memref<128x128xf32, #tpu.memory_space<vmem>>
        tpu.wait_dma2 semaphore(%arg8 : memref<!tpu.dma_semaphore, #tpu.memory_space<semaphore_mem>>) src(%dma_wait3A_378 : memref<128x128xf32, #tpu.memory_space<vmem>>) dst(%dma_wait3A_374 : memref<128x128xf32, #tpu.memory_space<hbm>>)
        %add3A_379 = arith.addi %mul3A_2, %mul3A_116 : i32
        %add3A_380 = arith.constant 256 : i32
        %add3A_381 = arith.addi %add3A_379, %add3A_380 : i32
        %dma_wait3A_382 = arith.constant 2 : i32
        %dma_wait3A_383 = arith.constant 0 : i32
        %dma_wait3A_384 = arith.constant 0 : i32
        %dma_wait3A_385 = tpu.memref_slice %arg6[%dma_wait3A_382, %dma_wait3A_383, %dma_wait3A_384] : memref<6x128x128xf32, #tpu.memory_space<vmem>> -> memref<1x128x128xf32, #tpu.memory_space<vmem>>
        %dma_wait3A_386 = tpu.memref_squeeze %dma_wait3A_385 : memref<1x128x128xf32, #tpu.memory_space<vmem>> -> memref<128x128xf32, #tpu.memory_space<vmem>>
        %dma_wait3A_387 = arith.constant 0 : i32
        %dma_wait3A_388 = tpu.memref_slice %arg4[%add3A_381, %dma_wait3A_387] : memref<320000x128xf32, #tpu.memory_space<hbm>> -> memref<128x128xf32, #tpu.memory_space<hbm>>
        %dma_wait3A_389 = arith.constant 0 : i32
        %dma_wait3A_390 = tpu.memref_slice %arg4[%add3A_381, %dma_wait3A_389] : memref<320000x128xf32, #tpu.memory_space<hbm>> -> memref<128x128xf32, #tpu.memory_space<hbm>>
        %dma_wait3A_391 = arith.constant 0 : i32
        %dma_wait3A_392 = arith.constant 0 : i32
        %dma_wait3A_393 = tpu.memref_slice %arg6[%dma_wait3A_382, %dma_wait3A_391, %dma_wait3A_392] : memref<6x128x128xf32, #tpu.memory_space<vmem>> -> memref<1x128x128xf32, #tpu.memory_space<vmem>>
        %dma_wait3A_394 = tpu.memref_squeeze %dma_wait3A_393 : memref<1x128x128xf32, #tpu.memory_space<vmem>> -> memref<128x128xf32, #tpu.memory_space<vmem>>
        tpu.wait_dma2 semaphore(%arg8 : memref<!tpu.dma_semaphore, #tpu.memory_space<semaphore_mem>>) src(%dma_wait3A_394 : memref<128x128xf32, #tpu.memory_space<vmem>>) dst(%dma_wait3A_390 : memref<128x128xf32, #tpu.memory_space<hbm>>)
        %add3A_395 = arith.addi %mul3A_2, %mul3A_116 : i32
        %add3A_396 = arith.constant 384 : i32
        %add3A_397 = arith.addi %add3A_395, %add3A_396 : i32
        %dma_wait3A_398 = arith.constant 3 : i32
        %dma_wait3A_399 = arith.constant 0 : i32
        %dma_wait3A_400 = arith.constant 0 : i32
        %dma_wait3A_401 = tpu.memref_slice %arg6[%dma_wait3A_398, %dma_wait3A_399, %dma_wait3A_400] : memref<6x128x128xf32, #tpu.memory_space<vmem>> -> memref<1x128x128xf32, #tpu.memory_space<vmem>>
        %dma_wait3A_402 = tpu.memref_squeeze %dma_wait3A_401 : memref<1x128x128xf32, #tpu.memory_space<vmem>> -> memref<128x128xf32, #tpu.memory_space<vmem>>
        %dma_wait3A_403 = arith.constant 0 : i32
        %dma_wait3A_404 = tpu.memref_slice %arg4[%add3A_397, %dma_wait3A_403] : memref<320000x128xf32, #tpu.memory_space<hbm>> -> memref<128x128xf32, #tpu.memory_space<hbm>>
        %dma_wait3A_405 = arith.constant 0 : i32
        %dma_wait3A_406 = tpu.memref_slice %arg4[%add3A_397, %dma_wait3A_405] : memref<320000x128xf32, #tpu.memory_space<hbm>> -> memref<128x128xf32, #tpu.memory_space<hbm>>
        %dma_wait3A_407 = arith.constant 0 : i32
        %dma_wait3A_408 = arith.constant 0 : i32
        %dma_wait3A_409 = tpu.memref_slice %arg6[%dma_wait3A_398, %dma_wait3A_407, %dma_wait3A_408] : memref<6x128x128xf32, #tpu.memory_space<vmem>> -> memref<1x128x128xf32, #tpu.memory_space<vmem>>
        %dma_wait3A_410 = tpu.memref_squeeze %dma_wait3A_409 : memref<1x128x128xf32, #tpu.memory_space<vmem>> -> memref<128x128xf32, #tpu.memory_space<vmem>>
        tpu.wait_dma2 semaphore(%arg8 : memref<!tpu.dma_semaphore, #tpu.memory_space<semaphore_mem>>) src(%dma_wait3A_410 : memref<128x128xf32, #tpu.memory_space<vmem>>) dst(%dma_wait3A_406 : memref<128x128xf32, #tpu.memory_space<hbm>>)
        %add3A_411 = arith.addi %mul3A_2, %mul3A_116 : i32
        %add3A_412 = arith.constant 512 : i32
        %add3A_413 = arith.addi %add3A_411, %add3A_412 : i32
        %dma_wait3A_414 = arith.constant 4 : i32
        %dma_wait3A_415 = arith.constant 0 : i32
        %dma_wait3A_416 = arith.constant 0 : i32
        %dma_wait3A_417 = tpu.memref_slice %arg6[%dma_wait3A_414, %dma_wait3A_415, %dma_wait3A_416] : memref<6x128x128xf32, #tpu.memory_space<vmem>> -> memref<1x128x128xf32, #tpu.memory_space<vmem>>
        %dma_wait3A_418 = tpu.memref_squeeze %dma_wait3A_417 : memref<1x128x128xf32, #tpu.memory_space<vmem>> -> memref<128x128xf32, #tpu.memory_space<vmem>>
        %dma_wait3A_419 = arith.constant 0 : i32
        %dma_wait3A_420 = tpu.memref_slice %arg4[%add3A_413, %dma_wait3A_419] : memref<320000x128xf32, #tpu.memory_space<hbm>> -> memref<128x128xf32, #tpu.memory_space<hbm>>
        %dma_wait3A_421 = arith.constant 0 : i32
        %dma_wait3A_422 = tpu.memref_slice %arg4[%add3A_413, %dma_wait3A_421] : memref<320000x128xf32, #tpu.memory_space<hbm>> -> memref<128x128xf32, #tpu.memory_space<hbm>>
        %dma_wait3A_423 = arith.constant 0 : i32
        %dma_wait3A_424 = arith.constant 0 : i32
        %dma_wait3A_425 = tpu.memref_slice %arg6[%dma_wait3A_414, %dma_wait3A_423, %dma_wait3A_424] : memref<6x128x128xf32, #tpu.memory_space<vmem>> -> memref<1x128x128xf32, #tpu.memory_space<vmem>>
        %dma_wait3A_426 = tpu.memref_squeeze %dma_wait3A_425 : memref<1x128x128xf32, #tpu.memory_space<vmem>> -> memref<128x128xf32, #tpu.memory_space<vmem>>
        tpu.wait_dma2 semaphore(%arg8 : memref<!tpu.dma_semaphore, #tpu.memory_space<semaphore_mem>>) src(%dma_wait3A_426 : memref<128x128xf32, #tpu.memory_space<vmem>>) dst(%dma_wait3A_422 : memref<128x128xf32, #tpu.memory_space<hbm>>)
        %add3A_427 = arith.addi %mul3A_2, %mul3A_116 : i32
        %add3A_428 = arith.constant 640 : i32
        %add3A_429 = arith.addi %add3A_427, %add3A_428 : i32
        %dma_wait3A_430 = arith.constant 5 : i32
        %dma_wait3A_431 = arith.constant 0 : i32
        %dma_wait3A_432 = arith.constant 0 : i32
        %dma_wait3A_433 = tpu.memref_slice %arg6[%dma_wait3A_430, %dma_wait3A_431, %dma_wait3A_432] : memref<6x128x128xf32, #tpu.memory_space<vmem>> -> memref<1x128x128xf32, #tpu.memory_space<vmem>>
        %dma_wait3A_434 = tpu.memref_squeeze %dma_wait3A_433 : memref<1x128x128xf32, #tpu.memory_space<vmem>> -> memref<128x128xf32, #tpu.memory_space<vmem>>
        %dma_wait3A_435 = arith.constant 0 : i32
        %dma_wait3A_436 = tpu.memref_slice %arg4[%add3A_429, %dma_wait3A_435] : memref<320000x128xf32, #tpu.memory_space<hbm>> -> memref<128x128xf32, #tpu.memory_space<hbm>>
        %dma_wait3A_437 = arith.constant 0 : i32
        %dma_wait3A_438 = tpu.memref_slice %arg4[%add3A_429, %dma_wait3A_437] : memref<320000x128xf32, #tpu.memory_space<hbm>> -> memref<128x128xf32, #tpu.memory_space<hbm>>
        %dma_wait3A_439 = arith.constant 0 : i32
        %dma_wait3A_440 = arith.constant 0 : i32
        %dma_wait3A_441 = tpu.memref_slice %arg6[%dma_wait3A_430, %dma_wait3A_439, %dma_wait3A_440] : memref<6x128x128xf32, #tpu.memory_space<vmem>> -> memref<1x128x128xf32, #tpu.memory_space<vmem>>
        %dma_wait3A_442 = tpu.memref_squeeze %dma_wait3A_441 : memref<1x128x128xf32, #tpu.memory_space<vmem>> -> memref<128x128xf32, #tpu.memory_space<vmem>>
        tpu.wait_dma2 semaphore(%arg8 : memref<!tpu.dma_semaphore, #tpu.memory_space<semaphore_mem>>) src(%dma_wait3A_442 : memref<128x128xf32, #tpu.memory_space<vmem>>) dst(%dma_wait3A_438 : memref<128x128xf32, #tpu.memory_space<hbm>>)
      } else {
      }
      %add3A_119 = arith.constant 0 : i32
      %add3A_120 = arith.addi %mul3A_116, %add3A_119 : i32
      %dma_start3A_121 = arith.constant 0 : i32
      %dma_start3A_122 = arith.constant 0 : i32
      %dma_start3A_123 = arith.constant 0 : i32
      %dma_start3A_124 = tpu.memref_slice %arg6[%dma_start3A_121, %dma_start3A_122, %dma_start3A_123] : memref<6x128x128xf32, #tpu.memory_space<vmem>> -> memref<1x128x128xf32, #tpu.memory_space<vmem>>
      %dma_start3A_125 = tpu.memref_squeeze %dma_start3A_124 : memref<1x128x128xf32, #tpu.memory_space<vmem>> -> memref<128x128xf32, #tpu.memory_space<vmem>>
      %dma_start3A_126 = tpu.memref_slice %arg5[%add3A_120] : memref<10000xi32, #tpu.memory_space<vmem>> -> memref<128xi32, #tpu.memory_space<vmem>>
      %dma_start3A_127 = arith.constant 0 : i32
      %dma_start3A_128 = arith.constant 0 : i32
      %dma_start3A_129 = tpu.memref_slice %arg2[%dma_start3A_127, %dma_start3A_128] : memref<10000x128xf32, #tpu.memory_space<hbm>> -> memref<10000x128xf32, #tpu.memory_space<hbm>>
      tpu.enqueue_indirect_dma source(%dma_start3A_129 : memref<10000x128xf32, #tpu.memory_space<hbm>>) target(%dma_start3A_125 : memref<128x128xf32, #tpu.memory_space<vmem>>) offsets(%dma_start3A_126 : memref<128xi32, #tpu.memory_space<vmem>>) semaphore(%arg7 : memref<!tpu.dma_semaphore, #tpu.memory_space<semaphore_mem>>)
      %add3A_130 = arith.constant 128 : i32
      %add3A_131 = arith.addi %mul3A_116, %add3A_130 : i32
      %dma_start3A_132 = arith.constant 1 : i32
      %dma_start3A_133 = arith.constant 0 : i32
      %dma_start3A_134 = arith.constant 0 : i32
      %dma_start3A_135 = tpu.memref_slice %arg6[%dma_start3A_132, %dma_start3A_133, %dma_start3A_134] : memref<6x128x128xf32, #tpu.memory_space<vmem>> -> memref<1x128x128xf32, #tpu.memory_space<vmem>>
      %dma_start3A_136 = tpu.memref_squeeze %dma_start3A_135 : memref<1x128x128xf32, #tpu.memory_space<vmem>> -> memref<128x128xf32, #tpu.memory_space<vmem>>
      %dma_start3A_137 = tpu.memref_slice %arg5[%add3A_131] : memref<10000xi32, #tpu.memory_space<vmem>> -> memref<128xi32, #tpu.memory_space<vmem>>
      %dma_start3A_138 = arith.constant 0 : i32
      %dma_start3A_139 = arith.constant 0 : i32
      %dma_start3A_140 = tpu.memref_slice %arg2[%dma_start3A_138, %dma_start3A_139] : memref<10000x128xf32, #tpu.memory_space<hbm>> -> memref<10000x128xf32, #tpu.memory_space<hbm>>
      tpu.enqueue_indirect_dma source(%dma_start3A_140 : memref<10000x128xf32, #tpu.memory_space<hbm>>) target(%dma_start3A_136 : memref<128x128xf32, #tpu.memory_space<vmem>>) offsets(%dma_start3A_137 : memref<128xi32, #tpu.memory_space<vmem>>) semaphore(%arg7 : memref<!tpu.dma_semaphore, #tpu.memory_space<semaphore_mem>>)
      %add3A_141 = arith.constant 256 : i32
      %add3A_142 = arith.addi %mul3A_116, %add3A_141 : i32
      %dma_start3A_143 = arith.constant 2 : i32
      %dma_start3A_144 = arith.constant 0 : i32
      %dma_start3A_145 = arith.constant 0 : i32
      %dma_start3A_146 = tpu.memref_slice %arg6[%dma_start3A_143, %dma_start3A_144, %dma_start3A_145] : memref<6x128x128xf32, #tpu.memory_space<vmem>> -> memref<1x128x128xf32, #tpu.memory_space<vmem>>
      %dma_start3A_147 = tpu.memref_squeeze %dma_start3A_146 : memref<1x128x128xf32, #tpu.memory_space<vmem>> -> memref<128x128xf32, #tpu.memory_space<vmem>>
      %dma_start3A_148 = tpu.memref_slice %arg5[%add3A_142] : memref<10000xi32, #tpu.memory_space<vmem>> -> memref<128xi32, #tpu.memory_space<vmem>>
      %dma_start3A_149 = arith.constant 0 : i32
      %dma_start3A_150 = arith.constant 0 : i32
      %dma_start3A_151 = tpu.memref_slice %arg2[%dma_start3A_149, %dma_start3A_150] : memref<10000x128xf32, #tpu.memory_space<hbm>> -> memref<10000x128xf32, #tpu.memory_space<hbm>>
      tpu.enqueue_indirect_dma source(%dma_start3A_151 : memref<10000x128xf32, #tpu.memory_space<hbm>>) target(%dma_start3A_147 : memref<128x128xf32, #tpu.memory_space<vmem>>) offsets(%dma_start3A_148 : memref<128xi32, #tpu.memory_space<vmem>>) semaphore(%arg7 : memref<!tpu.dma_semaphore, #tpu.memory_space<semaphore_mem>>)
      %add3A_152 = arith.constant 384 : i32
      %add3A_153 = arith.addi %mul3A_116, %add3A_152 : i32
      %dma_start3A_154 = arith.constant 3 : i32
      %dma_start3A_155 = arith.constant 0 : i32
      %dma_start3A_156 = arith.constant 0 : i32
      %dma_start3A_157 = tpu.memref_slice %arg6[%dma_start3A_154, %dma_start3A_155, %dma_start3A_156] : memref<6x128x128xf32, #tpu.memory_space<vmem>> -> memref<1x128x128xf32, #tpu.memory_space<vmem>>
      %dma_start3A_158 = tpu.memref_squeeze %dma_start3A_157 : memref<1x128x128xf32, #tpu.memory_space<vmem>> -> memref<128x128xf32, #tpu.memory_space<vmem>>
      %dma_start3A_159 = tpu.memref_slice %arg5[%add3A_153] : memref<10000xi32, #tpu.memory_space<vmem>> -> memref<128xi32, #tpu.memory_space<vmem>>
      %dma_start3A_160 = arith.constant 0 : i32
      %dma_start3A_161 = arith.constant 0 : i32
      %dma_start3A_162 = tpu.memref_slice %arg2[%dma_start3A_160, %dma_start3A_161] : memref<10000x128xf32, #tpu.memory_space<hbm>> -> memref<10000x128xf32, #tpu.memory_space<hbm>>
      tpu.enqueue_indirect_dma source(%dma_start3A_162 : memref<10000x128xf32, #tpu.memory_space<hbm>>) target(%dma_start3A_158 : memref<128x128xf32, #tpu.memory_space<vmem>>) offsets(%dma_start3A_159 : memref<128xi32, #tpu.memory_space<vmem>>) semaphore(%arg7 : memref<!tpu.dma_semaphore, #tpu.memory_space<semaphore_mem>>)
      %add3A_163 = arith.constant 512 : i32
      %add3A_164 = arith.addi %mul3A_116, %add3A_163 : i32
      %dma_start3A_165 = arith.constant 4 : i32
      %dma_start3A_166 = arith.constant 0 : i32
      %dma_start3A_167 = arith.constant 0 : i32
      %dma_start3A_168 = tpu.memref_slice %arg6[%dma_start3A_165, %dma_start3A_166, %dma_start3A_167] : memref<6x128x128xf32, #tpu.memory_space<vmem>> -> memref<1x128x128xf32, #tpu.memory_space<vmem>>
      %dma_start3A_169 = tpu.memref_squeeze %dma_start3A_168 : memref<1x128x128xf32, #tpu.memory_space<vmem>> -> memref<128x128xf32, #tpu.memory_space<vmem>>
      %dma_start3A_170 = tpu.memref_slice %arg5[%add3A_164] : memref<10000xi32, #tpu.memory_space<vmem>> -> memref<128xi32, #tpu.memory_space<vmem>>
      %dma_start3A_171 = arith.constant 0 : i32
      %dma_start3A_172 = arith.constant 0 : i32
      %dma_start3A_173 = tpu.memref_slice %arg2[%dma_start3A_171, %dma_start3A_172] : memref<10000x128xf32, #tpu.memory_space<hbm>> -> memref<10000x128xf32, #tpu.memory_space<hbm>>
      tpu.enqueue_indirect_dma source(%dma_start3A_173 : memref<10000x128xf32, #tpu.memory_space<hbm>>) target(%dma_start3A_169 : memref<128x128xf32, #tpu.memory_space<vmem>>) offsets(%dma_start3A_170 : memref<128xi32, #tpu.memory_space<vmem>>) semaphore(%arg7 : memref<!tpu.dma_semaphore, #tpu.memory_space<semaphore_mem>>)
      %add3A_174 = arith.constant 640 : i32
      %add3A_175 = arith.addi %mul3A_116, %add3A_174 : i32
      %dma_start3A_176 = arith.constant 5 : i32
      %dma_start3A_177 = arith.constant 0 : i32
      %dma_start3A_178 = arith.constant 0 : i32
      %dma_start3A_179 = tpu.memref_slice %arg6[%dma_start3A_176, %dma_start3A_177, %dma_start3A_178] : memref<6x128x128xf32, #tpu.memory_space<vmem>> -> memref<1x128x128xf32, #tpu.memory_space<vmem>>
      %dma_start3A_180 = tpu.memref_squeeze %dma_start3A_179 : memref<1x128x128xf32, #tpu.memory_space<vmem>> -> memref<128x128xf32, #tpu.memory_space<vmem>>
      %dma_start3A_181 = tpu.memref_slice %arg5[%add3A_175] : memref<10000xi32, #tpu.memory_space<vmem>> -> memref<128xi32, #tpu.memory_space<vmem>>
      %dma_start3A_182 = arith.constant 0 : i32
      %dma_start3A_183 = arith.constant 0 : i32
      %dma_start3A_184 = tpu.memref_slice %arg2[%dma_start3A_182, %dma_start3A_183] : memref<10000x128xf32, #tpu.memory_space<hbm>> -> memref<10000x128xf32, #tpu.memory_space<hbm>>
      tpu.enqueue_indirect_dma source(%dma_start3A_184 : memref<10000x128xf32, #tpu.memory_space<hbm>>) target(%dma_start3A_180 : memref<128x128xf32, #tpu.memory_space<vmem>>) offsets(%dma_start3A_181 : memref<128xi32, #tpu.memory_space<vmem>>) semaphore(%arg7 : memref<!tpu.dma_semaphore, #tpu.memory_space<semaphore_mem>>)
      %add3A_185 = arith.constant 0 : i32
      %add3A_186 = arith.addi %mul3A_116, %add3A_185 : i32
      %dma_wait3A_187 = arith.constant 0 : i32
      %dma_wait3A_188 = arith.constant 0 : i32
      %dma_wait3A_189 = arith.constant 0 : i32
      %dma_wait3A_190 = tpu.memref_slice %arg6[%dma_wait3A_187, %dma_wait3A_188, %dma_wait3A_189] : memref<6x128x128xf32, #tpu.memory_space<vmem>> -> memref<1x128x128xf32, #tpu.memory_space<vmem>>
      %dma_wait3A_191 = tpu.memref_squeeze %dma_wait3A_190 : memref<1x128x128xf32, #tpu.memory_space<vmem>> -> memref<128x128xf32, #tpu.memory_space<vmem>>
      %dma_wait3A_192 = tpu.memref_slice %arg5[%add3A_186] : memref<10000xi32, #tpu.memory_space<vmem>> -> memref<128xi32, #tpu.memory_space<vmem>>
      %dma_wait3A_193 = arith.constant 0 : i32
      %dma_wait3A_194 = arith.constant 0 : i32
      %dma_wait3A_195 = tpu.memref_slice %arg2[%dma_wait3A_193, %dma_wait3A_194] : memref<10000x128xf32, #tpu.memory_space<hbm>> -> memref<10000x128xf32, #tpu.memory_space<hbm>>
      tpu.wait_indirect_dma semaphore(%arg7 : memref<!tpu.dma_semaphore, #tpu.memory_space<semaphore_mem>>) src(%dma_wait3A_195 : memref<10000x128xf32, #tpu.memory_space<hbm>>) dst(%dma_wait3A_191 : memref<128x128xf32, #tpu.memory_space<vmem>>)
      %add3A_196 = arith.addi %mul3A_2, %mul3A_116 : i32
      %add3A_197 = arith.constant 0 : i32
      %add3A_198 = arith.addi %add3A_196, %add3A_197 : i32
      %dma_start3A_199 = arith.constant 0 : i32
      %dma_start3A_200 = arith.constant 0 : i32
      %dma_start3A_201 = arith.constant 0 : i32
      %dma_start3A_202 = tpu.memref_slice %arg6[%dma_start3A_199, %dma_start3A_200, %dma_start3A_201] : memref<6x128x128xf32, #tpu.memory_space<vmem>> -> memref<1x128x128xf32, #tpu.memory_space<vmem>>
      %dma_start3A_203 = tpu.memref_squeeze %dma_start3A_202 : memref<1x128x128xf32, #tpu.memory_space<vmem>> -> memref<128x128xf32, #tpu.memory_space<vmem>>
      %dma_start3A_204 = arith.constant 0 : i32
      %dma_start3A_205 = tpu.memref_slice %arg4[%add3A_198, %dma_start3A_204] : memref<320000x128xf32, #tpu.memory_space<hbm>> -> memref<128x128xf32, #tpu.memory_space<hbm>>
      %dma_start3A_206 = arith.constant 0 : i32
      %dma_start3A_207 = tpu.memref_slice %arg4[%add3A_198, %dma_start3A_206] : memref<320000x128xf32, #tpu.memory_space<hbm>> -> memref<128x128xf32, #tpu.memory_space<hbm>>
      %dma_start3A_208 = arith.constant 0 : i32
      %dma_start3A_209 = arith.constant 0 : i32
      %dma_start3A_210 = tpu.memref_slice %arg6[%dma_start3A_199, %dma_start3A_208, %dma_start3A_209] : memref<6x128x128xf32, #tpu.memory_space<vmem>> -> memref<1x128x128xf32, #tpu.memory_space<vmem>>
      %dma_start3A_211 = tpu.memref_squeeze %dma_start3A_210 : memref<1x128x128xf32, #tpu.memory_space<vmem>> -> memref<128x128xf32, #tpu.memory_space<vmem>>
      tpu.enqueue_dma source(%dma_start3A_211 : memref<128x128xf32, #tpu.memory_space<vmem>>) target(%dma_start3A_207 : memref<128x128xf32, #tpu.memory_space<hbm>>) target_semaphore(%arg8 : memref<!tpu.dma_semaphore, #tpu.memory_space<semaphore_mem>>)
      %add3A_212 = arith.constant 128 : i32
      %add3A_213 = arith.addi %mul3A_116, %add3A_212 : i32
      %dma_wait3A_214 = arith.constant 1 : i32
      %dma_wait3A_215 = arith.constant 0 : i32
      %dma_wait3A_216 = arith.constant 0 : i32
      %dma_wait3A_217 = tpu.memref_slice %arg6[%dma_wait3A_214, %dma_wait3A_215, %dma_wait3A_216] : memref<6x128x128xf32, #tpu.memory_space<vmem>> -> memref<1x128x128xf32, #tpu.memory_space<vmem>>
      %dma_wait3A_218 = tpu.memref_squeeze %dma_wait3A_217 : memref<1x128x128xf32, #tpu.memory_space<vmem>> -> memref<128x128xf32, #tpu.memory_space<vmem>>
      %dma_wait3A_219 = tpu.memref_slice %arg5[%add3A_213] : memref<10000xi32, #tpu.memory_space<vmem>> -> memref<128xi32, #tpu.memory_space<vmem>>
      %dma_wait3A_220 = arith.constant 0 : i32
      %dma_wait3A_221 = arith.constant 0 : i32
      %dma_wait3A_222 = tpu.memref_slice %arg2[%dma_wait3A_220, %dma_wait3A_221] : memref<10000x128xf32, #tpu.memory_space<hbm>> -> memref<10000x128xf32, #tpu.memory_space<hbm>>
      tpu.wait_indirect_dma semaphore(%arg7 : memref<!tpu.dma_semaphore, #tpu.memory_space<semaphore_mem>>) src(%dma_wait3A_222 : memref<10000x128xf32, #tpu.memory_space<hbm>>) dst(%dma_wait3A_218 : memref<128x128xf32, #tpu.memory_space<vmem>>)
      %add3A_223 = arith.addi %mul3A_2, %mul3A_116 : i32
      %add3A_224 = arith.constant 128 : i32
      %add3A_225 = arith.addi %add3A_223, %add3A_224 : i32
      %dma_start3A_226 = arith.constant 1 : i32
      %dma_start3A_227 = arith.constant 0 : i32
      %dma_start3A_228 = arith.constant 0 : i32
      %dma_start3A_229 = tpu.memref_slice %arg6[%dma_start3A_226, %dma_start3A_227, %dma_start3A_228] : memref<6x128x128xf32, #tpu.memory_space<vmem>> -> memref<1x128x128xf32, #tpu.memory_space<vmem>>
      %dma_start3A_230 = tpu.memref_squeeze %dma_start3A_229 : memref<1x128x128xf32, #tpu.memory_space<vmem>> -> memref<128x128xf32, #tpu.memory_space<vmem>>
      %dma_start3A_231 = arith.constant 0 : i32
      %dma_start3A_232 = tpu.memref_slice %arg4[%add3A_225, %dma_start3A_231] : memref<320000x128xf32, #tpu.memory_space<hbm>> -> memref<128x128xf32, #tpu.memory_space<hbm>>
      %dma_start3A_233 = arith.constant 0 : i32
      %dma_start3A_234 = tpu.memref_slice %arg4[%add3A_225, %dma_start3A_233] : memref<320000x128xf32, #tpu.memory_space<hbm>> -> memref<128x128xf32, #tpu.memory_space<hbm>>
      %dma_start3A_235 = arith.constant 0 : i32
      %dma_start3A_236 = arith.constant 0 : i32
      %dma_start3A_237 = tpu.memref_slice %arg6[%dma_start3A_226, %dma_start3A_235, %dma_start3A_236] : memref<6x128x128xf32, #tpu.memory_space<vmem>> -> memref<1x128x128xf32, #tpu.memory_space<vmem>>
      %dma_start3A_238 = tpu.memref_squeeze %dma_start3A_237 : memref<1x128x128xf32, #tpu.memory_space<vmem>> -> memref<128x128xf32, #tpu.memory_space<vmem>>
      tpu.enqueue_dma source(%dma_start3A_238 : memref<128x128xf32, #tpu.memory_space<vmem>>) target(%dma_start3A_234 : memref<128x128xf32, #tpu.memory_space<hbm>>) target_semaphore(%arg8 : memref<!tpu.dma_semaphore, #tpu.memory_space<semaphore_mem>>)
      %add3A_239 = arith.constant 256 : i32
      %add3A_240 = arith.addi %mul3A_116, %add3A_239 : i32
      %dma_wait3A_241 = arith.constant 2 : i32
      %dma_wait3A_242 = arith.constant 0 : i32
      %dma_wait3A_243 = arith.constant 0 : i32
      %dma_wait3A_244 = tpu.memref_slice %arg6[%dma_wait3A_241, %dma_wait3A_242, %dma_wait3A_243] : memref<6x128x128xf32, #tpu.memory_space<vmem>> -> memref<1x128x128xf32, #tpu.memory_space<vmem>>
      %dma_wait3A_245 = tpu.memref_squeeze %dma_wait3A_244 : memref<1x128x128xf32, #tpu.memory_space<vmem>> -> memref<128x128xf32, #tpu.memory_space<vmem>>
      %dma_wait3A_246 = tpu.memref_slice %arg5[%add3A_240] : memref<10000xi32, #tpu.memory_space<vmem>> -> memref<128xi32, #tpu.memory_space<vmem>>
      %dma_wait3A_247 = arith.constant 0 : i32
      %dma_wait3A_248 = arith.constant 0 : i32
      %dma_wait3A_249 = tpu.memref_slice %arg2[%dma_wait3A_247, %dma_wait3A_248] : memref<10000x128xf32, #tpu.memory_space<hbm>> -> memref<10000x128xf32, #tpu.memory_space<hbm>>
      tpu.wait_indirect_dma semaphore(%arg7 : memref<!tpu.dma_semaphore, #tpu.memory_space<semaphore_mem>>) src(%dma_wait3A_249 : memref<10000x128xf32, #tpu.memory_space<hbm>>) dst(%dma_wait3A_245 : memref<128x128xf32, #tpu.memory_space<vmem>>)
      %add3A_250 = arith.addi %mul3A_2, %mul3A_116 : i32
      %add3A_251 = arith.constant 256 : i32
      %add3A_252 = arith.addi %add3A_250, %add3A_251 : i32
      %dma_start3A_253 = arith.constant 2 : i32
      %dma_start3A_254 = arith.constant 0 : i32
      %dma_start3A_255 = arith.constant 0 : i32
      %dma_start3A_256 = tpu.memref_slice %arg6[%dma_start3A_253, %dma_start3A_254, %dma_start3A_255] : memref<6x128x128xf32, #tpu.memory_space<vmem>> -> memref<1x128x128xf32, #tpu.memory_space<vmem>>
      %dma_start3A_257 = tpu.memref_squeeze %dma_start3A_256 : memref<1x128x128xf32, #tpu.memory_space<vmem>> -> memref<128x128xf32, #tpu.memory_space<vmem>>
      %dma_start3A_258 = arith.constant 0 : i32
      %dma_start3A_259 = tpu.memref_slice %arg4[%add3A_252, %dma_start3A_258] : memref<320000x128xf32, #tpu.memory_space<hbm>> -> memref<128x128xf32, #tpu.memory_space<hbm>>
      %dma_start3A_260 = arith.constant 0 : i32
      %dma_start3A_261 = tpu.memref_slice %arg4[%add3A_252, %dma_start3A_260] : memref<320000x128xf32, #tpu.memory_space<hbm>> -> memref<128x128xf32, #tpu.memory_space<hbm>>
      %dma_start3A_262 = arith.constant 0 : i32
      %dma_start3A_263 = arith.constant 0 : i32
      %dma_start3A_264 = tpu.memref_slice %arg6[%dma_start3A_253, %dma_start3A_262, %dma_start3A_263] : memref<6x128x128xf32, #tpu.memory_space<vmem>> -> memref<1x128x128xf32, #tpu.memory_space<vmem>>
      %dma_start3A_265 = tpu.memref_squeeze %dma_start3A_264 : memref<1x128x128xf32, #tpu.memory_space<vmem>> -> memref<128x128xf32, #tpu.memory_space<vmem>>
      tpu.enqueue_dma source(%dma_start3A_265 : memref<128x128xf32, #tpu.memory_space<vmem>>) target(%dma_start3A_261 : memref<128x128xf32, #tpu.memory_space<hbm>>) target_semaphore(%arg8 : memref<!tpu.dma_semaphore, #tpu.memory_space<semaphore_mem>>)
      %add3A_266 = arith.constant 384 : i32
      %add3A_267 = arith.addi %mul3A_116, %add3A_266 : i32
      %dma_wait3A_268 = arith.constant 3 : i32
      %dma_wait3A_269 = arith.constant 0 : i32
      %dma_wait3A_270 = arith.constant 0 : i32
      %dma_wait3A_271 = tpu.memref_slice %arg6[%dma_wait3A_268, %dma_wait3A_269, %dma_wait3A_270] : memref<6x128x128xf32, #tpu.memory_space<vmem>> -> memref<1x128x128xf32, #tpu.memory_space<vmem>>
      %dma_wait3A_272 = tpu.memref_squeeze %dma_wait3A_271 : memref<1x128x128xf32, #tpu.memory_space<vmem>> -> memref<128x128xf32, #tpu.memory_space<vmem>>
      %dma_wait3A_273 = tpu.memref_slice %arg5[%add3A_267] : memref<10000xi32, #tpu.memory_space<vmem>> -> memref<128xi32, #tpu.memory_space<vmem>>
      %dma_wait3A_274 = arith.constant 0 : i32
      %dma_wait3A_275 = arith.constant 0 : i32
      %dma_wait3A_276 = tpu.memref_slice %arg2[%dma_wait3A_274, %dma_wait3A_275] : memref<10000x128xf32, #tpu.memory_space<hbm>> -> memref<10000x128xf32, #tpu.memory_space<hbm>>
      tpu.wait_indirect_dma semaphore(%arg7 : memref<!tpu.dma_semaphore, #tpu.memory_space<semaphore_mem>>) src(%dma_wait3A_276 : memref<10000x128xf32, #tpu.memory_space<hbm>>) dst(%dma_wait3A_272 : memref<128x128xf32, #tpu.memory_space<vmem>>)
      %add3A_277 = arith.addi %mul3A_2, %mul3A_116 : i32
      %add3A_278 = arith.constant 384 : i32
      %add3A_279 = arith.addi %add3A_277, %add3A_278 : i32
      %dma_start3A_280 = arith.constant 3 : i32
      %dma_start3A_281 = arith.constant 0 : i32
      %dma_start3A_282 = arith.constant 0 : i32
      %dma_start3A_283 = tpu.memref_slice %arg6[%dma_start3A_280, %dma_start3A_281, %dma_start3A_282] : memref<6x128x128xf32, #tpu.memory_space<vmem>> -> memref<1x128x128xf32, #tpu.memory_space<vmem>>
      %dma_start3A_284 = tpu.memref_squeeze %dma_start3A_283 : memref<1x128x128xf32, #tpu.memory_space<vmem>> -> memref<128x128xf32, #tpu.memory_space<vmem>>
      %dma_start3A_285 = arith.constant 0 : i32
      %dma_start3A_286 = tpu.memref_slice %arg4[%add3A_279, %dma_start3A_285] : memref<320000x128xf32, #tpu.memory_space<hbm>> -> memref<128x128xf32, #tpu.memory_space<hbm>>
      %dma_start3A_287 = arith.constant 0 : i32
      %dma_start3A_288 = tpu.memref_slice %arg4[%add3A_279, %dma_start3A_287] : memref<320000x128xf32, #tpu.memory_space<hbm>> -> memref<128x128xf32, #tpu.memory_space<hbm>>
      %dma_start3A_289 = arith.constant 0 : i32
      %dma_start3A_290 = arith.constant 0 : i32
      %dma_start3A_291 = tpu.memref_slice %arg6[%dma_start3A_280, %dma_start3A_289, %dma_start3A_290] : memref<6x128x128xf32, #tpu.memory_space<vmem>> -> memref<1x128x128xf32, #tpu.memory_space<vmem>>
      %dma_start3A_292 = tpu.memref_squeeze %dma_start3A_291 : memref<1x128x128xf32, #tpu.memory_space<vmem>> -> memref<128x128xf32, #tpu.memory_space<vmem>>
      tpu.enqueue_dma source(%dma_start3A_292 : memref<128x128xf32, #tpu.memory_space<vmem>>) target(%dma_start3A_288 : memref<128x128xf32, #tpu.memory_space<hbm>>) target_semaphore(%arg8 : memref<!tpu.dma_semaphore, #tpu.memory_space<semaphore_mem>>)
      %add3A_293 = arith.constant 512 : i32
      %add3A_294 = arith.addi %mul3A_116, %add3A_293 : i32
      %dma_wait3A_295 = arith.constant 4 : i32
      %dma_wait3A_296 = arith.constant 0 : i32
      %dma_wait3A_297 = arith.constant 0 : i32
      %dma_wait3A_298 = tpu.memref_slice %arg6[%dma_wait3A_295, %dma_wait3A_296, %dma_wait3A_297] : memref<6x128x128xf32, #tpu.memory_space<vmem>> -> memref<1x128x128xf32, #tpu.memory_space<vmem>>
      %dma_wait3A_299 = tpu.memref_squeeze %dma_wait3A_298 : memref<1x128x128xf32, #tpu.memory_space<vmem>> -> memref<128x128xf32, #tpu.memory_space<vmem>>
      %dma_wait3A_300 = tpu.memref_slice %arg5[%add3A_294] : memref<10000xi32, #tpu.memory_space<vmem>> -> memref<128xi32, #tpu.memory_space<vmem>>
      %dma_wait3A_301 = arith.constant 0 : i32
      %dma_wait3A_302 = arith.constant 0 : i32
      %dma_wait3A_303 = tpu.memref_slice %arg2[%dma_wait3A_301, %dma_wait3A_302] : memref<10000x128xf32, #tpu.memory_space<hbm>> -> memref<10000x128xf32, #tpu.memory_space<hbm>>
      tpu.wait_indirect_dma semaphore(%arg7 : memref<!tpu.dma_semaphore, #tpu.memory_space<semaphore_mem>>) src(%dma_wait3A_303 : memref<10000x128xf32, #tpu.memory_space<hbm>>) dst(%dma_wait3A_299 : memref<128x128xf32, #tpu.memory_space<vmem>>)
      %add3A_304 = arith.addi %mul3A_2, %mul3A_116 : i32
      %add3A_305 = arith.constant 512 : i32
      %add3A_306 = arith.addi %add3A_304, %add3A_305 : i32
      %dma_start3A_307 = arith.constant 4 : i32
      %dma_start3A_308 = arith.constant 0 : i32
      %dma_start3A_309 = arith.constant 0 : i32
      %dma_start3A_310 = tpu.memref_slice %arg6[%dma_start3A_307, %dma_start3A_308, %dma_start3A_309] : memref<6x128x128xf32, #tpu.memory_space<vmem>> -> memref<1x128x128xf32, #tpu.memory_space<vmem>>
      %dma_start3A_311 = tpu.memref_squeeze %dma_start3A_310 : memref<1x128x128xf32, #tpu.memory_space<vmem>> -> memref<128x128xf32, #tpu.memory_space<vmem>>
      %dma_start3A_312 = arith.constant 0 : i32
      %dma_start3A_313 = tpu.memref_slice %arg4[%add3A_306, %dma_start3A_312] : memref<320000x128xf32, #tpu.memory_space<hbm>> -> memref<128x128xf32, #tpu.memory_space<hbm>>
      %dma_start3A_314 = arith.constant 0 : i32
      %dma_start3A_315 = tpu.memref_slice %arg4[%add3A_306, %dma_start3A_314] : memref<320000x128xf32, #tpu.memory_space<hbm>> -> memref<128x128xf32, #tpu.memory_space<hbm>>
      %dma_start3A_316 = arith.constant 0 : i32
      %dma_start3A_317 = arith.constant 0 : i32
      %dma_start3A_318 = tpu.memref_slice %arg6[%dma_start3A_307, %dma_start3A_316, %dma_start3A_317] : memref<6x128x128xf32, #tpu.memory_space<vmem>> -> memref<1x128x128xf32, #tpu.memory_space<vmem>>
      %dma_start3A_319 = tpu.memref_squeeze %dma_start3A_318 : memref<1x128x128xf32, #tpu.memory_space<vmem>> -> memref<128x128xf32, #tpu.memory_space<vmem>>
      tpu.enqueue_dma source(%dma_start3A_319 : memref<128x128xf32, #tpu.memory_space<vmem>>) target(%dma_start3A_315 : memref<128x128xf32, #tpu.memory_space<hbm>>) target_semaphore(%arg8 : memref<!tpu.dma_semaphore, #tpu.memory_space<semaphore_mem>>)
      %add3A_320 = arith.constant 640 : i32
      %add3A_321 = arith.addi %mul3A_116, %add3A_320 : i32
      %dma_wait3A_322 = arith.constant 5 : i32
      %dma_wait3A_323 = arith.constant 0 : i32
      %dma_wait3A_324 = arith.constant 0 : i32
      %dma_wait3A_325 = tpu.memref_slice %arg6[%dma_wait3A_322, %dma_wait3A_323, %dma_wait3A_324] : memref<6x128x128xf32, #tpu.memory_space<vmem>> -> memref<1x128x128xf32, #tpu.memory_space<vmem>>
      %dma_wait3A_326 = tpu.memref_squeeze %dma_wait3A_325 : memref<1x128x128xf32, #tpu.memory_space<vmem>> -> memref<128x128xf32, #tpu.memory_space<vmem>>
      %dma_wait3A_327 = tpu.memref_slice %arg5[%add3A_321] : memref<10000xi32, #tpu.memory_space<vmem>> -> memref<128xi32, #tpu.memory_space<vmem>>
      %dma_wait3A_328 = arith.constant 0 : i32
      %dma_wait3A_329 = arith.constant 0 : i32
      %dma_wait3A_330 = tpu.memref_slice %arg2[%dma_wait3A_328, %dma_wait3A_329] : memref<10000x128xf32, #tpu.memory_space<hbm>> -> memref<10000x128xf32, #tpu.memory_space<hbm>>
      tpu.wait_indirect_dma semaphore(%arg7 : memref<!tpu.dma_semaphore, #tpu.memory_space<semaphore_mem>>) src(%dma_wait3A_330 : memref<10000x128xf32, #tpu.memory_space<hbm>>) dst(%dma_wait3A_326 : memref<128x128xf32, #tpu.memory_space<vmem>>)
      %add3A_331 = arith.addi %mul3A_2, %mul3A_116 : i32
      %add3A_332 = arith.constant 640 : i32
      %add3A_333 = arith.addi %add3A_331, %add3A_332 : i32
      %dma_start3A_334 = arith.constant 5 : i32
      %dma_start3A_335 = arith.constant 0 : i32
      %dma_start3A_336 = arith.constant 0 : i32
      %dma_start3A_337 = tpu.memref_slice %arg6[%dma_start3A_334, %dma_start3A_335, %dma_start3A_336] : memref<6x128x128xf32, #tpu.memory_space<vmem>> -> memref<1x128x128xf32, #tpu.memory_space<vmem>>
      %dma_start3A_338 = tpu.memref_squeeze %dma_start3A_337 : memref<1x128x128xf32, #tpu.memory_space<vmem>> -> memref<128x128xf32, #tpu.memory_space<vmem>>
      %dma_start3A_339 = arith.constant 0 : i32
      %dma_start3A_340 = tpu.memref_slice %arg4[%add3A_333, %dma_start3A_339] : memref<320000x128xf32, #tpu.memory_space<hbm>> -> memref<128x128xf32, #tpu.memory_space<hbm>>
      %dma_start3A_341 = arith.constant 0 : i32
      %dma_start3A_342 = tpu.memref_slice %arg4[%add3A_333, %dma_start3A_341] : memref<320000x128xf32, #tpu.memory_space<hbm>> -> memref<128x128xf32, #tpu.memory_space<hbm>>
      %dma_start3A_343 = arith.constant 0 : i32
      %dma_start3A_344 = arith.constant 0 : i32
      %dma_start3A_345 = tpu.memref_slice %arg6[%dma_start3A_334, %dma_start3A_343, %dma_start3A_344] : memref<6x128x128xf32, #tpu.memory_space<vmem>> -> memref<1x128x128xf32, #tpu.memory_space<vmem>>
      %dma_start3A_346 = tpu.memref_squeeze %dma_start3A_345 : memref<1x128x128xf32, #tpu.memory_space<vmem>> -> memref<128x128xf32, #tpu.memory_space<vmem>>
      tpu.enqueue_dma source(%dma_start3A_346 : memref<128x128xf32, #tpu.memory_space<vmem>>) target(%dma_start3A_342 : memref<128x128xf32, #tpu.memory_space<hbm>>) target_semaphore(%arg8 : memref<!tpu.dma_semaphore, #tpu.memory_space<semaphore_mem>>)
    }
    %scan3A_7 = arith.constant 13 : i32
    %dma_wait3A = arith.constant 0 : i32
    %dma_wait3A_8 = arith.constant 0 : i32
    %dma_wait3A_9 = arith.constant 0 : i32
    %dma_wait3A_10 = tpu.memref_slice %arg6[%dma_wait3A, %dma_wait3A_8, %dma_wait3A_9] : memref<6x128x128xf32, #tpu.memory_space<vmem>> -> memref<1x128x128xf32, #tpu.memory_space<vmem>>
    %dma_wait3A_11 = tpu.memref_squeeze %dma_wait3A_10 : memref<1x128x128xf32, #tpu.memory_space<vmem>> -> memref<128x128xf32, #tpu.memory_space<vmem>>
    %dma_wait3A_12 = arith.constant 0 : i32
    %dma_wait3A_13 = tpu.memref_slice %arg4[%mul3A_2, %dma_wait3A_12] : memref<320000x128xf32, #tpu.memory_space<hbm>> -> memref<128x128xf32, #tpu.memory_space<hbm>>
    %dma_wait3A_14 = arith.constant 0 : i32
    %dma_wait3A_15 = tpu.memref_slice %arg4[%mul3A_2, %dma_wait3A_14] : memref<320000x128xf32, #tpu.memory_space<hbm>> -> memref<128x128xf32, #tpu.memory_space<hbm>>
    %dma_wait3A_16 = arith.constant 0 : i32
    %dma_wait3A_17 = arith.constant 0 : i32
    %dma_wait3A_18 = tpu.memref_slice %arg6[%dma_wait3A, %dma_wait3A_16, %dma_wait3A_17] : memref<6x128x128xf32, #tpu.memory_space<vmem>> -> memref<1x128x128xf32, #tpu.memory_space<vmem>>
    %dma_wait3A_19 = tpu.memref_squeeze %dma_wait3A_18 : memref<1x128x128xf32, #tpu.memory_space<vmem>> -> memref<128x128xf32, #tpu.memory_space<vmem>>
    tpu.wait_dma2 semaphore(%arg8 : memref<!tpu.dma_semaphore, #tpu.memory_space<semaphore_mem>>) src(%dma_wait3A_19 : memref<128x128xf32, #tpu.memory_space<vmem>>) dst(%dma_wait3A_15 : memref<128x128xf32, #tpu.memory_space<hbm>>)
    %dma_wait3A_20 = arith.constant 1 : i32
    %dma_wait3A_21 = arith.constant 0 : i32
    %dma_wait3A_22 = arith.constant 0 : i32
    %dma_wait3A_23 = tpu.memref_slice %arg6[%dma_wait3A_20, %dma_wait3A_21, %dma_wait3A_22] : memref<6x128x128xf32, #tpu.memory_space<vmem>> -> memref<1x128x128xf32, #tpu.memory_space<vmem>>
    %dma_wait3A_24 = tpu.memref_squeeze %dma_wait3A_23 : memref<1x128x128xf32, #tpu.memory_space<vmem>> -> memref<128x128xf32, #tpu.memory_space<vmem>>
    %dma_wait3A_25 = arith.constant 0 : i32
    %dma_wait3A_26 = tpu.memref_slice %arg4[%mul3A_2, %dma_wait3A_25] : memref<320000x128xf32, #tpu.memory_space<hbm>> -> memref<128x128xf32, #tpu.memory_space<hbm>>
    %dma_wait3A_27 = arith.constant 0 : i32
    %dma_wait3A_28 = tpu.memref_slice %arg4[%mul3A_2, %dma_wait3A_27] : memref<320000x128xf32, #tpu.memory_space<hbm>> -> memref<128x128xf32, #tpu.memory_space<hbm>>
    %dma_wait3A_29 = arith.constant 0 : i32
    %dma_wait3A_30 = arith.constant 0 : i32
    %dma_wait3A_31 = tpu.memref_slice %arg6[%dma_wait3A_20, %dma_wait3A_29, %dma_wait3A_30] : memref<6x128x128xf32, #tpu.memory_space<vmem>> -> memref<1x128x128xf32, #tpu.memory_space<vmem>>
    %dma_wait3A_32 = tpu.memref_squeeze %dma_wait3A_31 : memref<1x128x128xf32, #tpu.memory_space<vmem>> -> memref<128x128xf32, #tpu.memory_space<vmem>>
    tpu.wait_dma2 semaphore(%arg8 : memref<!tpu.dma_semaphore, #tpu.memory_space<semaphore_mem>>) src(%dma_wait3A_32 : memref<128x128xf32, #tpu.memory_space<vmem>>) dst(%dma_wait3A_28 : memref<128x128xf32, #tpu.memory_space<hbm>>)
    %dma_wait3A_33 = arith.constant 2 : i32
    %dma_wait3A_34 = arith.constant 0 : i32
    %dma_wait3A_35 = arith.constant 0 : i32
    %dma_wait3A_36 = tpu.memref_slice %arg6[%dma_wait3A_33, %dma_wait3A_34, %dma_wait3A_35] : memref<6x128x128xf32, #tpu.memory_space<vmem>> -> memref<1x128x128xf32, #tpu.memory_space<vmem>>
    %dma_wait3A_37 = tpu.memref_squeeze %dma_wait3A_36 : memref<1x128x128xf32, #tpu.memory_space<vmem>> -> memref<128x128xf32, #tpu.memory_space<vmem>>
    %dma_wait3A_38 = arith.constant 0 : i32
    %dma_wait3A_39 = tpu.memref_slice %arg4[%mul3A_2, %dma_wait3A_38] : memref<320000x128xf32, #tpu.memory_space<hbm>> -> memref<128x128xf32, #tpu.memory_space<hbm>>
    %dma_wait3A_40 = arith.constant 0 : i32
    %dma_wait3A_41 = tpu.memref_slice %arg4[%mul3A_2, %dma_wait3A_40] : memref<320000x128xf32, #tpu.memory_space<hbm>> -> memref<128x128xf32, #tpu.memory_space<hbm>>
    %dma_wait3A_42 = arith.constant 0 : i32
    %dma_wait3A_43 = arith.constant 0 : i32
    %dma_wait3A_44 = tpu.memref_slice %arg6[%dma_wait3A_33, %dma_wait3A_42, %dma_wait3A_43] : memref<6x128x128xf32, #tpu.memory_space<vmem>> -> memref<1x128x128xf32, #tpu.memory_space<vmem>>
    %dma_wait3A_45 = tpu.memref_squeeze %dma_wait3A_44 : memref<1x128x128xf32, #tpu.memory_space<vmem>> -> memref<128x128xf32, #tpu.memory_space<vmem>>
    tpu.wait_dma2 semaphore(%arg8 : memref<!tpu.dma_semaphore, #tpu.memory_space<semaphore_mem>>) src(%dma_wait3A_45 : memref<128x128xf32, #tpu.memory_space<vmem>>) dst(%dma_wait3A_41 : memref<128x128xf32, #tpu.memory_space<hbm>>)
    %dma_wait3A_46 = arith.constant 3 : i32
    %dma_wait3A_47 = arith.constant 0 : i32
    %dma_wait3A_48 = arith.constant 0 : i32
    %dma_wait3A_49 = tpu.memref_slice %arg6[%dma_wait3A_46, %dma_wait3A_47, %dma_wait3A_48] : memref<6x128x128xf32, #tpu.memory_space<vmem>> -> memref<1x128x128xf32, #tpu.memory_space<vmem>>
    %dma_wait3A_50 = tpu.memref_squeeze %dma_wait3A_49 : memref<1x128x128xf32, #tpu.memory_space<vmem>> -> memref<128x128xf32, #tpu.memory_space<vmem>>
    %dma_wait3A_51 = arith.constant 0 : i32
    %dma_wait3A_52 = tpu.memref_slice %arg4[%mul3A_2, %dma_wait3A_51] : memref<320000x128xf32, #tpu.memory_space<hbm>> -> memref<128x128xf32, #tpu.memory_space<hbm>>
    %dma_wait3A_53 = arith.constant 0 : i32
    %dma_wait3A_54 = tpu.memref_slice %arg4[%mul3A_2, %dma_wait3A_53] : memref<320000x128xf32, #tpu.memory_space<hbm>> -> memref<128x128xf32, #tpu.memory_space<hbm>>
    %dma_wait3A_55 = arith.constant 0 : i32
    %dma_wait3A_56 = arith.constant 0 : i32
    %dma_wait3A_57 = tpu.memref_slice %arg6[%dma_wait3A_46, %dma_wait3A_55, %dma_wait3A_56] : memref<6x128x128xf32, #tpu.memory_space<vmem>> -> memref<1x128x128xf32, #tpu.memory_space<vmem>>
    %dma_wait3A_58 = tpu.memref_squeeze %dma_wait3A_57 : memref<1x128x128xf32, #tpu.memory_space<vmem>> -> memref<128x128xf32, #tpu.memory_space<vmem>>
    tpu.wait_dma2 semaphore(%arg8 : memref<!tpu.dma_semaphore, #tpu.memory_space<semaphore_mem>>) src(%dma_wait3A_58 : memref<128x128xf32, #tpu.memory_space<vmem>>) dst(%dma_wait3A_54 : memref<128x128xf32, #tpu.memory_space<hbm>>)
    %dma_wait3A_59 = arith.constant 4 : i32
    %dma_wait3A_60 = arith.constant 0 : i32
    %dma_wait3A_61 = arith.constant 0 : i32
    %dma_wait3A_62 = tpu.memref_slice %arg6[%dma_wait3A_59, %dma_wait3A_60, %dma_wait3A_61] : memref<6x128x128xf32, #tpu.memory_space<vmem>> -> memref<1x128x128xf32, #tpu.memory_space<vmem>>
    %dma_wait3A_63 = tpu.memref_squeeze %dma_wait3A_62 : memref<1x128x128xf32, #tpu.memory_space<vmem>> -> memref<128x128xf32, #tpu.memory_space<vmem>>
    %dma_wait3A_64 = arith.constant 0 : i32
    %dma_wait3A_65 = tpu.memref_slice %arg4[%mul3A_2, %dma_wait3A_64] : memref<320000x128xf32, #tpu.memory_space<hbm>> -> memref<128x128xf32, #tpu.memory_space<hbm>>
    %dma_wait3A_66 = arith.constant 0 : i32
    %dma_wait3A_67 = tpu.memref_slice %arg4[%mul3A_2, %dma_wait3A_66] : memref<320000x128xf32, #tpu.memory_space<hbm>> -> memref<128x128xf32, #tpu.memory_space<hbm>>
    %dma_wait3A_68 = arith.constant 0 : i32
    %dma_wait3A_69 = arith.constant 0 : i32
    %dma_wait3A_70 = tpu.memref_slice %arg6[%dma_wait3A_59, %dma_wait3A_68, %dma_wait3A_69] : memref<6x128x128xf32, #tpu.memory_space<vmem>> -> memref<1x128x128xf32, #tpu.memory_space<vmem>>
    %dma_wait3A_71 = tpu.memref_squeeze %dma_wait3A_70 : memref<1x128x128xf32, #tpu.memory_space<vmem>> -> memref<128x128xf32, #tpu.memory_space<vmem>>
    tpu.wait_dma2 semaphore(%arg8 : memref<!tpu.dma_semaphore, #tpu.memory_space<semaphore_mem>>) src(%dma_wait3A_71 : memref<128x128xf32, #tpu.memory_space<vmem>>) dst(%dma_wait3A_67 : memref<128x128xf32, #tpu.memory_space<hbm>>)
    %dma_wait3A_72 = arith.constant 5 : i32
    %dma_wait3A_73 = arith.constant 0 : i32
    %dma_wait3A_74 = arith.constant 0 : i32
    %dma_wait3A_75 = tpu.memref_slice %arg6[%dma_wait3A_72, %dma_wait3A_73, %dma_wait3A_74] : memref<6x128x128xf32, #tpu.memory_space<vmem>> -> memref<1x128x128xf32, #tpu.memory_space<vmem>>
    %dma_wait3A_76 = tpu.memref_squeeze %dma_wait3A_75 : memref<1x128x128xf32, #tpu.memory_space<vmem>> -> memref<128x128xf32, #tpu.memory_space<vmem>>
    %dma_wait3A_77 = arith.constant 0 : i32
    %dma_wait3A_78 = tpu.memref_slice %arg4[%mul3A_2, %dma_wait3A_77] : memref<320000x128xf32, #tpu.memory_space<hbm>> -> memref<128x128xf32, #tpu.memory_space<hbm>>
    %dma_wait3A_79 = arith.constant 0 : i32
    %dma_wait3A_80 = tpu.memref_slice %arg4[%mul3A_2, %dma_wait3A_79] : memref<320000x128xf32, #tpu.memory_space<hbm>> -> memref<128x128xf32, #tpu.memory_space<hbm>>
    %dma_wait3A_81 = arith.constant 0 : i32
    %dma_wait3A_82 = arith.constant 0 : i32
    %dma_wait3A_83 = tpu.memref_slice %arg6[%dma_wait3A_72, %dma_wait3A_81, %dma_wait3A_82] : memref<6x128x128xf32, #tpu.memory_space<vmem>> -> memref<1x128x128xf32, #tpu.memory_space<vmem>>
    %dma_wait3A_84 = tpu.memref_squeeze %dma_wait3A_83 : memref<1x128x128xf32, #tpu.memory_space<vmem>> -> memref<128x128xf32, #tpu.memory_space<vmem>>
    tpu.wait_dma2 semaphore(%arg8 : memref<!tpu.dma_semaphore, #tpu.memory_space<semaphore_mem>>) src(%dma_wait3A_84 : memref<128x128xf32, #tpu.memory_space<vmem>>) dst(%dma_wait3A_80 : memref<128x128xf32, #tpu.memory_space<hbm>>)
    %dma_start3A = arith.constant 0 : i32
    %dma_start3A_85 = arith.constant 0 : i32
    %dma_start3A_86 = arith.constant 0 : i32
    %dma_start3A_87 = tpu.memref_slice %arg6[%dma_start3A, %dma_start3A_85, %dma_start3A_86] : memref<6x128x128xf32, #tpu.memory_space<vmem>> -> memref<1x128x128xf32, #tpu.memory_space<vmem>>
    %dma_start3A_88 = tpu.memref_squeeze %dma_start3A_87 : memref<1x128x128xf32, #tpu.memory_space<vmem>> -> memref<128x128xf32, #tpu.memory_space<vmem>>
    %dma_start3A_89 = arith.constant 0 : i32
    %dma_start3A_90 = arith.constant 0 : i32
    %dma_start3A_91 = tpu.memref_slice %dma_start3A_88[%dma_start3A_89, %dma_start3A_90] : memref<128x128xf32, #tpu.memory_space<vmem>> -> memref<16x128xf32, #tpu.memory_space<vmem>>
    %dma_start3A_92 = arith.constant 9984 : i32
    %dma_start3A_93 = tpu.memref_slice %arg5[%dma_start3A_92] : memref<10000xi32, #tpu.memory_space<vmem>> -> memref<16xi32, #tpu.memory_space<vmem>>
    %dma_start3A_94 = arith.constant 0 : i32
    %dma_start3A_95 = arith.constant 0 : i32
    %dma_start3A_96 = tpu.memref_slice %arg2[%dma_start3A_94, %dma_start3A_95] : memref<10000x128xf32, #tpu.memory_space<hbm>> -> memref<10000x128xf32, #tpu.memory_space<hbm>>
    tpu.enqueue_indirect_dma source(%dma_start3A_96 : memref<10000x128xf32, #tpu.memory_space<hbm>>) target(%dma_start3A_91 : memref<16x128xf32, #tpu.memory_space<vmem>>) offsets(%dma_start3A_93 : memref<16xi32, #tpu.memory_space<vmem>>) semaphore(%arg7 : memref<!tpu.dma_semaphore, #tpu.memory_space<semaphore_mem>>)
    %dma_wait3A_97 = arith.constant 0 : i32
    %dma_wait3A_98 = arith.constant 0 : i32
    %dma_wait3A_99 = arith.constant 0 : i32
    %dma_wait3A_100 = tpu.memref_slice %arg6[%dma_wait3A_97, %dma_wait3A_98, %dma_wait3A_99] : memref<6x128x128xf32, #tpu.memory_space<vmem>> -> memref<1x128x128xf32, #tpu.memory_space<vmem>>
    %dma_wait3A_101 = tpu.memref_squeeze %dma_wait3A_100 : memref<1x128x128xf32, #tpu.memory_space<vmem>> -> memref<128x128xf32, #tpu.memory_space<vmem>>
    %dma_wait3A_102 = arith.constant 0 : i32
    %dma_wait3A_103 = arith.constant 0 : i32
    %dma_wait3A_104 = tpu.memref_slice %dma_wait3A_101[%dma_wait3A_102, %dma_wait3A_103] : memref<128x128xf32, #tpu.memory_space<vmem>> -> memref<16x128xf32, #tpu.memory_space<vmem>>
    %dma_wait3A_105 = arith.constant 9984 : i32
    %dma_wait3A_106 = tpu.memref_slice %arg5[%dma_wait3A_105] : memref<10000xi32, #tpu.memory_space<vmem>> -> memref<16xi32, #tpu.memory_space<vmem>>
    %dma_wait3A_107 = arith.constant 0 : i32
    %dma_wait3A_108 = arith.constant 0 : i32
    %dma_wait3A_109 = tpu.memref_slice %arg2[%dma_wait3A_107, %dma_wait3A_108] : memref<10000x128xf32, #tpu.memory_space<hbm>> -> memref<10000x128xf32, #tpu.memory_space<hbm>>
    tpu.wait_indirect_dma semaphore(%arg7 : memref<!tpu.dma_semaphore, #tpu.memory_space<semaphore_mem>>) src(%dma_wait3A_109 : memref<10000x128xf32, #tpu.memory_space<hbm>>) dst(%dma_wait3A_104 : memref<16x128xf32, #tpu.memory_space<vmem>>)
    %add3A_110 = arith.constant 9984 : i32
    %add3A_111 = arith.addi %mul3A_2, %add3A_110 : i32
    %run_scoped3A = arith.constant 0 : i32
    "tpu.region"() ({
      %run_scoped3A_112 = tpu.sem_alloc : memref<!tpu.dma_semaphore, #tpu.memory_space<semaphore_mem>>
      %dma_start3A_113 = arith.constant 0 : i32
      %dma_start3A_114 = arith.constant 0 : i32
      %dma_start3A_115 = tpu.memref_slice %arg6[%run_scoped3A, %dma_start3A_113, %dma_start3A_114] : memref<6x128x128xf32, #tpu.memory_space<vmem>> -> memref<1x128x128xf32, #tpu.memory_space<vmem>>
      %dma_start3A_116 = tpu.memref_squeeze %dma_start3A_115 : memref<1x128x128xf32, #tpu.memory_space<vmem>> -> memref<128x128xf32, #tpu.memory_space<vmem>>
      %dma_start3A_117 = arith.constant 0 : i32
      %dma_start3A_118 = arith.constant 0 : i32
      %dma_start3A_119 = tpu.memref_slice %dma_start3A_116[%dma_start3A_117, %dma_start3A_118] : memref<128x128xf32, #tpu.memory_space<vmem>> -> memref<16x128xf32, #tpu.memory_space<vmem>>
      %dma_start3A_120 = arith.constant 0 : i32
      %dma_start3A_121 = tpu.memref_slice %arg4[%add3A_111, %dma_start3A_120] : memref<320000x128xf32, #tpu.memory_space<hbm>> -> memref<16x128xf32, #tpu.memory_space<hbm>>
      %dma_start3A_122 = arith.constant 0 : i32
      %dma_start3A_123 = tpu.memref_slice %arg4[%add3A_111, %dma_start3A_122] : memref<320000x128xf32, #tpu.memory_space<hbm>> -> memref<16x128xf32, #tpu.memory_space<hbm>>
      %dma_start3A_124 = arith.constant 0 : i32
      %dma_start3A_125 = arith.constant 0 : i32
      %dma_start3A_126 = tpu.memref_slice %arg6[%run_scoped3A, %dma_start3A_124, %dma_start3A_125] : memref<6x128x128xf32, #tpu.memory_space<vmem>> -> memref<1x128x128xf32, #tpu.memory_space<vmem>>
      %dma_start3A_127 = tpu.memref_squeeze %dma_start3A_126 : memref<1x128x128xf32, #tpu.memory_space<vmem>> -> memref<128x128xf32, #tpu.memory_space<vmem>>
      %dma_start3A_128 = arith.constant 0 : i32
      %dma_start3A_129 = arith.constant 0 : i32
      %dma_start3A_130 = tpu.memref_slice %dma_start3A_127[%dma_start3A_128, %dma_start3A_129] : memref<128x128xf32, #tpu.memory_space<vmem>> -> memref<16x128xf32, #tpu.memory_space<vmem>>
      tpu.enqueue_dma source(%dma_start3A_130 : memref<16x128xf32, #tpu.memory_space<vmem>>) target(%dma_start3A_123 : memref<16x128xf32, #tpu.memory_space<hbm>>) target_semaphore(%run_scoped3A_112 : memref<!tpu.dma_semaphore, #tpu.memory_space<semaphore_mem>>)
      %dma_wait3A_131 = arith.constant 0 : i32
      %dma_wait3A_132 = arith.constant 0 : i32
      %dma_wait3A_133 = tpu.memref_slice %arg6[%run_scoped3A, %dma_wait3A_131, %dma_wait3A_132] : memref<6x128x128xf32, #tpu.memory_space<vmem>> -> memref<1x128x128xf32, #tpu.memory_space<vmem>>
      %dma_wait3A_134 = tpu.memref_squeeze %dma_wait3A_133 : memref<1x128x128xf32, #tpu.memory_space<vmem>> -> memref<128x128xf32, #tpu.memory_space<vmem>>
      %dma_wait3A_135 = arith.constant 0 : i32
      %dma_wait3A_136 = arith.constant 0 : i32
      %dma_wait3A_137 = tpu.memref_slice %dma_wait3A_134[%dma_wait3A_135, %dma_wait3A_136] : memref<128x128xf32, #tpu.memory_space<vmem>> -> memref<16x128xf32, #tpu.memory_space<vmem>>
      %dma_wait3A_138 = arith.constant 0 : i32
      %dma_wait3A_139 = tpu.memref_slice %arg4[%add3A_111, %dma_wait3A_138] : memref<320000x128xf32, #tpu.memory_space<hbm>> -> memref<16x128xf32, #tpu.memory_space<hbm>>
      %dma_wait3A_140 = arith.constant 0 : i32
      %dma_wait3A_141 = tpu.memref_slice %arg4[%add3A_111, %dma_wait3A_140] : memref<320000x128xf32, #tpu.memory_space<hbm>> -> memref<16x128xf32, #tpu.memory_space<hbm>>
      %dma_wait3A_142 = arith.constant 0 : i32
      %dma_wait3A_143 = arith.constant 0 : i32
      %dma_wait3A_144 = tpu.memref_slice %arg6[%run_scoped3A, %dma_wait3A_142, %dma_wait3A_143] : memref<6x128x128xf32, #tpu.memory_space<vmem>> -> memref<1x128x128xf32, #tpu.memory_space<vmem>>
      %dma_wait3A_145 = tpu.memref_squeeze %dma_wait3A_144 : memref<1x128x128xf32, #tpu.memory_space<vmem>> -> memref<128x128xf32, #tpu.memory_space<vmem>>
      %dma_wait3A_146 = arith.constant 0 : i32
      %dma_wait3A_147 = arith.constant 0 : i32
      %dma_wait3A_148 = tpu.memref_slice %dma_wait3A_145[%dma_wait3A_146, %dma_wait3A_147] : memref<128x128xf32, #tpu.memory_space<vmem>> -> memref<16x128xf32, #tpu.memory_space<vmem>>
      tpu.wait_dma2 semaphore(%run_scoped3A_112 : memref<!tpu.dma_semaphore, #tpu.memory_space<semaphore_mem>>) src(%dma_wait3A_148 : memref<16x128xf32, #tpu.memory_space<vmem>>) dst(%dma_wait3A_141 : memref<16x128xf32, #tpu.memory_space<hbm>>)
      tpu.yield
    }) : () -> ()
    return
  }
}

#map = affine_map<(d0, d1) -> (0, 0)>
#map1 = affine_map<(d0, d1) -> (0)>
module attributes {stable_mosaic.version = 14 : i64} {
  func.func @gather(%arg0: i32, %arg1: i32, %arg2: memref<10000x128xf32, #tpu.memory_space<hbm>>, %arg3: memref<320000xi32, #tpu.memory_space<hbm>>, %arg4: memref<320000x128xf32, #tpu.memory_space<hbm>>, %arg5: memref<10000xi32, #tpu.memory_space<vmem>>, %arg6: memref<6x128x128xf32, #tpu.memory_space<vmem>>, %arg7: memref<!tpu.dma_semaphore, #tpu.memory_space<semaphore_mem>>, %arg8: memref<!tpu.dma_semaphore, #tpu.memory_space<semaphore_mem>>) attributes {dimension_semantics = [#tpu.dimension_semantics<core_parallel>, #tpu.dimension_semantics<subcore_parallel>], iteration_bounds = array<i64: 2, 16>, scalar_prefetch = 0 : i64, scratch_operands = 4 : i64, tpu.core_type = #tpu.core_type<sc_vector_subcore>, window_params = [{transform_indices = #map}, {transform_indices = #map1}, {transform_indices = #map}]} {
    %mul3A = arith.constant 2 : i32
    %mul3A_0 = arith.muli %arg1, %mul3A : i32
    %add3A = arith.addi %mul3A_0, %arg0 : i32
    %mul3A_1 = arith.constant 10000 : i32
    %mul3A_2 = arith.muli %add3A, %mul3A_1 : i32
    "tpu.region"() ({
      %run_scoped3A_112 = tpu.sem_alloc : memref<!tpu.dma_semaphore, #tpu.memory_space<semaphore_mem>>
      %dma_start3A_113 = tpu.memref_slice %arg3[%mul3A_2] : memref<320000xi32, #tpu.memory_space<hbm>> -> memref<10000xi32, #tpu.memory_space<hbm>>
      %dma_start3A_114 = tpu.memref_slice %arg3[%mul3A_2] : memref<320000xi32, #tpu.memory_space<hbm>> -> memref<10000xi32, #tpu.memory_space<hbm>>
      tpu.enqueue_dma source(%dma_start3A_114 : memref<10000xi32, #tpu.memory_space<hbm>>) target(%arg5 : memref<10000xi32, #tpu.memory_space<vmem>>) target_semaphore(%run_scoped3A_112 : memref<!tpu.dma_semaphore, #tpu.memory_space<semaphore_mem>>)
      %dma_wait3A_115 = tpu.memref_slice %arg3[%mul3A_2] : memref<320000xi32, #tpu.memory_space<hbm>> -> memref<10000xi32, #tpu.memory_space<hbm>>
      %dma_wait3A_116 = tpu.memref_slice %arg3[%mul3A_2] : memref<320000xi32, #tpu.memory_space<hbm>> -> memref<10000xi32, #tpu.memory_space<hbm>>
      tpu.wait_dma2 semaphore(%run_scoped3A_112 : memref<!tpu.dma_semaphore, #tpu.memory_space<semaphore_mem>>) src(%dma_wait3A_116 : memref<10000xi32, #tpu.memory_space<hbm>>) dst(%arg5 : memref<10000xi32, #tpu.memory_space<vmem>>)
      tpu.yield
    }) : () -> ()
    %scan3A = arith.constant 0 : i32
    %scan3A_3 = arith.constant 0 : i32
    %scan3A_4 = arith.constant 13 : i32
    %scan3A_5 = arith.addi %scan3A_3, %scan3A_4 : i32
    %scan3A_6 = arith.constant 1 : i32
    scf.for %scan3A_112 = %scan3A_3 to %scan3A_5 step %scan3A_6  : i32 {
      %mul3A_113 = arith.constant 6 : i32
      %mul3A_114 = arith.muli %scan3A_112, %mul3A_113 : i32
      %mul3A_115 = arith.constant 128 : i32
      %mul3A_116 = arith.muli %mul3A_114, %mul3A_115 : i32
      %gt3A = arith.constant 0 : i32
      %gt3A_117 = arith.cmpi sgt, %scan3A_112, %gt3A : i32
      %convert_element_type3A = arith.extui %gt3A_117 : i1 to i32
      %cond3A = arith.constant 0 : i32
      %cond3A_118 = arith.cmpi ne, %convert_element_type3A, %cond3A : i32
      scf.if %cond3A_118 {
        %add3A_347 = arith.addi %mul3A_2, %mul3A_116 : i32
        %add3A_348 = arith.constant 0 : i32
        %add3A_349 = arith.addi %add3A_347, %add3A_348 : i32
        %dma_wait3A_350 = arith.constant 0 : i32
        %dma_wait3A_351 = arith.constant 0 : i32
        %dma_wait3A_352 = arith.constant 0 : i32
        %dma_wait3A_353 = tpu.memref_slice %arg6[%dma_wait3A_350, %dma_wait3A_351, %dma_wait3A_352] : memref<6x128x128xf32, #tpu.memory_space<vmem>> -> memref<1x128x128xf32, #tpu.memory_space<vmem>>
        %dma_wait3A_354 = tpu.memref_squeeze %dma_wait3A_353 : memref<1x128x128xf32, #tpu.memory_space<vmem>> -> memref<128x128xf32, #tpu.memory_space<vmem>>
        %dma_wait3A_355 = arith.constant 0 : i32
        %dma_wait3A_356 = tpu.memref_slice %arg4[%add3A_349, %dma_wait3A_355] : memref<320000x128xf32, #tpu.memory_space<hbm>> -> memref<128x128xf32, #tpu.memory_space<hbm>>
        %dma_wait3A_357 = arith.constant 0 : i32
        %dma_wait3A_358 = tpu.memref_slice %arg4[%add3A_349, %dma_wait3A_357] : memref<320000x128xf32, #tpu.memory_space<hbm>> -> memref<128x128xf32, #tpu.memory_space<hbm>>
        %dma_wait3A_359 = arith.constant 0 : i32
        %dma_wait3A_360 = arith.constant 0 : i32
        %dma_wait3A_361 = tpu.memref_slice %arg6[%dma_wait3A_350, %dma_wait3A_359, %dma_wait3A_360] : memref<6x128x128xf32, #tpu.memory_space<vmem>> -> memref<1x128x128xf32, #tpu.memory_space<vmem>>
        %dma_wait3A_362 = tpu.memref_squeeze %dma_wait3A_361 : memref<1x128x128xf32, #tpu.memory_space<vmem>> -> memref<128x128xf32, #tpu.memory_space<vmem>>
        tpu.wait_dma2 semaphore(%arg8 : memref<!tpu.dma_semaphore, #tpu.memory_space<semaphore_mem>>) src(%dma_wait3A_362 : memref<128x128xf32, #tpu.memory_space<vmem>>) dst(%dma_wait3A_358 : memref<128x128xf32, #tpu.memory_space<hbm>>)
        %add3A_363 = arith.addi %mul3A_2, %mul3A_116 : i32
        %add3A_364 = arith.constant 128 : i32
        %add3A_365 = arith.addi %add3A_363, %add3A_364 : i32
        %dma_wait3A_366 = arith.constant 1 : i32
        %dma_wait3A_367 = arith.constant 0 : i32
        %dma_wait3A_368 = arith.constant 0 : i32
        %dma_wait3A_369 = tpu.memref_slice %arg6[%dma_wait3A_366, %dma_wait3A_367, %dma_wait3A_368] : memref<6x128x128xf32, #tpu.memory_space<vmem>> -> memref<1x128x128xf32, #tpu.memory_space<vmem>>
        %dma_wait3A_370 = tpu.memref_squeeze %dma_wait3A_369 : memref<1x128x128xf32, #tpu.memory_space<vmem>> -> memref<128x128xf32, #tpu.memory_space<vmem>>
        %dma_wait3A_371 = arith.constant 0 : i32
        %dma_wait3A_372 = tpu.memref_slice %arg4[%add3A_365, %dma_wait3A_371] : memref<320000x128xf32, #tpu.memory_space<hbm>> -> memref<128x128xf32, #tpu.memory_space<hbm>>
        %dma_wait3A_373 = arith.constant 0 : i32
        %dma_wait3A_374 = tpu.memref_slice %arg4[%add3A_365, %dma_wait3A_373] : memref<320000x128xf32, #tpu.memory_space<hbm>> -> memref<128x128xf32, #tpu.memory_space<hbm>>
        %dma_wait3A_375 = arith.constant 0 : i32
        %dma_wait3A_376 = arith.constant 0 : i32
        %dma_wait3A_377 = tpu.memref_slice %arg6[%dma_wait3A_366, %dma_wait3A_375, %dma_wait3A_376] : memref<6x128x128xf32, #tpu.memory_space<vmem>> -> memref<1x128x128xf32, #tpu.memory_space<vmem>>
        %dma_wait3A_378 = tpu.memref_squeeze %dma_wait3A_377 : memref<1x128x128xf32, #tpu.memory_space<vmem>> -> memref<128x128xf32, #tpu.memory_space<vmem>>
        tpu.wait_dma2 semaphore(%arg8 : memref<!tpu.dma_semaphore, #tpu.memory_space<semaphore_mem>>) src(%dma_wait3A_378 : memref<128x128xf32, #tpu.memory_space<vmem>>) dst(%dma_wait3A_374 : memref<128x128xf32, #tpu.memory_space<hbm>>)
        %add3A_379 = arith.addi %mul3A_2, %mul3A_116 : i32
        %add3A_380 = arith.constant 256 : i32
        %add3A_381 = arith.addi %add3A_379, %add3A_380 : i32
        %dma_wait3A_382 = arith.constant 2 : i32
        %dma_wait3A_383 = arith.constant 0 : i32
        %dma_wait3A_384 = arith.constant 0 : i32
        %dma_wait3A_385 = tpu.memref_slice %arg6[%dma_wait3A_382, %dma_wait3A_383, %dma_wait3A_384] : memref<6x128x128xf32, #tpu.memory_space<vmem>> -> memref<1x128x128xf32, #tpu.memory_space<vmem>>
        %dma_wait3A_386 = tpu.memref_squeeze %dma_wait3A_385 : memref<1x128x128xf32, #tpu.memory_space<vmem>> -> memref<128x128xf32, #tpu.memory_space<vmem>>
        %dma_wait3A_387 = arith.constant 0 : i32
        %dma_wait3A_388 = tpu.memref_slice %arg4[%add3A_381, %dma_wait3A_387] : memref<320000x128xf32, #tpu.memory_space<hbm>> -> memref<128x128xf32, #tpu.memory_space<hbm>>
        %dma_wait3A_389 = arith.constant 0 : i32
        %dma_wait3A_390 = tpu.memref_slice %arg4[%add3A_381, %dma_wait3A_389] : memref<320000x128xf32, #tpu.memory_space<hbm>> -> memref<128x128xf32, #tpu.memory_space<hbm>>
        %dma_wait3A_391 = arith.constant 0 : i32
        %dma_wait3A_392 = arith.constant 0 : i32
        %dma_wait3A_393 = tpu.memref_slice %arg6[%dma_wait3A_382, %dma_wait3A_391, %dma_wait3A_392] : memref<6x128x128xf32, #tpu.memory_space<vmem>> -> memref<1x128x128xf32, #tpu.memory_space<vmem>>
        %dma_wait3A_394 = tpu.memref_squeeze %dma_wait3A_393 : memref<1x128x128xf32, #tpu.memory_space<vmem>> -> memref<128x128xf32, #tpu.memory_space<vmem>>
        tpu.wait_dma2 semaphore(%arg8 : memref<!tpu.dma_semaphore, #tpu.memory_space<semaphore_mem>>) src(%dma_wait3A_394 : memref<128x128xf32, #tpu.memory_space<vmem>>) dst(%dma_wait3A_390 : memref<128x128xf32, #tpu.memory_space<hbm>>)
        %add3A_395 = arith.addi %mul3A_2, %mul3A_116 : i32
        %add3A_396 = arith.constant 384 : i32
        %add3A_397 = arith.addi %add3A_395, %add3A_396 : i32
        %dma_wait3A_398 = arith.constant 3 : i32
        %dma_wait3A_399 = arith.constant 0 : i32
        %dma_wait3A_400 = arith.constant 0 : i32
        %dma_wait3A_401 = tpu.memref_slice %arg6[%dma_wait3A_398, %dma_wait3A_399, %dma_wait3A_400] : memref<6x128x128xf32, #tpu.memory_space<vmem>> -> memref<1x128x128xf32, #tpu.memory_space<vmem>>
        %dma_wait3A_402 = tpu.memref_squeeze %dma_wait3A_401 : memref<1x128x128xf32, #tpu.memory_space<vmem>> -> memref<128x128xf32, #tpu.memory_space<vmem>>
        %dma_wait3A_403 = arith.constant 0 : i32
        %dma_wait3A_404 = tpu.memref_slice %arg4[%add3A_397, %dma_wait3A_403] : memref<320000x128xf32, #tpu.memory_space<hbm>> -> memref<128x128xf32, #tpu.memory_space<hbm>>
        %dma_wait3A_405 = arith.constant 0 : i32
        %dma_wait3A_406 = tpu.memref_slice %arg4[%add3A_397, %dma_wait3A_405] : memref<320000x128xf32, #tpu.memory_space<hbm>> -> memref<128x128xf32, #tpu.memory_space<hbm>>
        %dma_wait3A_407 = arith.constant 0 : i32
        %dma_wait3A_408 = arith.constant 0 : i32
        %dma_wait3A_409 = tpu.memref_slice %arg6[%dma_wait3A_398, %dma_wait3A_407, %dma_wait3A_408] : memref<6x128x128xf32, #tpu.memory_space<vmem>> -> memref<1x128x128xf32, #tpu.memory_space<vmem>>
        %dma_wait3A_410 = tpu.memref_squeeze %dma_wait3A_409 : memref<1x128x128xf32, #tpu.memory_space<vmem>> -> memref<128x128xf32, #tpu.memory_space<vmem>>
        tpu.wait_dma2 semaphore(%arg8 : memref<!tpu.dma_semaphore, #tpu.memory_space<semaphore_mem>>) src(%dma_wait3A_410 : memref<128x128xf32, #tpu.memory_space<vmem>>) dst(%dma_wait3A_406 : memref<128x128xf32, #tpu.memory_space<hbm>>)
        %add3A_411 = arith.addi %mul3A_2, %mul3A_116 : i32
        %add3A_412 = arith.constant 512 : i32
        %add3A_413 = arith.addi %add3A_411, %add3A_412 : i32
        %dma_wait3A_414 = arith.constant 4 : i32
        %dma_wait3A_415 = arith.constant 0 : i32
        %dma_wait3A_416 = arith.constant 0 : i32
        %dma_wait3A_417 = tpu.memref_slice %arg6[%dma_wait3A_414, %dma_wait3A_415, %dma_wait3A_416] : memref<6x128x128xf32, #tpu.memory_space<vmem>> -> memref<1x128x128xf32, #tpu.memory_space<vmem>>
        %dma_wait3A_418 = tpu.memref_squeeze %dma_wait3A_417 : memref<1x128x128xf32, #tpu.memory_space<vmem>> -> memref<128x128xf32, #tpu.memory_space<vmem>>
        %dma_wait3A_419 = arith.constant 0 : i32
        %dma_wait3A_420 = tpu.memref_slice %arg4[%add3A_413, %dma_wait3A_419] : memref<320000x128xf32, #tpu.memory_space<hbm>> -> memref<128x128xf32, #tpu.memory_space<hbm>>
        %dma_wait3A_421 = arith.constant 0 : i32
        %dma_wait3A_422 = tpu.memref_slice %arg4[%add3A_413, %dma_wait3A_421] : memref<320000x128xf32, #tpu.memory_space<hbm>> -> memref<128x128xf32, #tpu.memory_space<hbm>>
        %dma_wait3A_423 = arith.constant 0 : i32
        %dma_wait3A_424 = arith.constant 0 : i32
        %dma_wait3A_425 = tpu.memref_slice %arg6[%dma_wait3A_414, %dma_wait3A_423, %dma_wait3A_424] : memref<6x128x128xf32, #tpu.memory_space<vmem>> -> memref<1x128x128xf32, #tpu.memory_space<vmem>>
        %dma_wait3A_426 = tpu.memref_squeeze %dma_wait3A_425 : memref<1x128x128xf32, #tpu.memory_space<vmem>> -> memref<128x128xf32, #tpu.memory_space<vmem>>
        tpu.wait_dma2 semaphore(%arg8 : memref<!tpu.dma_semaphore, #tpu.memory_space<semaphore_mem>>) src(%dma_wait3A_426 : memref<128x128xf32, #tpu.memory_space<vmem>>) dst(%dma_wait3A_422 : memref<128x128xf32, #tpu.memory_space<hbm>>)
        %add3A_427 = arith.addi %mul3A_2, %mul3A_116 : i32
        %add3A_428 = arith.constant 640 : i32
        %add3A_429 = arith.addi %add3A_427, %add3A_428 : i32
        %dma_wait3A_430 = arith.constant 5 : i32
        %dma_wait3A_431 = arith.constant 0 : i32
        %dma_wait3A_432 = arith.constant 0 : i32
        %dma_wait3A_433 = tpu.memref_slice %arg6[%dma_wait3A_430, %dma_wait3A_431, %dma_wait3A_432] : memref<6x128x128xf32, #tpu.memory_space<vmem>> -> memref<1x128x128xf32, #tpu.memory_space<vmem>>
        %dma_wait3A_434 = tpu.memref_squeeze %dma_wait3A_433 : memref<1x128x128xf32, #tpu.memory_space<vmem>> -> memref<128x128xf32, #tpu.memory_space<vmem>>
        %dma_wait3A_435 = arith.constant 0 : i32
        %dma_wait3A_436 = tpu.memref_slice %arg4[%add3A_429, %dma_wait3A_435] : memref<320000x128xf32, #tpu.memory_space<hbm>> -> memref<128x128xf32, #tpu.memory_space<hbm>>
        %dma_wait3A_437 = arith.constant 0 : i32
        %dma_wait3A_438 = tpu.memref_slice %arg4[%add3A_429, %dma_wait3A_437] : memref<320000x128xf32, #tpu.memory_space<hbm>> -> memref<128x128xf32, #tpu.memory_space<hbm>>
        %dma_wait3A_439 = arith.constant 0 : i32
        %dma_wait3A_440 = arith.constant 0 : i32
        %dma_wait3A_441 = tpu.memref_slice %arg6[%dma_wait3A_430, %dma_wait3A_439, %dma_wait3A_440] : memref<6x128x128xf32, #tpu.memory_space<vmem>> -> memref<1x128x128xf32, #tpu.memory_space<vmem>>
        %dma_wait3A_442 = tpu.memref_squeeze %dma_wait3A_441 : memref<1x128x128xf32, #tpu.memory_space<vmem>> -> memref<128x128xf32, #tpu.memory_space<vmem>>
        tpu.wait_dma2 semaphore(%arg8 : memref<!tpu.dma_semaphore, #tpu.memory_space<semaphore_mem>>) src(%dma_wait3A_442 : memref<128x128xf32, #tpu.memory_space<vmem>>) dst(%dma_wait3A_438 : memref<128x128xf32, #tpu.memory_space<hbm>>)
      } else {
      }
      %add3A_119 = arith.constant 0 : i32
      %add3A_120 = arith.addi %mul3A_116, %add3A_119 : i32
      %dma_start3A_121 = arith.constant 0 : i32
      %dma_start3A_122 = arith.constant 0 : i32
      %dma_start3A_123 = arith.constant 0 : i32
      %dma_start3A_124 = tpu.memref_slice %arg6[%dma_start3A_121, %dma_start3A_122, %dma_start3A_123] : memref<6x128x128xf32, #tpu.memory_space<vmem>> -> memref<1x128x128xf32, #tpu.memory_space<vmem>>
      %dma_start3A_125 = tpu.memref_squeeze %dma_start3A_124 : memref<1x128x128xf32, #tpu.memory_space<vmem>> -> memref<128x128xf32, #tpu.memory_space<vmem>>
      %dma_start3A_126 = tpu.memref_slice %arg5[%add3A_120] : memref<10000xi32, #tpu.memory_space<vmem>> -> memref<128xi32, #tpu.memory_space<vmem>>
      %dma_start3A_127 = arith.constant 0 : i32
      %dma_start3A_128 = arith.constant 0 : i32
      %dma_start3A_129 = tpu.memref_slice %arg2[%dma_start3A_127, %dma_start3A_128] : memref<10000x128xf32, #tpu.memory_space<hbm>> -> memref<10000x128xf32, #tpu.memory_space<hbm>>
      tpu.enqueue_indirect_dma source(%dma_start3A_129 : memref<10000x128xf32, #tpu.memory_space<hbm>>) target(%dma_start3A_125 : memref<128x128xf32, #tpu.memory_space<vmem>>) offsets(%dma_start3A_126 : memref<128xi32, #tpu.memory_space<vmem>>) semaphore(%arg7 : memref<!tpu.dma_semaphore, #tpu.memory_space<semaphore_mem>>)
      %add3A_130 = arith.constant 128 : i32
      %add3A_131 = arith.addi %mul3A_116, %add3A_130 : i32
      %dma_start3A_132 = arith.constant 1 : i32
      %dma_start3A_133 = arith.constant 0 : i32
      %dma_start3A_134 = arith.constant 0 : i32
      %dma_start3A_135 = tpu.memref_slice %arg6[%dma_start3A_132, %dma_start3A_133, %dma_start3A_134] : memref<6x128x128xf32, #tpu.memory_space<vmem>> -> memref<1x128x128xf32, #tpu.memory_space<vmem>>
      %dma_start3A_136 = tpu.memref_squeeze %dma_start3A_135 : memref<1x128x128xf32, #tpu.memory_space<vmem>> -> memref<128x128xf32, #tpu.memory_space<vmem>>
      %dma_start3A_137 = tpu.memref_slice %arg5[%add3A_131] : memref<10000xi32, #tpu.memory_space<vmem>> -> memref<128xi32, #tpu.memory_space<vmem>>
      %dma_start3A_138 = arith.constant 0 : i32
      %dma_start3A_139 = arith.constant 0 : i32
      %dma_start3A_140 = tpu.memref_slice %arg2[%dma_start3A_138, %dma_start3A_139] : memref<10000x128xf32, #tpu.memory_space<hbm>> -> memref<10000x128xf32, #tpu.memory_space<hbm>>
      tpu.enqueue_indirect_dma source(%dma_start3A_140 : memref<10000x128xf32, #tpu.memory_space<hbm>>) target(%dma_start3A_136 : memref<128x128xf32, #tpu.memory_space<vmem>>) offsets(%dma_start3A_137 : memref<128xi32, #tpu.memory_space<vmem>>) semaphore(%arg7 : memref<!tpu.dma_semaphore, #tpu.memory_space<semaphore_mem>>)
      %add3A_141 = arith.constant 256 : i32
      %add3A_142 = arith.addi %mul3A_116, %add3A_141 : i32
      %dma_start3A_143 = arith.constant 2 : i32
      %dma_start3A_144 = arith.constant 0 : i32
      %dma_start3A_145 = arith.constant 0 : i32
      %dma_start3A_146 = tpu.memref_slice %arg6[%dma_start3A_143, %dma_start3A_144, %dma_start3A_145] : memref<6x128x128xf32, #tpu.memory_space<vmem>> -> memref<1x128x128xf32, #tpu.memory_space<vmem>>
      %dma_start3A_147 = tpu.memref_squeeze %dma_start3A_146 : memref<1x128x128xf32, #tpu.memory_space<vmem>> -> memref<128x128xf32, #tpu.memory_space<vmem>>
      %dma_start3A_148 = tpu.memref_slice %arg5[%add3A_142] : memref<10000xi32, #tpu.memory_space<vmem>> -> memref<128xi32, #tpu.memory_space<vmem>>
      %dma_start3A_149 = arith.constant 0 : i32
      %dma_start3A_150 = arith.constant 0 : i32
      %dma_start3A_151 = tpu.memref_slice %arg2[%dma_start3A_149, %dma_start3A_150] : memref<10000x128xf32, #tpu.memory_space<hbm>> -> memref<10000x128xf32, #tpu.memory_space<hbm>>
      tpu.enqueue_indirect_dma source(%dma_start3A_151 : memref<10000x128xf32, #tpu.memory_space<hbm>>) target(%dma_start3A_147 : memref<128x128xf32, #tpu.memory_space<vmem>>) offsets(%dma_start3A_148 : memref<128xi32, #tpu.memory_space<vmem>>) semaphore(%arg7 : memref<!tpu.dma_semaphore, #tpu.memory_space<semaphore_mem>>)
      %add3A_152 = arith.constant 384 : i32
      %add3A_153 = arith.addi %mul3A_116, %add3A_152 : i32
      %dma_start3A_154 = arith.constant 3 : i32
      %dma_start3A_155 = arith.constant 0 : i32
      %dma_start3A_156 = arith.constant 0 : i32
      %dma_start3A_157 = tpu.memref_slice %arg6[%dma_start3A_154, %dma_start3A_155, %dma_start3A_156] : memref<6x128x128xf32, #tpu.memory_space<vmem>> -> memref<1x128x128xf32, #tpu.memory_space<vmem>>
      %dma_start3A_158 = tpu.memref_squeeze %dma_start3A_157 : memref<1x128x128xf32, #tpu.memory_space<vmem>> -> memref<128x128xf32, #tpu.memory_space<vmem>>
      %dma_start3A_159 = tpu.memref_slice %arg5[%add3A_153] : memref<10000xi32, #tpu.memory_space<vmem>> -> memref<128xi32, #tpu.memory_space<vmem>>
      %dma_start3A_160 = arith.constant 0 : i32
      %dma_start3A_161 = arith.constant 0 : i32
      %dma_start3A_162 = tpu.memref_slice %arg2[%dma_start3A_160, %dma_start3A_161] : memref<10000x128xf32, #tpu.memory_space<hbm>> -> memref<10000x128xf32, #tpu.memory_space<hbm>>
      tpu.enqueue_indirect_dma source(%dma_start3A_162 : memref<10000x128xf32, #tpu.memory_space<hbm>>) target(%dma_start3A_158 : memref<128x128xf32, #tpu.memory_space<vmem>>) offsets(%dma_start3A_159 : memref<128xi32, #tpu.memory_space<vmem>>) semaphore(%arg7 : memref<!tpu.dma_semaphore, #tpu.memory_space<semaphore_mem>>)
      %add3A_163 = arith.constant 512 : i32
      %add3A_164 = arith.addi %mul3A_116, %add3A_163 : i32
      %dma_start3A_165 = arith.constant 4 : i32
      %dma_start3A_166 = arith.constant 0 : i32
      %dma_start3A_167 = arith.constant 0 : i32
      %dma_start3A_168 = tpu.memref_slice %arg6[%dma_start3A_165, %dma_start3A_166, %dma_start3A_167] : memref<6x128x128xf32, #tpu.memory_space<vmem>> -> memref<1x128x128xf32, #tpu.memory_space<vmem>>
      %dma_start3A_169 = tpu.memref_squeeze %dma_start3A_168 : memref<1x128x128xf32, #tpu.memory_space<vmem>> -> memref<128x128xf32, #tpu.memory_space<vmem>>
      %dma_start3A_170 = tpu.memref_slice %arg5[%add3A_164] : memref<10000xi32, #tpu.memory_space<vmem>> -> memref<128xi32, #tpu.memory_space<vmem>>
      %dma_start3A_171 = arith.constant 0 : i32
      %dma_start3A_172 = arith.constant 0 : i32
      %dma_start3A_173 = tpu.memref_slice %arg2[%dma_start3A_171, %dma_start3A_172] : memref<10000x128xf32, #tpu.memory_space<hbm>> -> memref<10000x128xf32, #tpu.memory_space<hbm>>
      tpu.enqueue_indirect_dma source(%dma_start3A_173 : memref<10000x128xf32, #tpu.memory_space<hbm>>) target(%dma_start3A_169 : memref<128x128xf32, #tpu.memory_space<vmem>>) offsets(%dma_start3A_170 : memref<128xi32, #tpu.memory_space<vmem>>) semaphore(%arg7 : memref<!tpu.dma_semaphore, #tpu.memory_space<semaphore_mem>>)
      %add3A_174 = arith.constant 640 : i32
      %add3A_175 = arith.addi %mul3A_116, %add3A_174 : i32
      %dma_start3A_176 = arith.constant 5 : i32
      %dma_start3A_177 = arith.constant 0 : i32
      %dma_start3A_178 = arith.constant 0 : i32
      %dma_start3A_179 = tpu.memref_slice %arg6[%dma_start3A_176, %dma_start3A_177, %dma_start3A_178] : memref<6x128x128xf32, #tpu.memory_space<vmem>> -> memref<1x128x128xf32, #tpu.memory_space<vmem>>
      %dma_start3A_180 = tpu.memref_squeeze %dma_start3A_179 : memref<1x128x128xf32, #tpu.memory_space<vmem>> -> memref<128x128xf32, #tpu.memory_space<vmem>>
      %dma_start3A_181 = tpu.memref_slice %arg5[%add3A_175] : memref<10000xi32, #tpu.memory_space<vmem>> -> memref<128xi32, #tpu.memory_space<vmem>>
      %dma_start3A_182 = arith.constant 0 : i32
      %dma_start3A_183 = arith.constant 0 : i32
      %dma_start3A_184 = tpu.memref_slice %arg2[%dma_start3A_182, %dma_start3A_183] : memref<10000x128xf32, #tpu.memory_space<hbm>> -> memref<10000x128xf32, #tpu.memory_space<hbm>>
      tpu.enqueue_indirect_dma source(%dma_start3A_184 : memref<10000x128xf32, #tpu.memory_space<hbm>>) target(%dma_start3A_180 : memref<128x128xf32, #tpu.memory_space<vmem>>) offsets(%dma_start3A_181 : memref<128xi32, #tpu.memory_space<vmem>>) semaphore(%arg7 : memref<!tpu.dma_semaphore, #tpu.memory_space<semaphore_mem>>)
      %add3A_185 = arith.constant 0 : i32
      %add3A_186 = arith.addi %mul3A_116, %add3A_185 : i32
      %dma_wait3A_187 = arith.constant 0 : i32
      %dma_wait3A_188 = arith.constant 0 : i32
      %dma_wait3A_189 = arith.constant 0 : i32
      %dma_wait3A_190 = tpu.memref_slice %arg6[%dma_wait3A_187, %dma_wait3A_188, %dma_wait3A_189] : memref<6x128x128xf32, #tpu.memory_space<vmem>> -> memref<1x128x128xf32, #tpu.memory_space<vmem>>
      %dma_wait3A_191 = tpu.memref_squeeze %dma_wait3A_190 : memref<1x128x128xf32, #tpu.memory_space<vmem>> -> memref<128x128xf32, #tpu.memory_space<vmem>>
      %dma_wait3A_192 = tpu.memref_slice %arg5[%add3A_186] : memref<10000xi32, #tpu.memory_space<vmem>> -> memref<128xi32, #tpu.memory_space<vmem>>
      %dma_wait3A_193 = arith.constant 0 : i32
      %dma_wait3A_194 = arith.constant 0 : i32
      %dma_wait3A_195 = tpu.memref_slice %arg2[%dma_wait3A_193, %dma_wait3A_194] : memref<10000x128xf32, #tpu.memory_space<hbm>> -> memref<10000x128xf32, #tpu.memory_space<hbm>>
      tpu.wait_indirect_dma semaphore(%arg7 : memref<!tpu.dma_semaphore, #tpu.memory_space<semaphore_mem>>) src(%dma_wait3A_195 : memref<10000x128xf32, #tpu.memory_space<hbm>>) dst(%dma_wait3A_191 : memref<128x128xf32, #tpu.memory_space<vmem>>)
      %add3A_196 = arith.addi %mul3A_2, %mul3A_116 : i32
      %add3A_197 = arith.constant 0 : i32
      %add3A_198 = arith.addi %add3A_196, %add3A_197 : i32
      %dma_start3A_199 = arith.constant 0 : i32
      %dma_start3A_200 = arith.constant 0 : i32
      %dma_start3A_201 = arith.constant 0 : i32
      %dma_start3A_202 = tpu.memref_slice %arg6[%dma_start3A_199, %dma_start3A_200, %dma_start3A_201] : memref<6x128x128xf32, #tpu.memory_space<vmem>> -> memref<1x128x128xf32, #tpu.memory_space<vmem>>
      %dma_start3A_203 = tpu.memref_squeeze %dma_start3A_202 : memref<1x128x128xf32, #tpu.memory_space<vmem>> -> memref<128x128xf32, #tpu.memory_space<vmem>>
      %dma_start3A_204 = arith.constant 0 : i32
      %dma_start3A_205 = tpu.memref_slice %arg4[%add3A_198, %dma_start3A_204] : memref<320000x128xf32, #tpu.memory_space<hbm>> -> memref<128x128xf32, #tpu.memory_space<hbm>>
      %dma_start3A_206 = arith.constant 0 : i32
      %dma_start3A_207 = tpu.memref_slice %arg4[%add3A_198, %dma_start3A_206] : memref<320000x128xf32, #tpu.memory_space<hbm>> -> memref<128x128xf32, #tpu.memory_space<hbm>>
      %dma_start3A_208 = arith.constant 0 : i32
      %dma_start3A_209 = arith.constant 0 : i32
      %dma_start3A_210 = tpu.memref_slice %arg6[%dma_start3A_199, %dma_start3A_208, %dma_start3A_209] : memref<6x128x128xf32, #tpu.memory_space<vmem>> -> memref<1x128x128xf32, #tpu.memory_space<vmem>>
      %dma_start3A_211 = tpu.memref_squeeze %dma_start3A_210 : memref<1x128x128xf32, #tpu.memory_space<vmem>> -> memref<128x128xf32, #tpu.memory_space<vmem>>
      tpu.enqueue_dma source(%dma_start3A_211 : memref<128x128xf32, #tpu.memory_space<vmem>>) target(%dma_start3A_207 : memref<128x128xf32, #tpu.memory_space<hbm>>) target_semaphore(%arg8 : memref<!tpu.dma_semaphore, #tpu.memory_space<semaphore_mem>>)
      %add3A_212 = arith.constant 128 : i32
      %add3A_213 = arith.addi %mul3A_116, %add3A_212 : i32
      %dma_wait3A_214 = arith.constant 1 : i32
      %dma_wait3A_215 = arith.constant 0 : i32
      %dma_wait3A_216 = arith.constant 0 : i32
      %dma_wait3A_217 = tpu.memref_slice %arg6[%dma_wait3A_214, %dma_wait3A_215, %dma_wait3A_216] : memref<6x128x128xf32, #tpu.memory_space<vmem>> -> memref<1x128x128xf32, #tpu.memory_space<vmem>>
      %dma_wait3A_218 = tpu.memref_squeeze %dma_wait3A_217 : memref<1x128x128xf32, #tpu.memory_space<vmem>> -> memref<128x128xf32, #tpu.memory_space<vmem>>
      %dma_wait3A_219 = tpu.memref_slice %arg5[%add3A_213] : memref<10000xi32, #tpu.memory_space<vmem>> -> memref<128xi32, #tpu.memory_space<vmem>>
      %dma_wait3A_220 = arith.constant 0 : i32
      %dma_wait3A_221 = arith.constant 0 : i32
      %dma_wait3A_222 = tpu.memref_slice %arg2[%dma_wait3A_220, %dma_wait3A_221] : memref<10000x128xf32, #tpu.memory_space<hbm>> -> memref<10000x128xf32, #tpu.memory_space<hbm>>
      tpu.wait_indirect_dma semaphore(%arg7 : memref<!tpu.dma_semaphore, #tpu.memory_space<semaphore_mem>>) src(%dma_wait3A_222 : memref<10000x128xf32, #tpu.memory_space<hbm>>) dst(%dma_wait3A_218 : memref<128x128xf32, #tpu.memory_space<vmem>>)
      %add3A_223 = arith.addi %mul3A_2, %mul3A_116 : i32
      %add3A_224 = arith.constant 128 : i32
      %add3A_225 = arith.addi %add3A_223, %add3A_224 : i32
      %dma_start3A_226 = arith.constant 1 : i32
      %dma_start3A_227 = arith.constant 0 : i32
      %dma_start3A_228 = arith.constant 0 : i32
      %dma_start3A_229 = tpu.memref_slice %arg6[%dma_start3A_226, %dma_start3A_227, %dma_start3A_228] : memref<6x128x128xf32, #tpu.memory_space<vmem>> -> memref<1x128x128xf32, #tpu.memory_space<vmem>>
      %dma_start3A_230 = tpu.memref_squeeze %dma_start3A_229 : memref<1x128x128xf32, #tpu.memory_space<vmem>> -> memref<128x128xf32, #tpu.memory_space<vmem>>
      %dma_start3A_231 = arith.constant 0 : i32
      %dma_start3A_232 = tpu.memref_slice %arg4[%add3A_225, %dma_start3A_231] : memref<320000x128xf32, #tpu.memory_space<hbm>> -> memref<128x128xf32, #tpu.memory_space<hbm>>
      %dma_start3A_233 = arith.constant 0 : i32
      %dma_start3A_234 = tpu.memref_slice %arg4[%add3A_225, %dma_start3A_233] : memref<320000x128xf32, #tpu.memory_space<hbm>> -> memref<128x128xf32, #tpu.memory_space<hbm>>
      %dma_start3A_235 = arith.constant 0 : i32
      %dma_start3A_236 = arith.constant 0 : i32
      %dma_start3A_237 = tpu.memref_slice %arg6[%dma_start3A_226, %dma_start3A_235, %dma_start3A_236] : memref<6x128x128xf32, #tpu.memory_space<vmem>> -> memref<1x128x128xf32, #tpu.memory_space<vmem>>
      %dma_start3A_238 = tpu.memref_squeeze %dma_start3A_237 : memref<1x128x128xf32, #tpu.memory_space<vmem>> -> memref<128x128xf32, #tpu.memory_space<vmem>>
      tpu.enqueue_dma source(%dma_start3A_238 : memref<128x128xf32, #tpu.memory_space<vmem>>) target(%dma_start3A_234 : memref<128x128xf32, #tpu.memory_space<hbm>>) target_semaphore(%arg8 : memref<!tpu.dma_semaphore, #tpu.memory_space<semaphore_mem>>)
      %add3A_239 = arith.constant 256 : i32
      %add3A_240 = arith.addi %mul3A_116, %add3A_239 : i32
      %dma_wait3A_241 = arith.constant 2 : i32
      %dma_wait3A_242 = arith.constant 0 : i32
      %dma_wait3A_243 = arith.constant 0 : i32
      %dma_wait3A_244 = tpu.memref_slice %arg6[%dma_wait3A_241, %dma_wait3A_242, %dma_wait3A_243] : memref<6x128x128xf32, #tpu.memory_space<vmem>> -> memref<1x128x128xf32, #tpu.memory_space<vmem>>
      %dma_wait3A_245 = tpu.memref_squeeze %dma_wait3A_244 : memref<1x128x128xf32, #tpu.memory_space<vmem>> -> memref<128x128xf32, #tpu.memory_space<vmem>>
      %dma_wait3A_246 = tpu.memref_slice %arg5[%add3A_240] : memref<10000xi32, #tpu.memory_space<vmem>> -> memref<128xi32, #tpu.memory_space<vmem>>
      %dma_wait3A_247 = arith.constant 0 : i32
      %dma_wait3A_248 = arith.constant 0 : i32
      %dma_wait3A_249 = tpu.memref_slice %arg2[%dma_wait3A_247, %dma_wait3A_248] : memref<10000x128xf32, #tpu.memory_space<hbm>> -> memref<10000x128xf32, #tpu.memory_space<hbm>>
      tpu.wait_indirect_dma semaphore(%arg7 : memref<!tpu.dma_semaphore, #tpu.memory_space<semaphore_mem>>) src(%dma_wait3A_249 : memref<10000x128xf32, #tpu.memory_space<hbm>>) dst(%dma_wait3A_245 : memref<128x128xf32, #tpu.memory_space<vmem>>)
      %add3A_250 = arith.addi %mul3A_2, %mul3A_116 : i32
      %add3A_251 = arith.constant 256 : i32
      %add3A_252 = arith.addi %add3A_250, %add3A_251 : i32
      %dma_start3A_253 = arith.constant 2 : i32
      %dma_start3A_254 = arith.constant 0 : i32
      %dma_start3A_255 = arith.constant 0 : i32
      %dma_start3A_256 = tpu.memref_slice %arg6[%dma_start3A_253, %dma_start3A_254, %dma_start3A_255] : memref<6x128x128xf32, #tpu.memory_space<vmem>> -> memref<1x128x128xf32, #tpu.memory_space<vmem>>
      %dma_start3A_257 = tpu.memref_squeeze %dma_start3A_256 : memref<1x128x128xf32, #tpu.memory_space<vmem>> -> memref<128x128xf32, #tpu.memory_space<vmem>>
      %dma_start3A_258 = arith.constant 0 : i32
      %dma_start3A_259 = tpu.memref_slice %arg4[%add3A_252, %dma_start3A_258] : memref<320000x128xf32, #tpu.memory_space<hbm>> -> memref<128x128xf32, #tpu.memory_space<hbm>>
      %dma_start3A_260 = arith.constant 0 : i32
      %dma_start3A_261 = tpu.memref_slice %arg4[%add3A_252, %dma_start3A_260] : memref<320000x128xf32, #tpu.memory_space<hbm>> -> memref<128x128xf32, #tpu.memory_space<hbm>>
      %dma_start3A_262 = arith.constant 0 : i32
      %dma_start3A_263 = arith.constant 0 : i32
      %dma_start3A_264 = tpu.memref_slice %arg6[%dma_start3A_253, %dma_start3A_262, %dma_start3A_263] : memref<6x128x128xf32, #tpu.memory_space<vmem>> -> memref<1x128x128xf32, #tpu.memory_space<vmem>>
      %dma_start3A_265 = tpu.memref_squeeze %dma_start3A_264 : memref<1x128x128xf32, #tpu.memory_space<vmem>> -> memref<128x128xf32, #tpu.memory_space<vmem>>
      tpu.enqueue_dma source(%dma_start3A_265 : memref<128x128xf32, #tpu.memory_space<vmem>>) target(%dma_start3A_261 : memref<128x128xf32, #tpu.memory_space<hbm>>) target_semaphore(%arg8 : memref<!tpu.dma_semaphore, #tpu.memory_space<semaphore_mem>>)
      %add3A_266 = arith.constant 384 : i32
      %add3A_267 = arith.addi %mul3A_116, %add3A_266 : i32
      %dma_wait3A_268 = arith.constant 3 : i32
      %dma_wait3A_269 = arith.constant 0 : i32
      %dma_wait3A_270 = arith.constant 0 : i32
      %dma_wait3A_271 = tpu.memref_slice %arg6[%dma_wait3A_268, %dma_wait3A_269, %dma_wait3A_270] : memref<6x128x128xf32, #tpu.memory_space<vmem>> -> memref<1x128x128xf32, #tpu.memory_space<vmem>>
      %dma_wait3A_272 = tpu.memref_squeeze %dma_wait3A_271 : memref<1x128x128xf32, #tpu.memory_space<vmem>> -> memref<128x128xf32, #tpu.memory_space<vmem>>
      %dma_wait3A_273 = tpu.memref_slice %arg5[%add3A_267] : memref<10000xi32, #tpu.memory_space<vmem>> -> memref<128xi32, #tpu.memory_space<vmem>>
      %dma_wait3A_274 = arith.constant 0 : i32
      %dma_wait3A_275 = arith.constant 0 : i32
      %dma_wait3A_276 = tpu.memref_slice %arg2[%dma_wait3A_274, %dma_wait3A_275] : memref<10000x128xf32, #tpu.memory_space<hbm>> -> memref<10000x128xf32, #tpu.memory_space<hbm>>
      tpu.wait_indirect_dma semaphore(%arg7 : memref<!tpu.dma_semaphore, #tpu.memory_space<semaphore_mem>>) src(%dma_wait3A_276 : memref<10000x128xf32, #tpu.memory_space<hbm>>) dst(%dma_wait3A_272 : memref<128x128xf32, #tpu.memory_space<vmem>>)
      %add3A_277 = arith.addi %mul3A_2, %mul3A_116 : i32
      %add3A_278 = arith.constant 384 : i32
      %add3A_279 = arith.addi %add3A_277, %add3A_278 : i32
      %dma_start3A_280 = arith.constant 3 : i32
      %dma_start3A_281 = arith.constant 0 : i32
      %dma_start3A_282 = arith.constant 0 : i32
      %dma_start3A_283 = tpu.memref_slice %arg6[%dma_start3A_280, %dma_start3A_281, %dma_start3A_282] : memref<6x128x128xf32, #tpu.memory_space<vmem>> -> memref<1x128x128xf32, #tpu.memory_space<vmem>>
      %dma_start3A_284 = tpu.memref_squeeze %dma_start3A_283 : memref<1x128x128xf32, #tpu.memory_space<vmem>> -> memref<128x128xf32, #tpu.memory_space<vmem>>
      %dma_start3A_285 = arith.constant 0 : i32
      %dma_start3A_286 = tpu.memref_slice %arg4[%add3A_279, %dma_start3A_285] : memref<320000x128xf32, #tpu.memory_space<hbm>> -> memref<128x128xf32, #tpu.memory_space<hbm>>
      %dma_start3A_287 = arith.constant 0 : i32
      %dma_start3A_288 = tpu.memref_slice %arg4[%add3A_279, %dma_start3A_287] : memref<320000x128xf32, #tpu.memory_space<hbm>> -> memref<128x128xf32, #tpu.memory_space<hbm>>
      %dma_start3A_289 = arith.constant 0 : i32
      %dma_start3A_290 = arith.constant 0 : i32
      %dma_start3A_291 = tpu.memref_slice %arg6[%dma_start3A_280, %dma_start3A_289, %dma_start3A_290] : memref<6x128x128xf32, #tpu.memory_space<vmem>> -> memref<1x128x128xf32, #tpu.memory_space<vmem>>
      %dma_start3A_292 = tpu.memref_squeeze %dma_start3A_291 : memref<1x128x128xf32, #tpu.memory_space<vmem>> -> memref<128x128xf32, #tpu.memory_space<vmem>>
      tpu.enqueue_dma source(%dma_start3A_292 : memref<128x128xf32, #tpu.memory_space<vmem>>) target(%dma_start3A_288 : memref<128x128xf32, #tpu.memory_space<hbm>>) target_semaphore(%arg8 : memref<!tpu.dma_semaphore, #tpu.memory_space<semaphore_mem>>)
      %add3A_293 = arith.constant 512 : i32
      %add3A_294 = arith.addi %mul3A_116, %add3A_293 : i32
      %dma_wait3A_295 = arith.constant 4 : i32
      %dma_wait3A_296 = arith.constant 0 : i32
      %dma_wait3A_297 = arith.constant 0 : i32
      %dma_wait3A_298 = tpu.memref_slice %arg6[%dma_wait3A_295, %dma_wait3A_296, %dma_wait3A_297] : memref<6x128x128xf32, #tpu.memory_space<vmem>> -> memref<1x128x128xf32, #tpu.memory_space<vmem>>
      %dma_wait3A_299 = tpu.memref_squeeze %dma_wait3A_298 : memref<1x128x128xf32, #tpu.memory_space<vmem>> -> memref<128x128xf32, #tpu.memory_space<vmem>>
      %dma_wait3A_300 = tpu.memref_slice %arg5[%add3A_294] : memref<10000xi32, #tpu.memory_space<vmem>> -> memref<128xi32, #tpu.memory_space<vmem>>
      %dma_wait3A_301 = arith.constant 0 : i32
      %dma_wait3A_302 = arith.constant 0 : i32
      %dma_wait3A_303 = tpu.memref_slice %arg2[%dma_wait3A_301, %dma_wait3A_302] : memref<10000x128xf32, #tpu.memory_space<hbm>> -> memref<10000x128xf32, #tpu.memory_space<hbm>>
      tpu.wait_indirect_dma semaphore(%arg7 : memref<!tpu.dma_semaphore, #tpu.memory_space<semaphore_mem>>) src(%dma_wait3A_303 : memref<10000x128xf32, #tpu.memory_space<hbm>>) dst(%dma_wait3A_299 : memref<128x128xf32, #tpu.memory_space<vmem>>)
      %add3A_304 = arith.addi %mul3A_2, %mul3A_116 : i32
      %add3A_305 = arith.constant 512 : i32
      %add3A_306 = arith.addi %add3A_304, %add3A_305 : i32
      %dma_start3A_307 = arith.constant 4 : i32
      %dma_start3A_308 = arith.constant 0 : i32
      %dma_start3A_309 = arith.constant 0 : i32
      %dma_start3A_310 = tpu.memref_slice %arg6[%dma_start3A_307, %dma_start3A_308, %dma_start3A_309] : memref<6x128x128xf32, #tpu.memory_space<vmem>> -> memref<1x128x128xf32, #tpu.memory_space<vmem>>
      %dma_start3A_311 = tpu.memref_squeeze %dma_start3A_310 : memref<1x128x128xf32, #tpu.memory_space<vmem>> -> memref<128x128xf32, #tpu.memory_space<vmem>>
      %dma_start3A_312 = arith.constant 0 : i32
      %dma_start3A_313 = tpu.memref_slice %arg4[%add3A_306, %dma_start3A_312] : memref<320000x128xf32, #tpu.memory_space<hbm>> -> memref<128x128xf32, #tpu.memory_space<hbm>>
      %dma_start3A_314 = arith.constant 0 : i32
      %dma_start3A_315 = tpu.memref_slice %arg4[%add3A_306, %dma_start3A_314] : memref<320000x128xf32, #tpu.memory_space<hbm>> -> memref<128x128xf32, #tpu.memory_space<hbm>>
      %dma_start3A_316 = arith.constant 0 : i32
      %dma_start3A_317 = arith.constant 0 : i32
      %dma_start3A_318 = tpu.memref_slice %arg6[%dma_start3A_307, %dma_start3A_316, %dma_start3A_317] : memref<6x128x128xf32, #tpu.memory_space<vmem>> -> memref<1x128x128xf32, #tpu.memory_space<vmem>>
      %dma_start3A_319 = tpu.memref_squeeze %dma_start3A_318 : memref<1x128x128xf32, #tpu.memory_space<vmem>> -> memref<128x128xf32, #tpu.memory_space<vmem>>
      tpu.enqueue_dma source(%dma_start3A_319 : memref<128x128xf32, #tpu.memory_space<vmem>>) target(%dma_start3A_315 : memref<128x128xf32, #tpu.memory_space<hbm>>) target_semaphore(%arg8 : memref<!tpu.dma_semaphore, #tpu.memory_space<semaphore_mem>>)
      %add3A_320 = arith.constant 640 : i32
      %add3A_321 = arith.addi %mul3A_116, %add3A_320 : i32
      %dma_wait3A_322 = arith.constant 5 : i32
      %dma_wait3A_323 = arith.constant 0 : i32
      %dma_wait3A_324 = arith.constant 0 : i32
      %dma_wait3A_325 = tpu.memref_slice %arg6[%dma_wait3A_322, %dma_wait3A_323, %dma_wait3A_324] : memref<6x128x128xf32, #tpu.memory_space<vmem>> -> memref<1x128x128xf32, #tpu.memory_space<vmem>>
      %dma_wait3A_326 = tpu.memref_squeeze %dma_wait3A_325 : memref<1x128x128xf32, #tpu.memory_space<vmem>> -> memref<128x128xf32, #tpu.memory_space<vmem>>
      %dma_wait3A_327 = tpu.memref_slice %arg5[%add3A_321] : memref<10000xi32, #tpu.memory_space<vmem>> -> memref<128xi32, #tpu.memory_space<vmem>>
      %dma_wait3A_328 = arith.constant 0 : i32
      %dma_wait3A_329 = arith.constant 0 : i32
      %dma_wait3A_330 = tpu.memref_slice %arg2[%dma_wait3A_328, %dma_wait3A_329] : memref<10000x128xf32, #tpu.memory_space<hbm>> -> memref<10000x128xf32, #tpu.memory_space<hbm>>
      tpu.wait_indirect_dma semaphore(%arg7 : memref<!tpu.dma_semaphore, #tpu.memory_space<semaphore_mem>>) src(%dma_wait3A_330 : memref<10000x128xf32, #tpu.memory_space<hbm>>) dst(%dma_wait3A_326 : memref<128x128xf32, #tpu.memory_space<vmem>>)
      %add3A_331 = arith.addi %mul3A_2, %mul3A_116 : i32
      %add3A_332 = arith.constant 640 : i32
      %add3A_333 = arith.addi %add3A_331, %add3A_332 : i32
      %dma_start3A_334 = arith.constant 5 : i32
      %dma_start3A_335 = arith.constant 0 : i32
      %dma_start3A_336 = arith.constant 0 : i32
      %dma_start3A_337 = tpu.memref_slice %arg6[%dma_start3A_334, %dma_start3A_335, %dma_start3A_336] : memref<6x128x128xf32, #tpu.memory_space<vmem>> -> memref<1x128x128xf32, #tpu.memory_space<vmem>>
      %dma_start3A_338 = tpu.memref_squeeze %dma_start3A_337 : memref<1x128x128xf32, #tpu.memory_space<vmem>> -> memref<128x128xf32, #tpu.memory_space<vmem>>
      %dma_start3A_339 = arith.constant 0 : i32
      %dma_start3A_340 = tpu.memref_slice %arg4[%add3A_333, %dma_start3A_339] : memref<320000x128xf32, #tpu.memory_space<hbm>> -> memref<128x128xf32, #tpu.memory_space<hbm>>
      %dma_start3A_341 = arith.constant 0 : i32
      %dma_start3A_342 = tpu.memref_slice %arg4[%add3A_333, %dma_start3A_341] : memref<320000x128xf32, #tpu.memory_space<hbm>> -> memref<128x128xf32, #tpu.memory_space<hbm>>
      %dma_start3A_343 = arith.constant 0 : i32
      %dma_start3A_344 = arith.constant 0 : i32
      %dma_start3A_345 = tpu.memref_slice %arg6[%dma_start3A_334, %dma_start3A_343, %dma_start3A_344] : memref<6x128x128xf32, #tpu.memory_space<vmem>> -> memref<1x128x128xf32, #tpu.memory_space<vmem>>
      %dma_start3A_346 = tpu.memref_squeeze %dma_start3A_345 : memref<1x128x128xf32, #tpu.memory_space<vmem>> -> memref<128x128xf32, #tpu.memory_space<vmem>>
      tpu.enqueue_dma source(%dma_start3A_346 : memref<128x128xf32, #tpu.memory_space<vmem>>) target(%dma_start3A_342 : memref<128x128xf32, #tpu.memory_space<hbm>>) target_semaphore(%arg8 : memref<!tpu.dma_semaphore, #tpu.memory_space<semaphore_mem>>)
    }
    %scan3A_7 = arith.constant 13 : i32
    %dma_wait3A = arith.constant 0 : i32
    %dma_wait3A_8 = arith.constant 0 : i32
    %dma_wait3A_9 = arith.constant 0 : i32
    %dma_wait3A_10 = tpu.memref_slice %arg6[%dma_wait3A, %dma_wait3A_8, %dma_wait3A_9] : memref<6x128x128xf32, #tpu.memory_space<vmem>> -> memref<1x128x128xf32, #tpu.memory_space<vmem>>
    %dma_wait3A_11 = tpu.memref_squeeze %dma_wait3A_10 : memref<1x128x128xf32, #tpu.memory_space<vmem>> -> memref<128x128xf32, #tpu.memory_space<vmem>>
    %dma_wait3A_12 = arith.constant 0 : i32
    %dma_wait3A_13 = tpu.memref_slice %arg4[%mul3A_2, %dma_wait3A_12] : memref<320000x128xf32, #tpu.memory_space<hbm>> -> memref<128x128xf32, #tpu.memory_space<hbm>>
    %dma_wait3A_14 = arith.constant 0 : i32
    %dma_wait3A_15 = tpu.memref_slice %arg4[%mul3A_2, %dma_wait3A_14] : memref<320000x128xf32, #tpu.memory_space<hbm>> -> memref<128x128xf32, #tpu.memory_space<hbm>>
    %dma_wait3A_16 = arith.constant 0 : i32
    %dma_wait3A_17 = arith.constant 0 : i32
    %dma_wait3A_18 = tpu.memref_slice %arg6[%dma_wait3A, %dma_wait3A_16, %dma_wait3A_17] : memref<6x128x128xf32, #tpu.memory_space<vmem>> -> memref<1x128x128xf32, #tpu.memory_space<vmem>>
    %dma_wait3A_19 = tpu.memref_squeeze %dma_wait3A_18 : memref<1x128x128xf32, #tpu.memory_space<vmem>> -> memref<128x128xf32, #tpu.memory_space<vmem>>
    tpu.wait_dma2 semaphore(%arg8 : memref<!tpu.dma_semaphore, #tpu.memory_space<semaphore_mem>>) src(%dma_wait3A_19 : memref<128x128xf32, #tpu.memory_space<vmem>>) dst(%dma_wait3A_15 : memref<128x128xf32, #tpu.memory_space<hbm>>)
    %dma_wait3A_20 = arith.constant 1 : i32
    %dma_wait3A_21 = arith.constant 0 : i32
    %dma_wait3A_22 = arith.constant 0 : i32
    %dma_wait3A_23 = tpu.memref_slice %arg6[%dma_wait3A_20, %dma_wait3A_21, %dma_wait3A_22] : memref<6x128x128xf32, #tpu.memory_space<vmem>> -> memref<1x128x128xf32, #tpu.memory_space<vmem>>
    %dma_wait3A_24 = tpu.memref_squeeze %dma_wait3A_23 : memref<1x128x128xf32, #tpu.memory_space<vmem>> -> memref<128x128xf32, #tpu.memory_space<vmem>>
    %dma_wait3A_25 = arith.constant 0 : i32
    %dma_wait3A_26 = tpu.memref_slice %arg4[%mul3A_2, %dma_wait3A_25] : memref<320000x128xf32, #tpu.memory_space<hbm>> -> memref<128x128xf32, #tpu.memory_space<hbm>>
    %dma_wait3A_27 = arith.constant 0 : i32
    %dma_wait3A_28 = tpu.memref_slice %arg4[%mul3A_2, %dma_wait3A_27] : memref<320000x128xf32, #tpu.memory_space<hbm>> -> memref<128x128xf32, #tpu.memory_space<hbm>>
    %dma_wait3A_29 = arith.constant 0 : i32
    %dma_wait3A_30 = arith.constant 0 : i32
    %dma_wait3A_31 = tpu.memref_slice %arg6[%dma_wait3A_20, %dma_wait3A_29, %dma_wait3A_30] : memref<6x128x128xf32, #tpu.memory_space<vmem>> -> memref<1x128x128xf32, #tpu.memory_space<vmem>>
    %dma_wait3A_32 = tpu.memref_squeeze %dma_wait3A_31 : memref<1x128x128xf32, #tpu.memory_space<vmem>> -> memref<128x128xf32, #tpu.memory_space<vmem>>
    tpu.wait_dma2 semaphore(%arg8 : memref<!tpu.dma_semaphore, #tpu.memory_space<semaphore_mem>>) src(%dma_wait3A_32 : memref<128x128xf32, #tpu.memory_space<vmem>>) dst(%dma_wait3A_28 : memref<128x128xf32, #tpu.memory_space<hbm>>)
    %dma_wait3A_33 = arith.constant 2 : i32
    %dma_wait3A_34 = arith.constant 0 : i32
    %dma_wait3A_35 = arith.constant 0 : i32
    %dma_wait3A_36 = tpu.memref_slice %arg6[%dma_wait3A_33, %dma_wait3A_34, %dma_wait3A_35] : memref<6x128x128xf32, #tpu.memory_space<vmem>> -> memref<1x128x128xf32, #tpu.memory_space<vmem>>
    %dma_wait3A_37 = tpu.memref_squeeze %dma_wait3A_36 : memref<1x128x128xf32, #tpu.memory_space<vmem>> -> memref<128x128xf32, #tpu.memory_space<vmem>>
    %dma_wait3A_38 = arith.constant 0 : i32
    %dma_wait3A_39 = tpu.memref_slice %arg4[%mul3A_2, %dma_wait3A_38] : memref<320000x128xf32, #tpu.memory_space<hbm>> -> memref<128x128xf32, #tpu.memory_space<hbm>>
    %dma_wait3A_40 = arith.constant 0 : i32
    %dma_wait3A_41 = tpu.memref_slice %arg4[%mul3A_2, %dma_wait3A_40] : memref<320000x128xf32, #tpu.memory_space<hbm>> -> memref<128x128xf32, #tpu.memory_space<hbm>>
    %dma_wait3A_42 = arith.constant 0 : i32
    %dma_wait3A_43 = arith.constant 0 : i32
    %dma_wait3A_44 = tpu.memref_slice %arg6[%dma_wait3A_33, %dma_wait3A_42, %dma_wait3A_43] : memref<6x128x128xf32, #tpu.memory_space<vmem>> -> memref<1x128x128xf32, #tpu.memory_space<vmem>>
    %dma_wait3A_45 = tpu.memref_squeeze %dma_wait3A_44 : memref<1x128x128xf32, #tpu.memory_space<vmem>> -> memref<128x128xf32, #tpu.memory_space<vmem>>
    tpu.wait_dma2 semaphore(%arg8 : memref<!tpu.dma_semaphore, #tpu.memory_space<semaphore_mem>>) src(%dma_wait3A_45 : memref<128x128xf32, #tpu.memory_space<vmem>>) dst(%dma_wait3A_41 : memref<128x128xf32, #tpu.memory_space<hbm>>)
    %dma_wait3A_46 = arith.constant 3 : i32
    %dma_wait3A_47 = arith.constant 0 : i32
    %dma_wait3A_48 = arith.constant 0 : i32
    %dma_wait3A_49 = tpu.memref_slice %arg6[%dma_wait3A_46, %dma_wait3A_47, %dma_wait3A_48] : memref<6x128x128xf32, #tpu.memory_space<vmem>> -> memref<1x128x128xf32, #tpu.memory_space<vmem>>
    %dma_wait3A_50 = tpu.memref_squeeze %dma_wait3A_49 : memref<1x128x128xf32, #tpu.memory_space<vmem>> -> memref<128x128xf32, #tpu.memory_space<vmem>>
    %dma_wait3A_51 = arith.constant 0 : i32
    %dma_wait3A_52 = tpu.memref_slice %arg4[%mul3A_2, %dma_wait3A_51] : memref<320000x128xf32, #tpu.memory_space<hbm>> -> memref<128x128xf32, #tpu.memory_space<hbm>>
    %dma_wait3A_53 = arith.constant 0 : i32
    %dma_wait3A_54 = tpu.memref_slice %arg4[%mul3A_2, %dma_wait3A_53] : memref<320000x128xf32, #tpu.memory_space<hbm>> -> memref<128x128xf32, #tpu.memory_space<hbm>>
    %dma_wait3A_55 = arith.constant 0 : i32
    %dma_wait3A_56 = arith.constant 0 : i32
    %dma_wait3A_57 = tpu.memref_slice %arg6[%dma_wait3A_46, %dma_wait3A_55, %dma_wait3A_56] : memref<6x128x128xf32, #tpu.memory_space<vmem>> -> memref<1x128x128xf32, #tpu.memory_space<vmem>>
    %dma_wait3A_58 = tpu.memref_squeeze %dma_wait3A_57 : memref<1x128x128xf32, #tpu.memory_space<vmem>> -> memref<128x128xf32, #tpu.memory_space<vmem>>
    tpu.wait_dma2 semaphore(%arg8 : memref<!tpu.dma_semaphore, #tpu.memory_space<semaphore_mem>>) src(%dma_wait3A_58 : memref<128x128xf32, #tpu.memory_space<vmem>>) dst(%dma_wait3A_54 : memref<128x128xf32, #tpu.memory_space<hbm>>)
    %dma_wait3A_59 = arith.constant 4 : i32
    %dma_wait3A_60 = arith.constant 0 : i32
    %dma_wait3A_61 = arith.constant 0 : i32
    %dma_wait3A_62 = tpu.memref_slice %arg6[%dma_wait3A_59, %dma_wait3A_60, %dma_wait3A_61] : memref<6x128x128xf32, #tpu.memory_space<vmem>> -> memref<1x128x128xf32, #tpu.memory_space<vmem>>
    %dma_wait3A_63 = tpu.memref_squeeze %dma_wait3A_62 : memref<1x128x128xf32, #tpu.memory_space<vmem>> -> memref<128x128xf32, #tpu.memory_space<vmem>>
    %dma_wait3A_64 = arith.constant 0 : i32
    %dma_wait3A_65 = tpu.memref_slice %arg4[%mul3A_2, %dma_wait3A_64] : memref<320000x128xf32, #tpu.memory_space<hbm>> -> memref<128x128xf32, #tpu.memory_space<hbm>>
    %dma_wait3A_66 = arith.constant 0 : i32
    %dma_wait3A_67 = tpu.memref_slice %arg4[%mul3A_2, %dma_wait3A_66] : memref<320000x128xf32, #tpu.memory_space<hbm>> -> memref<128x128xf32, #tpu.memory_space<hbm>>
    %dma_wait3A_68 = arith.constant 0 : i32
    %dma_wait3A_69 = arith.constant 0 : i32
    %dma_wait3A_70 = tpu.memref_slice %arg6[%dma_wait3A_59, %dma_wait3A_68, %dma_wait3A_69] : memref<6x128x128xf32, #tpu.memory_space<vmem>> -> memref<1x128x128xf32, #tpu.memory_space<vmem>>
    %dma_wait3A_71 = tpu.memref_squeeze %dma_wait3A_70 : memref<1x128x128xf32, #tpu.memory_space<vmem>> -> memref<128x128xf32, #tpu.memory_space<vmem>>
    tpu.wait_dma2 semaphore(%arg8 : memref<!tpu.dma_semaphore, #tpu.memory_space<semaphore_mem>>) src(%dma_wait3A_71 : memref<128x128xf32, #tpu.memory_space<vmem>>) dst(%dma_wait3A_67 : memref<128x128xf32, #tpu.memory_space<hbm>>)
    %dma_wait3A_72 = arith.constant 5 : i32
    %dma_wait3A_73 = arith.constant 0 : i32
    %dma_wait3A_74 = arith.constant 0 : i32
    %dma_wait3A_75 = tpu.memref_slice %arg6[%dma_wait3A_72, %dma_wait3A_73, %dma_wait3A_74] : memref<6x128x128xf32, #tpu.memory_space<vmem>> -> memref<1x128x128xf32, #tpu.memory_space<vmem>>
    %dma_wait3A_76 = tpu.memref_squeeze %dma_wait3A_75 : memref<1x128x128xf32, #tpu.memory_space<vmem>> -> memref<128x128xf32, #tpu.memory_space<vmem>>
    %dma_wait3A_77 = arith.constant 0 : i32
    %dma_wait3A_78 = tpu.memref_slice %arg4[%mul3A_2, %dma_wait3A_77] : memref<320000x128xf32, #tpu.memory_space<hbm>> -> memref<128x128xf32, #tpu.memory_space<hbm>>
    %dma_wait3A_79 = arith.constant 0 : i32
    %dma_wait3A_80 = tpu.memref_slice %arg4[%mul3A_2, %dma_wait3A_79] : memref<320000x128xf32, #tpu.memory_space<hbm>> -> memref<128x128xf32, #tpu.memory_space<hbm>>
    %dma_wait3A_81 = arith.constant 0 : i32
    %dma_wait3A_82 = arith.constant 0 : i32
    %dma_wait3A_83 = tpu.memref_slice %arg6[%dma_wait3A_72, %dma_wait3A_81, %dma_wait3A_82] : memref<6x128x128xf32, #tpu.memory_space<vmem>> -> memref<1x128x128xf32, #tpu.memory_space<vmem>>
    %dma_wait3A_84 = tpu.memref_squeeze %dma_wait3A_83 : memref<1x128x128xf32, #tpu.memory_space<vmem>> -> memref<128x128xf32, #tpu.memory_space<vmem>>
    tpu.wait_dma2 semaphore(%arg8 : memref<!tpu.dma_semaphore, #tpu.memory_space<semaphore_mem>>) src(%dma_wait3A_84 : memref<128x128xf32, #tpu.memory_space<vmem>>) dst(%dma_wait3A_80 : memref<128x128xf32, #tpu.memory_space<hbm>>)
    %dma_start3A = arith.constant 0 : i32
    %dma_start3A_85 = arith.constant 0 : i32
    %dma_start3A_86 = arith.constant 0 : i32
    %dma_start3A_87 = tpu.memref_slice %arg6[%dma_start3A, %dma_start3A_85, %dma_start3A_86] : memref<6x128x128xf32, #tpu.memory_space<vmem>> -> memref<1x128x128xf32, #tpu.memory_space<vmem>>
    %dma_start3A_88 = tpu.memref_squeeze %dma_start3A_87 : memref<1x128x128xf32, #tpu.memory_space<vmem>> -> memref<128x128xf32, #tpu.memory_space<vmem>>
    %dma_start3A_89 = arith.constant 0 : i32
    %dma_start3A_90 = arith.constant 0 : i32
    %dma_start3A_91 = tpu.memref_slice %dma_start3A_88[%dma_start3A_89, %dma_start3A_90] : memref<128x128xf32, #tpu.memory_space<vmem>> -> memref<16x128xf32, #tpu.memory_space<vmem>>
    %dma_start3A_92 = arith.constant 9984 : i32
    %dma_start3A_93 = tpu.memref_slice %arg5[%dma_start3A_92] : memref<10000xi32, #tpu.memory_space<vmem>> -> memref<16xi32, #tpu.memory_space<vmem>>
    %dma_start3A_94 = arith.constant 0 : i32
    %dma_start3A_95 = arith.constant 0 : i32
    %dma_start3A_96 = tpu.memref_slice %arg2[%dma_start3A_94, %dma_start3A_95] : memref<10000x128xf32, #tpu.memory_space<hbm>> -> memref<10000x128xf32, #tpu.memory_space<hbm>>
    tpu.enqueue_indirect_dma source(%dma_start3A_96 : memref<10000x128xf32, #tpu.memory_space<hbm>>) target(%dma_start3A_91 : memref<16x128xf32, #tpu.memory_space<vmem>>) offsets(%dma_start3A_93 : memref<16xi32, #tpu.memory_space<vmem>>) semaphore(%arg7 : memref<!tpu.dma_semaphore, #tpu.memory_space<semaphore_mem>>)
    %dma_wait3A_97 = arith.constant 0 : i32
    %dma_wait3A_98 = arith.constant 0 : i32
    %dma_wait3A_99 = arith.constant 0 : i32
    %dma_wait3A_100 = tpu.memref_slice %arg6[%dma_wait3A_97, %dma_wait3A_98, %dma_wait3A_99] : memref<6x128x128xf32, #tpu.memory_space<vmem>> -> memref<1x128x128xf32, #tpu.memory_space<vmem>>
    %dma_wait3A_101 = tpu.memref_squeeze %dma_wait3A_100 : memref<1x128x128xf32, #tpu.memory_space<vmem>> -> memref<128x128xf32, #tpu.memory_space<vmem>>
    %dma_wait3A_102 = arith.constant 0 : i32
    %dma_wait3A_103 = arith.constant 0 : i32
    %dma_wait3A_104 = tpu.memref_slice %dma_wait3A_101[%dma_wait3A_102, %dma_wait3A_103] : memref<128x128xf32, #tpu.memory_space<vmem>> -> memref<16x128xf32, #tpu.memory_space<vmem>>
    %dma_wait3A_105 = arith.constant 9984 : i32
    %dma_wait3A_106 = tpu.memref_slice %arg5[%dma_wait3A_105] : memref<10000xi32, #tpu.memory_space<vmem>> -> memref<16xi32, #tpu.memory_space<vmem>>
    %dma_wait3A_107 = arith.constant 0 : i32
    %dma_wait3A_108 = arith.constant 0 : i32
    %dma_wait3A_109 = tpu.memref_slice %arg2[%dma_wait3A_107, %dma_wait3A_108] : memref<10000x128xf32, #tpu.memory_space<hbm>> -> memref<10000x128xf32, #tpu.memory_space<hbm>>
    tpu.wait_indirect_dma semaphore(%arg7 : memref<!tpu.dma_semaphore, #tpu.memory_space<semaphore_mem>>) src(%dma_wait3A_109 : memref<10000x128xf32, #tpu.memory_space<hbm>>) dst(%dma_wait3A_104 : memref<16x128xf32, #tpu.memory_space<vmem>>)
    %add3A_110 = arith.constant 9984 : i32
    %add3A_111 = arith.addi %mul3A_2, %add3A_110 : i32
    %run_scoped3A = arith.constant 0 : i32
    "tpu.region"() ({
      %run_scoped3A_112 = tpu.sem_alloc : memref<!tpu.dma_semaphore, #tpu.memory_space<semaphore_mem>>
      %dma_start3A_113 = arith.constant 0 : i32
      %dma_start3A_114 = arith.constant 0 : i32
      %dma_start3A_115 = tpu.memref_slice %arg6[%run_scoped3A, %dma_start3A_113, %dma_start3A_114] : memref<6x128x128xf32, #tpu.memory_space<vmem>> -> memref<1x128x128xf32, #tpu.memory_space<vmem>>
      %dma_start3A_116 = tpu.memref_squeeze %dma_start3A_115 : memref<1x128x128xf32, #tpu.memory_space<vmem>> -> memref<128x128xf32, #tpu.memory_space<vmem>>
      %dma_start3A_117 = arith.constant 0 : i32
      %dma_start3A_118 = arith.constant 0 : i32
      %dma_start3A_119 = tpu.memref_slice %dma_start3A_116[%dma_start3A_117, %dma_start3A_118] : memref<128x128xf32, #tpu.memory_space<vmem>> -> memref<16x128xf32, #tpu.memory_space<vmem>>
      %dma_start3A_120 = arith.constant 0 : i32
      %dma_start3A_121 = tpu.memref_slice %arg4[%add3A_111, %dma_start3A_120] : memref<320000x128xf32, #tpu.memory_space<hbm>> -> memref<16x128xf32, #tpu.memory_space<hbm>>
      %dma_start3A_122 = arith.constant 0 : i32
      %dma_start3A_123 = tpu.memref_slice %arg4[%add3A_111, %dma_start3A_122] : memref<320000x128xf32, #tpu.memory_space<hbm>> -> memref<16x128xf32, #tpu.memory_space<hbm>>
      %dma_start3A_124 = arith.constant 0 : i32
      %dma_start3A_125 = arith.constant 0 : i32
      %dma_start3A_126 = tpu.memref_slice %arg6[%run_scoped3A, %dma_start3A_124, %dma_start3A_125] : memref<6x128x128xf32, #tpu.memory_space<vmem>> -> memref<1x128x128xf32, #tpu.memory_space<vmem>>
      %dma_start3A_127 = tpu.memref_squeeze %dma_start3A_126 : memref<1x128x128xf32, #tpu.memory_space<vmem>> -> memref<128x128xf32, #tpu.memory_space<vmem>>
      %dma_start3A_128 = arith.constant 0 : i32
      %dma_start3A_129 = arith.constant 0 : i32
      %dma_start3A_130 = tpu.memref_slice %dma_start3A_127[%dma_start3A_128, %dma_start3A_129] : memref<128x128xf32, #tpu.memory_space<vmem>> -> memref<16x128xf32, #tpu.memory_space<vmem>>
      tpu.enqueue_dma source(%dma_start3A_130 : memref<16x128xf32, #tpu.memory_space<vmem>>) target(%dma_start3A_123 : memref<16x128xf32, #tpu.memory_space<hbm>>) target_semaphore(%run_scoped3A_112 : memref<!tpu.dma_semaphore, #tpu.memory_space<semaphore_mem>>)
      %dma_wait3A_131 = arith.constant 0 : i32
      %dma_wait3A_132 = arith.constant 0 : i32
      %dma_wait3A_133 = tpu.memref_slice %arg6[%run_scoped3A, %dma_wait3A_131, %dma_wait3A_132] : memref<6x128x128xf32, #tpu.memory_space<vmem>> -> memref<1x128x128xf32, #tpu.memory_space<vmem>>
      %dma_wait3A_134 = tpu.memref_squeeze %dma_wait3A_133 : memref<1x128x128xf32, #tpu.memory_space<vmem>> -> memref<128x128xf32, #tpu.memory_space<vmem>>
      %dma_wait3A_135 = arith.constant 0 : i32
      %dma_wait3A_136 = arith.constant 0 : i32
      %dma_wait3A_137 = tpu.memref_slice %dma_wait3A_134[%dma_wait3A_135, %dma_wait3A_136] : memref<128x128xf32, #tpu.memory_space<vmem>> -> memref<16x128xf32, #tpu.memory_space<vmem>>
      %dma_wait3A_138 = arith.constant 0 : i32
      %dma_wait3A_139 = tpu.memref_slice %arg4[%add3A_111, %dma_wait3A_138] : memref<320000x128xf32, #tpu.memory_space<hbm>> -> memref<16x128xf32, #tpu.memory_space<hbm>>
      %dma_wait3A_140 = arith.constant 0 : i32
      %dma_wait3A_141 = tpu.memref_slice %arg4[%add3A_111, %dma_wait3A_140] : memref<320000x128xf32, #tpu.memory_space<hbm>> -> memref<16x128xf32, #tpu.memory_space<hbm>>
      %dma_wait3A_142 = arith.constant 0 : i32
      %dma_wait3A_143 = arith.constant 0 : i32
      %dma_wait3A_144 = tpu.memref_slice %arg6[%run_scoped3A, %dma_wait3A_142, %dma_wait3A_143] : memref<6x128x128xf32, #tpu.memory_space<vmem>> -> memref<1x128x128xf32, #tpu.memory_space<vmem>>
      %dma_wait3A_145 = tpu.memref_squeeze %dma_wait3A_144 : memref<1x128x128xf32, #tpu.memory_space<vmem>> -> memref<128x128xf32, #tpu.memory_space<vmem>>
      %dma_wait3A_146 = arith.constant 0 : i32
      %dma_wait3A_147 = arith.constant 0 : i32
      %dma_wait3A_148 = tpu.memref_slice %dma_wait3A_145[%dma_wait3A_146, %dma_wait3A_147] : memref<128x128xf32, #tpu.memory_space<vmem>> -> memref<16x128xf32, #tpu.memory_space<vmem>>
      tpu.wait_dma2 semaphore(%run_scoped3A_112 : memref<!tpu.dma_semaphore, #tpu.memory_space<semaphore_mem>>) src(%dma_wait3A_148 : memref<16x128xf32, #tpu.memory_space<vmem>>) dst(%dma_wait3A_141 : memref<16x128xf32, #tpu.memory_space<hbm>>)
      tpu.yield
    }) : () -> ()
    return
  }
}

#map = affine_map<(d0, d1) -> (0, 0)>
#map1 = affine_map<(d0, d1) -> (0)>
module attributes {stable_mosaic.version = 14 : i64} {
  func.func @gather(%arg0: i32, %arg1: i32, %arg2: memref<10000x128xf32, #tpu.memory_space<hbm>>, %arg3: memref<320000xi32, #tpu.memory_space<hbm>>, %arg4: memref<320000x128xf32, #tpu.memory_space<hbm>>, %arg5: memref<10000xi32, #tpu.memory_space<vmem>>, %arg6: memref<6x128x128xf32, #tpu.memory_space<vmem>>, %arg7: memref<!tpu.dma_semaphore, #tpu.memory_space<semaphore_mem>>, %arg8: memref<!tpu.dma_semaphore, #tpu.memory_space<semaphore_mem>>) attributes {dimension_semantics = [#tpu.dimension_semantics<core_parallel>, #tpu.dimension_semantics<subcore_parallel>], iteration_bounds = array<i64: 2, 16>, scalar_prefetch = 0 : i64, scratch_operands = 4 : i64, tpu.core_type = #tpu.core_type<sc_vector_subcore>, window_params = [{transform_indices = #map}, {transform_indices = #map1}, {transform_indices = #map}]} {
    %mul3A = arith.constant 2 : i32
    %mul3A_0 = arith.muli %arg1, %mul3A : i32
    %add3A = arith.addi %mul3A_0, %arg0 : i32
    %mul3A_1 = arith.constant 10000 : i32
    %mul3A_2 = arith.muli %add3A, %mul3A_1 : i32
    "tpu.region"() ({
      %run_scoped3A_112 = tpu.sem_alloc : memref<!tpu.dma_semaphore, #tpu.memory_space<semaphore_mem>>
      %dma_start3A_113 = tpu.memref_slice %arg3[%mul3A_2] : memref<320000xi32, #tpu.memory_space<hbm>> -> memref<10000xi32, #tpu.memory_space<hbm>>
      %dma_start3A_114 = tpu.memref_slice %arg3[%mul3A_2] : memref<320000xi32, #tpu.memory_space<hbm>> -> memref<10000xi32, #tpu.memory_space<hbm>>
      tpu.enqueue_dma source(%dma_start3A_114 : memref<10000xi32, #tpu.memory_space<hbm>>) target(%arg5 : memref<10000xi32, #tpu.memory_space<vmem>>) target_semaphore(%run_scoped3A_112 : memref<!tpu.dma_semaphore, #tpu.memory_space<semaphore_mem>>)
      %dma_wait3A_115 = tpu.memref_slice %arg3[%mul3A_2] : memref<320000xi32, #tpu.memory_space<hbm>> -> memref<10000xi32, #tpu.memory_space<hbm>>
      %dma_wait3A_116 = tpu.memref_slice %arg3[%mul3A_2] : memref<320000xi32, #tpu.memory_space<hbm>> -> memref<10000xi32, #tpu.memory_space<hbm>>
      tpu.wait_dma2 semaphore(%run_scoped3A_112 : memref<!tpu.dma_semaphore, #tpu.memory_space<semaphore_mem>>) src(%dma_wait3A_116 : memref<10000xi32, #tpu.memory_space<hbm>>) dst(%arg5 : memref<10000xi32, #tpu.memory_space<vmem>>)
      tpu.yield
    }) : () -> ()
    %scan3A = arith.constant 0 : i32
    %scan3A_3 = arith.constant 0 : i32
    %scan3A_4 = arith.constant 13 : i32
    %scan3A_5 = arith.addi %scan3A_3, %scan3A_4 : i32
    %scan3A_6 = arith.constant 1 : i32
    scf.for %scan3A_112 = %scan3A_3 to %scan3A_5 step %scan3A_6  : i32 {
      %mul3A_113 = arith.constant 6 : i32
      %mul3A_114 = arith.muli %scan3A_112, %mul3A_113 : i32
      %mul3A_115 = arith.constant 128 : i32
      %mul3A_116 = arith.muli %mul3A_114, %mul3A_115 : i32
      %gt3A = arith.constant 0 : i32
      %gt3A_117 = arith.cmpi sgt, %scan3A_112, %gt3A : i32
      %convert_element_type3A = arith.extui %gt3A_117 : i1 to i32
      %cond3A = arith.constant 0 : i32
      %cond3A_118 = arith.cmpi ne, %convert_element_type3A, %cond3A : i32
      scf.if %cond3A_118 {
        %add3A_347 = arith.addi %mul3A_2, %mul3A_116 : i32
        %add3A_348 = arith.constant 0 : i32
        %add3A_349 = arith.addi %add3A_347, %add3A_348 : i32
        %dma_wait3A_350 = arith.constant 0 : i32
        %dma_wait3A_351 = arith.constant 0 : i32
        %dma_wait3A_352 = arith.constant 0 : i32
        %dma_wait3A_353 = tpu.memref_slice %arg6[%dma_wait3A_350, %dma_wait3A_351, %dma_wait3A_352] : memref<6x128x128xf32, #tpu.memory_space<vmem>> -> memref<1x128x128xf32, #tpu.memory_space<vmem>>
        %dma_wait3A_354 = tpu.memref_squeeze %dma_wait3A_353 : memref<1x128x128xf32, #tpu.memory_space<vmem>> -> memref<128x128xf32, #tpu.memory_space<vmem>>
        %dma_wait3A_355 = arith.constant 0 : i32
        %dma_wait3A_356 = tpu.memref_slice %arg4[%add3A_349, %dma_wait3A_355] : memref<320000x128xf32, #tpu.memory_space<hbm>> -> memref<128x128xf32, #tpu.memory_space<hbm>>
        %dma_wait3A_357 = arith.constant 0 : i32
        %dma_wait3A_358 = tpu.memref_slice %arg4[%add3A_349, %dma_wait3A_357] : memref<320000x128xf32, #tpu.memory_space<hbm>> -> memref<128x128xf32, #tpu.memory_space<hbm>>
        %dma_wait3A_359 = arith.constant 0 : i32
        %dma_wait3A_360 = arith.constant 0 : i32
        %dma_wait3A_361 = tpu.memref_slice %arg6[%dma_wait3A_350, %dma_wait3A_359, %dma_wait3A_360] : memref<6x128x128xf32, #tpu.memory_space<vmem>> -> memref<1x128x128xf32, #tpu.memory_space<vmem>>
        %dma_wait3A_362 = tpu.memref_squeeze %dma_wait3A_361 : memref<1x128x128xf32, #tpu.memory_space<vmem>> -> memref<128x128xf32, #tpu.memory_space<vmem>>
        tpu.wait_dma2 semaphore(%arg8 : memref<!tpu.dma_semaphore, #tpu.memory_space<semaphore_mem>>) src(%dma_wait3A_362 : memref<128x128xf32, #tpu.memory_space<vmem>>) dst(%dma_wait3A_358 : memref<128x128xf32, #tpu.memory_space<hbm>>)
        %add3A_363 = arith.addi %mul3A_2, %mul3A_116 : i32
        %add3A_364 = arith.constant 128 : i32
        %add3A_365 = arith.addi %add3A_363, %add3A_364 : i32
        %dma_wait3A_366 = arith.constant 1 : i32
        %dma_wait3A_367 = arith.constant 0 : i32
        %dma_wait3A_368 = arith.constant 0 : i32
        %dma_wait3A_369 = tpu.memref_slice %arg6[%dma_wait3A_366, %dma_wait3A_367, %dma_wait3A_368] : memref<6x128x128xf32, #tpu.memory_space<vmem>> -> memref<1x128x128xf32, #tpu.memory_space<vmem>>
        %dma_wait3A_370 = tpu.memref_squeeze %dma_wait3A_369 : memref<1x128x128xf32, #tpu.memory_space<vmem>> -> memref<128x128xf32, #tpu.memory_space<vmem>>
        %dma_wait3A_371 = arith.constant 0 : i32
        %dma_wait3A_372 = tpu.memref_slice %arg4[%add3A_365, %dma_wait3A_371] : memref<320000x128xf32, #tpu.memory_space<hbm>> -> memref<128x128xf32, #tpu.memory_space<hbm>>
        %dma_wait3A_373 = arith.constant 0 : i32
        %dma_wait3A_374 = tpu.memref_slice %arg4[%add3A_365, %dma_wait3A_373] : memref<320000x128xf32, #tpu.memory_space<hbm>> -> memref<128x128xf32, #tpu.memory_space<hbm>>
        %dma_wait3A_375 = arith.constant 0 : i32
        %dma_wait3A_376 = arith.constant 0 : i32
        %dma_wait3A_377 = tpu.memref_slice %arg6[%dma_wait3A_366, %dma_wait3A_375, %dma_wait3A_376] : memref<6x128x128xf32, #tpu.memory_space<vmem>> -> memref<1x128x128xf32, #tpu.memory_space<vmem>>
        %dma_wait3A_378 = tpu.memref_squeeze %dma_wait3A_377 : memref<1x128x128xf32, #tpu.memory_space<vmem>> -> memref<128x128xf32, #tpu.memory_space<vmem>>
        tpu.wait_dma2 semaphore(%arg8 : memref<!tpu.dma_semaphore, #tpu.memory_space<semaphore_mem>>) src(%dma_wait3A_378 : memref<128x128xf32, #tpu.memory_space<vmem>>) dst(%dma_wait3A_374 : memref<128x128xf32, #tpu.memory_space<hbm>>)
        %add3A_379 = arith.addi %mul3A_2, %mul3A_116 : i32
        %add3A_380 = arith.constant 256 : i32
        %add3A_381 = arith.addi %add3A_379, %add3A_380 : i32
        %dma_wait3A_382 = arith.constant 2 : i32
        %dma_wait3A_383 = arith.constant 0 : i32
        %dma_wait3A_384 = arith.constant 0 : i32
        %dma_wait3A_385 = tpu.memref_slice %arg6[%dma_wait3A_382, %dma_wait3A_383, %dma_wait3A_384] : memref<6x128x128xf32, #tpu.memory_space<vmem>> -> memref<1x128x128xf32, #tpu.memory_space<vmem>>
        %dma_wait3A_386 = tpu.memref_squeeze %dma_wait3A_385 : memref<1x128x128xf32, #tpu.memory_space<vmem>> -> memref<128x128xf32, #tpu.memory_space<vmem>>
        %dma_wait3A_387 = arith.constant 0 : i32
        %dma_wait3A_388 = tpu.memref_slice %arg4[%add3A_381, %dma_wait3A_387] : memref<320000x128xf32, #tpu.memory_space<hbm>> -> memref<128x128xf32, #tpu.memory_space<hbm>>
        %dma_wait3A_389 = arith.constant 0 : i32
        %dma_wait3A_390 = tpu.memref_slice %arg4[%add3A_381, %dma_wait3A_389] : memref<320000x128xf32, #tpu.memory_space<hbm>> -> memref<128x128xf32, #tpu.memory_space<hbm>>
        %dma_wait3A_391 = arith.constant 0 : i32
        %dma_wait3A_392 = arith.constant 0 : i32
        %dma_wait3A_393 = tpu.memref_slice %arg6[%dma_wait3A_382, %dma_wait3A_391, %dma_wait3A_392] : memref<6x128x128xf32, #tpu.memory_space<vmem>> -> memref<1x128x128xf32, #tpu.memory_space<vmem>>
        %dma_wait3A_394 = tpu.memref_squeeze %dma_wait3A_393 : memref<1x128x128xf32, #tpu.memory_space<vmem>> -> memref<128x128xf32, #tpu.memory_space<vmem>>
        tpu.wait_dma2 semaphore(%arg8 : memref<!tpu.dma_semaphore, #tpu.memory_space<semaphore_mem>>) src(%dma_wait3A_394 : memref<128x128xf32, #tpu.memory_space<vmem>>) dst(%dma_wait3A_390 : memref<128x128xf32, #tpu.memory_space<hbm>>)
        %add3A_395 = arith.addi %mul3A_2, %mul3A_116 : i32
        %add3A_396 = arith.constant 384 : i32
        %add3A_397 = arith.addi %add3A_395, %add3A_396 : i32
        %dma_wait3A_398 = arith.constant 3 : i32
        %dma_wait3A_399 = arith.constant 0 : i32
        %dma_wait3A_400 = arith.constant 0 : i32
        %dma_wait3A_401 = tpu.memref_slice %arg6[%dma_wait3A_398, %dma_wait3A_399, %dma_wait3A_400] : memref<6x128x128xf32, #tpu.memory_space<vmem>> -> memref<1x128x128xf32, #tpu.memory_space<vmem>>
        %dma_wait3A_402 = tpu.memref_squeeze %dma_wait3A_401 : memref<1x128x128xf32, #tpu.memory_space<vmem>> -> memref<128x128xf32, #tpu.memory_space<vmem>>
        %dma_wait3A_403 = arith.constant 0 : i32
        %dma_wait3A_404 = tpu.memref_slice %arg4[%add3A_397, %dma_wait3A_403] : memref<320000x128xf32, #tpu.memory_space<hbm>> -> memref<128x128xf32, #tpu.memory_space<hbm>>
        %dma_wait3A_405 = arith.constant 0 : i32
        %dma_wait3A_406 = tpu.memref_slice %arg4[%add3A_397, %dma_wait3A_405] : memref<320000x128xf32, #tpu.memory_space<hbm>> -> memref<128x128xf32, #tpu.memory_space<hbm>>
        %dma_wait3A_407 = arith.constant 0 : i32
        %dma_wait3A_408 = arith.constant 0 : i32
        %dma_wait3A_409 = tpu.memref_slice %arg6[%dma_wait3A_398, %dma_wait3A_407, %dma_wait3A_408] : memref<6x128x128xf32, #tpu.memory_space<vmem>> -> memref<1x128x128xf32, #tpu.memory_space<vmem>>
        %dma_wait3A_410 = tpu.memref_squeeze %dma_wait3A_409 : memref<1x128x128xf32, #tpu.memory_space<vmem>> -> memref<128x128xf32, #tpu.memory_space<vmem>>
        tpu.wait_dma2 semaphore(%arg8 : memref<!tpu.dma_semaphore, #tpu.memory_space<semaphore_mem>>) src(%dma_wait3A_410 : memref<128x128xf32, #tpu.memory_space<vmem>>) dst(%dma_wait3A_406 : memref<128x128xf32, #tpu.memory_space<hbm>>)
        %add3A_411 = arith.addi %mul3A_2, %mul3A_116 : i32
        %add3A_412 = arith.constant 512 : i32
        %add3A_413 = arith.addi %add3A_411, %add3A_412 : i32
        %dma_wait3A_414 = arith.constant 4 : i32
        %dma_wait3A_415 = arith.constant 0 : i32
        %dma_wait3A_416 = arith.constant 0 : i32
        %dma_wait3A_417 = tpu.memref_slice %arg6[%dma_wait3A_414, %dma_wait3A_415, %dma_wait3A_416] : memref<6x128x128xf32, #tpu.memory_space<vmem>> -> memref<1x128x128xf32, #tpu.memory_space<vmem>>
        %dma_wait3A_418 = tpu.memref_squeeze %dma_wait3A_417 : memref<1x128x128xf32, #tpu.memory_space<vmem>> -> memref<128x128xf32, #tpu.memory_space<vmem>>
        %dma_wait3A_419 = arith.constant 0 : i32
        %dma_wait3A_420 = tpu.memref_slice %arg4[%add3A_413, %dma_wait3A_419] : memref<320000x128xf32, #tpu.memory_space<hbm>> -> memref<128x128xf32, #tpu.memory_space<hbm>>
        %dma_wait3A_421 = arith.constant 0 : i32
        %dma_wait3A_422 = tpu.memref_slice %arg4[%add3A_413, %dma_wait3A_421] : memref<320000x128xf32, #tpu.memory_space<hbm>> -> memref<128x128xf32, #tpu.memory_space<hbm>>
        %dma_wait3A_423 = arith.constant 0 : i32
        %dma_wait3A_424 = arith.constant 0 : i32
        %dma_wait3A_425 = tpu.memref_slice %arg6[%dma_wait3A_414, %dma_wait3A_423, %dma_wait3A_424] : memref<6x128x128xf32, #tpu.memory_space<vmem>> -> memref<1x128x128xf32, #tpu.memory_space<vmem>>
        %dma_wait3A_426 = tpu.memref_squeeze %dma_wait3A_425 : memref<1x128x128xf32, #tpu.memory_space<vmem>> -> memref<128x128xf32, #tpu.memory_space<vmem>>
        tpu.wait_dma2 semaphore(%arg8 : memref<!tpu.dma_semaphore, #tpu.memory_space<semaphore_mem>>) src(%dma_wait3A_426 : memref<128x128xf32, #tpu.memory_space<vmem>>) dst(%dma_wait3A_422 : memref<128x128xf32, #tpu.memory_space<hbm>>)
        %add3A_427 = arith.addi %mul3A_2, %mul3A_116 : i32
        %add3A_428 = arith.constant 640 : i32
        %add3A_429 = arith.addi %add3A_427, %add3A_428 : i32
        %dma_wait3A_430 = arith.constant 5 : i32
        %dma_wait3A_431 = arith.constant 0 : i32
        %dma_wait3A_432 = arith.constant 0 : i32
        %dma_wait3A_433 = tpu.memref_slice %arg6[%dma_wait3A_430, %dma_wait3A_431, %dma_wait3A_432] : memref<6x128x128xf32, #tpu.memory_space<vmem>> -> memref<1x128x128xf32, #tpu.memory_space<vmem>>
        %dma_wait3A_434 = tpu.memref_squeeze %dma_wait3A_433 : memref<1x128x128xf32, #tpu.memory_space<vmem>> -> memref<128x128xf32, #tpu.memory_space<vmem>>
        %dma_wait3A_435 = arith.constant 0 : i32
        %dma_wait3A_436 = tpu.memref_slice %arg4[%add3A_429, %dma_wait3A_435] : memref<320000x128xf32, #tpu.memory_space<hbm>> -> memref<128x128xf32, #tpu.memory_space<hbm>>
        %dma_wait3A_437 = arith.constant 0 : i32
        %dma_wait3A_438 = tpu.memref_slice %arg4[%add3A_429, %dma_wait3A_437] : memref<320000x128xf32, #tpu.memory_space<hbm>> -> memref<128x128xf32, #tpu.memory_space<hbm>>
        %dma_wait3A_439 = arith.constant 0 : i32
        %dma_wait3A_440 = arith.constant 0 : i32
        %dma_wait3A_441 = tpu.memref_slice %arg6[%dma_wait3A_430, %dma_wait3A_439, %dma_wait3A_440] : memref<6x128x128xf32, #tpu.memory_space<vmem>> -> memref<1x128x128xf32, #tpu.memory_space<vmem>>
        %dma_wait3A_442 = tpu.memref_squeeze %dma_wait3A_441 : memref<1x128x128xf32, #tpu.memory_space<vmem>> -> memref<128x128xf32, #tpu.memory_space<vmem>>
        tpu.wait_dma2 semaphore(%arg8 : memref<!tpu.dma_semaphore, #tpu.memory_space<semaphore_mem>>) src(%dma_wait3A_442 : memref<128x128xf32, #tpu.memory_space<vmem>>) dst(%dma_wait3A_438 : memref<128x128xf32, #tpu.memory_space<hbm>>)
      } else {
      }
      %add3A_119 = arith.constant 0 : i32
      %add3A_120 = arith.addi %mul3A_116, %add3A_119 : i32
      %dma_start3A_121 = arith.constant 0 : i32
      %dma_start3A_122 = arith.constant 0 : i32
      %dma_start3A_123 = arith.constant 0 : i32
      %dma_start3A_124 = tpu.memref_slice %arg6[%dma_start3A_121, %dma_start3A_122, %dma_start3A_123] : memref<6x128x128xf32, #tpu.memory_space<vmem>> -> memref<1x128x128xf32, #tpu.memory_space<vmem>>
      %dma_start3A_125 = tpu.memref_squeeze %dma_start3A_124 : memref<1x128x128xf32, #tpu.memory_space<vmem>> -> memref<128x128xf32, #tpu.memory_space<vmem>>
      %dma_start3A_126 = tpu.memref_slice %arg5[%add3A_120] : memref<10000xi32, #tpu.memory_space<vmem>> -> memref<128xi32, #tpu.memory_space<vmem>>
      %dma_start3A_127 = arith.constant 0 : i32
      %dma_start3A_128 = arith.constant 0 : i32
      %dma_start3A_129 = tpu.memref_slice %arg2[%dma_start3A_127, %dma_start3A_128] : memref<10000x128xf32, #tpu.memory_space<hbm>> -> memref<10000x128xf32, #tpu.memory_space<hbm>>
      tpu.enqueue_indirect_dma source(%dma_start3A_129 : memref<10000x128xf32, #tpu.memory_space<hbm>>) target(%dma_start3A_125 : memref<128x128xf32, #tpu.memory_space<vmem>>) offsets(%dma_start3A_126 : memref<128xi32, #tpu.memory_space<vmem>>) semaphore(%arg7 : memref<!tpu.dma_semaphore, #tpu.memory_space<semaphore_mem>>)
      %add3A_130 = arith.constant 128 : i32
      %add3A_131 = arith.addi %mul3A_116, %add3A_130 : i32
      %dma_start3A_132 = arith.constant 1 : i32
      %dma_start3A_133 = arith.constant 0 : i32
      %dma_start3A_134 = arith.constant 0 : i32
      %dma_start3A_135 = tpu.memref_slice %arg6[%dma_start3A_132, %dma_start3A_133, %dma_start3A_134] : memref<6x128x128xf32, #tpu.memory_space<vmem>> -> memref<1x128x128xf32, #tpu.memory_space<vmem>>
      %dma_start3A_136 = tpu.memref_squeeze %dma_start3A_135 : memref<1x128x128xf32, #tpu.memory_space<vmem>> -> memref<128x128xf32, #tpu.memory_space<vmem>>
      %dma_start3A_137 = tpu.memref_slice %arg5[%add3A_131] : memref<10000xi32, #tpu.memory_space<vmem>> -> memref<128xi32, #tpu.memory_space<vmem>>
      %dma_start3A_138 = arith.constant 0 : i32
      %dma_start3A_139 = arith.constant 0 : i32
      %dma_start3A_140 = tpu.memref_slice %arg2[%dma_start3A_138, %dma_start3A_139] : memref<10000x128xf32, #tpu.memory_space<hbm>> -> memref<10000x128xf32, #tpu.memory_space<hbm>>
      tpu.enqueue_indirect_dma source(%dma_start3A_140 : memref<10000x128xf32, #tpu.memory_space<hbm>>) target(%dma_start3A_136 : memref<128x128xf32, #tpu.memory_space<vmem>>) offsets(%dma_start3A_137 : memref<128xi32, #tpu.memory_space<vmem>>) semaphore(%arg7 : memref<!tpu.dma_semaphore, #tpu.memory_space<semaphore_mem>>)
      %add3A_141 = arith.constant 256 : i32
      %add3A_142 = arith.addi %mul3A_116, %add3A_141 : i32
      %dma_start3A_143 = arith.constant 2 : i32
      %dma_start3A_144 = arith.constant 0 : i32
      %dma_start3A_145 = arith.constant 0 : i32
      %dma_start3A_146 = tpu.memref_slice %arg6[%dma_start3A_143, %dma_start3A_144, %dma_start3A_145] : memref<6x128x128xf32, #tpu.memory_space<vmem>> -> memref<1x128x128xf32, #tpu.memory_space<vmem>>
      %dma_start3A_147 = tpu.memref_squeeze %dma_start3A_146 : memref<1x128x128xf32, #tpu.memory_space<vmem>> -> memref<128x128xf32, #tpu.memory_space<vmem>>
      %dma_start3A_148 = tpu.memref_slice %arg5[%add3A_142] : memref<10000xi32, #tpu.memory_space<vmem>> -> memref<128xi32, #tpu.memory_space<vmem>>
      %dma_start3A_149 = arith.constant 0 : i32
      %dma_start3A_150 = arith.constant 0 : i32
      %dma_start3A_151 = tpu.memref_slice %arg2[%dma_start3A_149, %dma_start3A_150] : memref<10000x128xf32, #tpu.memory_space<hbm>> -> memref<10000x128xf32, #tpu.memory_space<hbm>>
      tpu.enqueue_indirect_dma source(%dma_start3A_151 : memref<10000x128xf32, #tpu.memory_space<hbm>>) target(%dma_start3A_147 : memref<128x128xf32, #tpu.memory_space<vmem>>) offsets(%dma_start3A_148 : memref<128xi32, #tpu.memory_space<vmem>>) semaphore(%arg7 : memref<!tpu.dma_semaphore, #tpu.memory_space<semaphore_mem>>)
      %add3A_152 = arith.constant 384 : i32
      %add3A_153 = arith.addi %mul3A_116, %add3A_152 : i32
      %dma_start3A_154 = arith.constant 3 : i32
      %dma_start3A_155 = arith.constant 0 : i32
      %dma_start3A_156 = arith.constant 0 : i32
      %dma_start3A_157 = tpu.memref_slice %arg6[%dma_start3A_154, %dma_start3A_155, %dma_start3A_156] : memref<6x128x128xf32, #tpu.memory_space<vmem>> -> memref<1x128x128xf32, #tpu.memory_space<vmem>>
      %dma_start3A_158 = tpu.memref_squeeze %dma_start3A_157 : memref<1x128x128xf32, #tpu.memory_space<vmem>> -> memref<128x128xf32, #tpu.memory_space<vmem>>
      %dma_start3A_159 = tpu.memref_slice %arg5[%add3A_153] : memref<10000xi32, #tpu.memory_space<vmem>> -> memref<128xi32, #tpu.memory_space<vmem>>
      %dma_start3A_160 = arith.constant 0 : i32
      %dma_start3A_161 = arith.constant 0 : i32
      %dma_start3A_162 = tpu.memref_slice %arg2[%dma_start3A_160, %dma_start3A_161] : memref<10000x128xf32, #tpu.memory_space<hbm>> -> memref<10000x128xf32, #tpu.memory_space<hbm>>
      tpu.enqueue_indirect_dma source(%dma_start3A_162 : memref<10000x128xf32, #tpu.memory_space<hbm>>) target(%dma_start3A_158 : memref<128x128xf32, #tpu.memory_space<vmem>>) offsets(%dma_start3A_159 : memref<128xi32, #tpu.memory_space<vmem>>) semaphore(%arg7 : memref<!tpu.dma_semaphore, #tpu.memory_space<semaphore_mem>>)
      %add3A_163 = arith.constant 512 : i32
      %add3A_164 = arith.addi %mul3A_116, %add3A_163 : i32
      %dma_start3A_165 = arith.constant 4 : i32
      %dma_start3A_166 = arith.constant 0 : i32
      %dma_start3A_167 = arith.constant 0 : i32
      %dma_start3A_168 = tpu.memref_slice %arg6[%dma_start3A_165, %dma_start3A_166, %dma_start3A_167] : memref<6x128x128xf32, #tpu.memory_space<vmem>> -> memref<1x128x128xf32, #tpu.memory_space<vmem>>
      %dma_start3A_169 = tpu.memref_squeeze %dma_start3A_168 : memref<1x128x128xf32, #tpu.memory_space<vmem>> -> memref<128x128xf32, #tpu.memory_space<vmem>>
      %dma_start3A_170 = tpu.memref_slice %arg5[%add3A_164] : memref<10000xi32, #tpu.memory_space<vmem>> -> memref<128xi32, #tpu.memory_space<vmem>>
      %dma_start3A_171 = arith.constant 0 : i32
      %dma_start3A_172 = arith.constant 0 : i32
      %dma_start3A_173 = tpu.memref_slice %arg2[%dma_start3A_171, %dma_start3A_172] : memref<10000x128xf32, #tpu.memory_space<hbm>> -> memref<10000x128xf32, #tpu.memory_space<hbm>>
      tpu.enqueue_indirect_dma source(%dma_start3A_173 : memref<10000x128xf32, #tpu.memory_space<hbm>>) target(%dma_start3A_169 : memref<128x128xf32, #tpu.memory_space<vmem>>) offsets(%dma_start3A_170 : memref<128xi32, #tpu.memory_space<vmem>>) semaphore(%arg7 : memref<!tpu.dma_semaphore, #tpu.memory_space<semaphore_mem>>)
      %add3A_174 = arith.constant 640 : i32
      %add3A_175 = arith.addi %mul3A_116, %add3A_174 : i32
      %dma_start3A_176 = arith.constant 5 : i32
      %dma_start3A_177 = arith.constant 0 : i32
      %dma_start3A_178 = arith.constant 0 : i32
      %dma_start3A_179 = tpu.memref_slice %arg6[%dma_start3A_176, %dma_start3A_177, %dma_start3A_178] : memref<6x128x128xf32, #tpu.memory_space<vmem>> -> memref<1x128x128xf32, #tpu.memory_space<vmem>>
      %dma_start3A_180 = tpu.memref_squeeze %dma_start3A_179 : memref<1x128x128xf32, #tpu.memory_space<vmem>> -> memref<128x128xf32, #tpu.memory_space<vmem>>
      %dma_start3A_181 = tpu.memref_slice %arg5[%add3A_175] : memref<10000xi32, #tpu.memory_space<vmem>> -> memref<128xi32, #tpu.memory_space<vmem>>
      %dma_start3A_182 = arith.constant 0 : i32
      %dma_start3A_183 = arith.constant 0 : i32
      %dma_start3A_184 = tpu.memref_slice %arg2[%dma_start3A_182, %dma_start3A_183] : memref<10000x128xf32, #tpu.memory_space<hbm>> -> memref<10000x128xf32, #tpu.memory_space<hbm>>
      tpu.enqueue_indirect_dma source(%dma_start3A_184 : memref<10000x128xf32, #tpu.memory_space<hbm>>) target(%dma_start3A_180 : memref<128x128xf32, #tpu.memory_space<vmem>>) offsets(%dma_start3A_181 : memref<128xi32, #tpu.memory_space<vmem>>) semaphore(%arg7 : memref<!tpu.dma_semaphore, #tpu.memory_space<semaphore_mem>>)
      %add3A_185 = arith.constant 0 : i32
      %add3A_186 = arith.addi %mul3A_116, %add3A_185 : i32
      %dma_wait3A_187 = arith.constant 0 : i32
      %dma_wait3A_188 = arith.constant 0 : i32
      %dma_wait3A_189 = arith.constant 0 : i32
      %dma_wait3A_190 = tpu.memref_slice %arg6[%dma_wait3A_187, %dma_wait3A_188, %dma_wait3A_189] : memref<6x128x128xf32, #tpu.memory_space<vmem>> -> memref<1x128x128xf32, #tpu.memory_space<vmem>>
      %dma_wait3A_191 = tpu.memref_squeeze %dma_wait3A_190 : memref<1x128x128xf32, #tpu.memory_space<vmem>> -> memref<128x128xf32, #tpu.memory_space<vmem>>
      %dma_wait3A_192 = tpu.memref_slice %arg5[%add3A_186] : memref<10000xi32, #tpu.memory_space<vmem>> -> memref<128xi32, #tpu.memory_space<vmem>>
      %dma_wait3A_193 = arith.constant 0 : i32
      %dma_wait3A_194 = arith.constant 0 : i32
      %dma_wait3A_195 = tpu.memref_slice %arg2[%dma_wait3A_193, %dma_wait3A_194] : memref<10000x128xf32, #tpu.memory_space<hbm>> -> memref<10000x128xf32, #tpu.memory_space<hbm>>
      tpu.wait_indirect_dma semaphore(%arg7 : memref<!tpu.dma_semaphore, #tpu.memory_space<semaphore_mem>>) src(%dma_wait3A_195 : memref<10000x128xf32, #tpu.memory_space<hbm>>) dst(%dma_wait3A_191 : memref<128x128xf32, #tpu.memory_space<vmem>>)
      %add3A_196 = arith.addi %mul3A_2, %mul3A_116 : i32
      %add3A_197 = arith.constant 0 : i32
      %add3A_198 = arith.addi %add3A_196, %add3A_197 : i32
      %dma_start3A_199 = arith.constant 0 : i32
      %dma_start3A_200 = arith.constant 0 : i32
      %dma_start3A_201 = arith.constant 0 : i32
      %dma_start3A_202 = tpu.memref_slice %arg6[%dma_start3A_199, %dma_start3A_200, %dma_start3A_201] : memref<6x128x128xf32, #tpu.memory_space<vmem>> -> memref<1x128x128xf32, #tpu.memory_space<vmem>>
      %dma_start3A_203 = tpu.memref_squeeze %dma_start3A_202 : memref<1x128x128xf32, #tpu.memory_space<vmem>> -> memref<128x128xf32, #tpu.memory_space<vmem>>
      %dma_start3A_204 = arith.constant 0 : i32
      %dma_start3A_205 = tpu.memref_slice %arg4[%add3A_198, %dma_start3A_204] : memref<320000x128xf32, #tpu.memory_space<hbm>> -> memref<128x128xf32, #tpu.memory_space<hbm>>
      %dma_start3A_206 = arith.constant 0 : i32
      %dma_start3A_207 = tpu.memref_slice %arg4[%add3A_198, %dma_start3A_206] : memref<320000x128xf32, #tpu.memory_space<hbm>> -> memref<128x128xf32, #tpu.memory_space<hbm>>
      %dma_start3A_208 = arith.constant 0 : i32
      %dma_start3A_209 = arith.constant 0 : i32
      %dma_start3A_210 = tpu.memref_slice %arg6[%dma_start3A_199, %dma_start3A_208, %dma_start3A_209] : memref<6x128x128xf32, #tpu.memory_space<vmem>> -> memref<1x128x128xf32, #tpu.memory_space<vmem>>
      %dma_start3A_211 = tpu.memref_squeeze %dma_start3A_210 : memref<1x128x128xf32, #tpu.memory_space<vmem>> -> memref<128x128xf32, #tpu.memory_space<vmem>>
      tpu.enqueue_dma source(%dma_start3A_211 : memref<128x128xf32, #tpu.memory_space<vmem>>) target(%dma_start3A_207 : memref<128x128xf32, #tpu.memory_space<hbm>>) target_semaphore(%arg8 : memref<!tpu.dma_semaphore, #tpu.memory_space<semaphore_mem>>)
      %add3A_212 = arith.constant 128 : i32
      %add3A_213 = arith.addi %mul3A_116, %add3A_212 : i32
      %dma_wait3A_214 = arith.constant 1 : i32
      %dma_wait3A_215 = arith.constant 0 : i32
      %dma_wait3A_216 = arith.constant 0 : i32
      %dma_wait3A_217 = tpu.memref_slice %arg6[%dma_wait3A_214, %dma_wait3A_215, %dma_wait3A_216] : memref<6x128x128xf32, #tpu.memory_space<vmem>> -> memref<1x128x128xf32, #tpu.memory_space<vmem>>
      %dma_wait3A_218 = tpu.memref_squeeze %dma_wait3A_217 : memref<1x128x128xf32, #tpu.memory_space<vmem>> -> memref<128x128xf32, #tpu.memory_space<vmem>>
      %dma_wait3A_219 = tpu.memref_slice %arg5[%add3A_213] : memref<10000xi32, #tpu.memory_space<vmem>> -> memref<128xi32, #tpu.memory_space<vmem>>
      %dma_wait3A_220 = arith.constant 0 : i32
      %dma_wait3A_221 = arith.constant 0 : i32
      %dma_wait3A_222 = tpu.memref_slice %arg2[%dma_wait3A_220, %dma_wait3A_221] : memref<10000x128xf32, #tpu.memory_space<hbm>> -> memref<10000x128xf32, #tpu.memory_space<hbm>>
      tpu.wait_indirect_dma semaphore(%arg7 : memref<!tpu.dma_semaphore, #tpu.memory_space<semaphore_mem>>) src(%dma_wait3A_222 : memref<10000x128xf32, #tpu.memory_space<hbm>>) dst(%dma_wait3A_218 : memref<128x128xf32, #tpu.memory_space<vmem>>)
      %add3A_223 = arith.addi %mul3A_2, %mul3A_116 : i32
      %add3A_224 = arith.constant 128 : i32
      %add3A_225 = arith.addi %add3A_223, %add3A_224 : i32
      %dma_start3A_226 = arith.constant 1 : i32
      %dma_start3A_227 = arith.constant 0 : i32
      %dma_start3A_228 = arith.constant 0 : i32
      %dma_start3A_229 = tpu.memref_slice %arg6[%dma_start3A_226, %dma_start3A_227, %dma_start3A_228] : memref<6x128x128xf32, #tpu.memory_space<vmem>> -> memref<1x128x128xf32, #tpu.memory_space<vmem>>
      %dma_start3A_230 = tpu.memref_squeeze %dma_start3A_229 : memref<1x128x128xf32, #tpu.memory_space<vmem>> -> memref<128x128xf32, #tpu.memory_space<vmem>>
      %dma_start3A_231 = arith.constant 0 : i32
      %dma_start3A_232 = tpu.memref_slice %arg4[%add3A_225, %dma_start3A_231] : memref<320000x128xf32, #tpu.memory_space<hbm>> -> memref<128x128xf32, #tpu.memory_space<hbm>>
      %dma_start3A_233 = arith.constant 0 : i32
      %dma_start3A_234 = tpu.memref_slice %arg4[%add3A_225, %dma_start3A_233] : memref<320000x128xf32, #tpu.memory_space<hbm>> -> memref<128x128xf32, #tpu.memory_space<hbm>>
      %dma_start3A_235 = arith.constant 0 : i32
      %dma_start3A_236 = arith.constant 0 : i32
      %dma_start3A_237 = tpu.memref_slice %arg6[%dma_start3A_226, %dma_start3A_235, %dma_start3A_236] : memref<6x128x128xf32, #tpu.memory_space<vmem>> -> memref<1x128x128xf32, #tpu.memory_space<vmem>>
      %dma_start3A_238 = tpu.memref_squeeze %dma_start3A_237 : memref<1x128x128xf32, #tpu.memory_space<vmem>> -> memref<128x128xf32, #tpu.memory_space<vmem>>
      tpu.enqueue_dma source(%dma_start3A_238 : memref<128x128xf32, #tpu.memory_space<vmem>>) target(%dma_start3A_234 : memref<128x128xf32, #tpu.memory_space<hbm>>) target_semaphore(%arg8 : memref<!tpu.dma_semaphore, #tpu.memory_space<semaphore_mem>>)
      %add3A_239 = arith.constant 256 : i32
      %add3A_240 = arith.addi %mul3A_116, %add3A_239 : i32
      %dma_wait3A_241 = arith.constant 2 : i32
      %dma_wait3A_242 = arith.constant 0 : i32
      %dma_wait3A_243 = arith.constant 0 : i32
      %dma_wait3A_244 = tpu.memref_slice %arg6[%dma_wait3A_241, %dma_wait3A_242, %dma_wait3A_243] : memref<6x128x128xf32, #tpu.memory_space<vmem>> -> memref<1x128x128xf32, #tpu.memory_space<vmem>>
      %dma_wait3A_245 = tpu.memref_squeeze %dma_wait3A_244 : memref<1x128x128xf32, #tpu.memory_space<vmem>> -> memref<128x128xf32, #tpu.memory_space<vmem>>
      %dma_wait3A_246 = tpu.memref_slice %arg5[%add3A_240] : memref<10000xi32, #tpu.memory_space<vmem>> -> memref<128xi32, #tpu.memory_space<vmem>>
      %dma_wait3A_247 = arith.constant 0 : i32
      %dma_wait3A_248 = arith.constant 0 : i32
      %dma_wait3A_249 = tpu.memref_slice %arg2[%dma_wait3A_247, %dma_wait3A_248] : memref<10000x128xf32, #tpu.memory_space<hbm>> -> memref<10000x128xf32, #tpu.memory_space<hbm>>
      tpu.wait_indirect_dma semaphore(%arg7 : memref<!tpu.dma_semaphore, #tpu.memory_space<semaphore_mem>>) src(%dma_wait3A_249 : memref<10000x128xf32, #tpu.memory_space<hbm>>) dst(%dma_wait3A_245 : memref<128x128xf32, #tpu.memory_space<vmem>>)
      %add3A_250 = arith.addi %mul3A_2, %mul3A_116 : i32
      %add3A_251 = arith.constant 256 : i32
      %add3A_252 = arith.addi %add3A_250, %add3A_251 : i32
      %dma_start3A_253 = arith.constant 2 : i32
      %dma_start3A_254 = arith.constant 0 : i32
      %dma_start3A_255 = arith.constant 0 : i32
      %dma_start3A_256 = tpu.memref_slice %arg6[%dma_start3A_253, %dma_start3A_254, %dma_start3A_255] : memref<6x128x128xf32, #tpu.memory_space<vmem>> -> memref<1x128x128xf32, #tpu.memory_space<vmem>>
      %dma_start3A_257 = tpu.memref_squeeze %dma_start3A_256 : memref<1x128x128xf32, #tpu.memory_space<vmem>> -> memref<128x128xf32, #tpu.memory_space<vmem>>
      %dma_start3A_258 = arith.constant 0 : i32
      %dma_start3A_259 = tpu.memref_slice %arg4[%add3A_252, %dma_start3A_258] : memref<320000x128xf32, #tpu.memory_space<hbm>> -> memref<128x128xf32, #tpu.memory_space<hbm>>
      %dma_start3A_260 = arith.constant 0 : i32
      %dma_start3A_261 = tpu.memref_slice %arg4[%add3A_252, %dma_start3A_260] : memref<320000x128xf32, #tpu.memory_space<hbm>> -> memref<128x128xf32, #tpu.memory_space<hbm>>
      %dma_start3A_262 = arith.constant 0 : i32
      %dma_start3A_263 = arith.constant 0 : i32
      %dma_start3A_264 = tpu.memref_slice %arg6[%dma_start3A_253, %dma_start3A_262, %dma_start3A_263] : memref<6x128x128xf32, #tpu.memory_space<vmem>> -> memref<1x128x128xf32, #tpu.memory_space<vmem>>
      %dma_start3A_265 = tpu.memref_squeeze %dma_start3A_264 : memref<1x128x128xf32, #tpu.memory_space<vmem>> -> memref<128x128xf32, #tpu.memory_space<vmem>>
      tpu.enqueue_dma source(%dma_start3A_265 : memref<128x128xf32, #tpu.memory_space<vmem>>) target(%dma_start3A_261 : memref<128x128xf32, #tpu.memory_space<hbm>>) target_semaphore(%arg8 : memref<!tpu.dma_semaphore, #tpu.memory_space<semaphore_mem>>)
      %add3A_266 = arith.constant 384 : i32
      %add3A_267 = arith.addi %mul3A_116, %add3A_266 : i32
      %dma_wait3A_268 = arith.constant 3 : i32
      %dma_wait3A_269 = arith.constant 0 : i32
      %dma_wait3A_270 = arith.constant 0 : i32
      %dma_wait3A_271 = tpu.memref_slice %arg6[%dma_wait3A_268, %dma_wait3A_269, %dma_wait3A_270] : memref<6x128x128xf32, #tpu.memory_space<vmem>> -> memref<1x128x128xf32, #tpu.memory_space<vmem>>
      %dma_wait3A_272 = tpu.memref_squeeze %dma_wait3A_271 : memref<1x128x128xf32, #tpu.memory_space<vmem>> -> memref<128x128xf32, #tpu.memory_space<vmem>>
      %dma_wait3A_273 = tpu.memref_slice %arg5[%add3A_267] : memref<10000xi32, #tpu.memory_space<vmem>> -> memref<128xi32, #tpu.memory_space<vmem>>
      %dma_wait3A_274 = arith.constant 0 : i32
      %dma_wait3A_275 = arith.constant 0 : i32
      %dma_wait3A_276 = tpu.memref_slice %arg2[%dma_wait3A_274, %dma_wait3A_275] : memref<10000x128xf32, #tpu.memory_space<hbm>> -> memref<10000x128xf32, #tpu.memory_space<hbm>>
      tpu.wait_indirect_dma semaphore(%arg7 : memref<!tpu.dma_semaphore, #tpu.memory_space<semaphore_mem>>) src(%dma_wait3A_276 : memref<10000x128xf32, #tpu.memory_space<hbm>>) dst(%dma_wait3A_272 : memref<128x128xf32, #tpu.memory_space<vmem>>)
      %add3A_277 = arith.addi %mul3A_2, %mul3A_116 : i32
      %add3A_278 = arith.constant 384 : i32
      %add3A_279 = arith.addi %add3A_277, %add3A_278 : i32
      %dma_start3A_280 = arith.constant 3 : i32
      %dma_start3A_281 = arith.constant 0 : i32
      %dma_start3A_282 = arith.constant 0 : i32
      %dma_start3A_283 = tpu.memref_slice %arg6[%dma_start3A_280, %dma_start3A_281, %dma_start3A_282] : memref<6x128x128xf32, #tpu.memory_space<vmem>> -> memref<1x128x128xf32, #tpu.memory_space<vmem>>
      %dma_start3A_284 = tpu.memref_squeeze %dma_start3A_283 : memref<1x128x128xf32, #tpu.memory_space<vmem>> -> memref<128x128xf32, #tpu.memory_space<vmem>>
      %dma_start3A_285 = arith.constant 0 : i32
      %dma_start3A_286 = tpu.memref_slice %arg4[%add3A_279, %dma_start3A_285] : memref<320000x128xf32, #tpu.memory_space<hbm>> -> memref<128x128xf32, #tpu.memory_space<hbm>>
      %dma_start3A_287 = arith.constant 0 : i32
      %dma_start3A_288 = tpu.memref_slice %arg4[%add3A_279, %dma_start3A_287] : memref<320000x128xf32, #tpu.memory_space<hbm>> -> memref<128x128xf32, #tpu.memory_space<hbm>>
      %dma_start3A_289 = arith.constant 0 : i32
      %dma_start3A_290 = arith.constant 0 : i32
      %dma_start3A_291 = tpu.memref_slice %arg6[%dma_start3A_280, %dma_start3A_289, %dma_start3A_290] : memref<6x128x128xf32, #tpu.memory_space<vmem>> -> memref<1x128x128xf32, #tpu.memory_space<vmem>>
      %dma_start3A_292 = tpu.memref_squeeze %dma_start3A_291 : memref<1x128x128xf32, #tpu.memory_space<vmem>> -> memref<128x128xf32, #tpu.memory_space<vmem>>
      tpu.enqueue_dma source(%dma_start3A_292 : memref<128x128xf32, #tpu.memory_space<vmem>>) target(%dma_start3A_288 : memref<128x128xf32, #tpu.memory_space<hbm>>) target_semaphore(%arg8 : memref<!tpu.dma_semaphore, #tpu.memory_space<semaphore_mem>>)
      %add3A_293 = arith.constant 512 : i32
      %add3A_294 = arith.addi %mul3A_116, %add3A_293 : i32
      %dma_wait3A_295 = arith.constant 4 : i32
      %dma_wait3A_296 = arith.constant 0 : i32
      %dma_wait3A_297 = arith.constant 0 : i32
      %dma_wait3A_298 = tpu.memref_slice %arg6[%dma_wait3A_295, %dma_wait3A_296, %dma_wait3A_297] : memref<6x128x128xf32, #tpu.memory_space<vmem>> -> memref<1x128x128xf32, #tpu.memory_space<vmem>>
      %dma_wait3A_299 = tpu.memref_squeeze %dma_wait3A_298 : memref<1x128x128xf32, #tpu.memory_space<vmem>> -> memref<128x128xf32, #tpu.memory_space<vmem>>
      %dma_wait3A_300 = tpu.memref_slice %arg5[%add3A_294] : memref<10000xi32, #tpu.memory_space<vmem>> -> memref<128xi32, #tpu.memory_space<vmem>>
      %dma_wait3A_301 = arith.constant 0 : i32
      %dma_wait3A_302 = arith.constant 0 : i32
      %dma_wait3A_303 = tpu.memref_slice %arg2[%dma_wait3A_301, %dma_wait3A_302] : memref<10000x128xf32, #tpu.memory_space<hbm>> -> memref<10000x128xf32, #tpu.memory_space<hbm>>
      tpu.wait_indirect_dma semaphore(%arg7 : memref<!tpu.dma_semaphore, #tpu.memory_space<semaphore_mem>>) src(%dma_wait3A_303 : memref<10000x128xf32, #tpu.memory_space<hbm>>) dst(%dma_wait3A_299 : memref<128x128xf32, #tpu.memory_space<vmem>>)
      %add3A_304 = arith.addi %mul3A_2, %mul3A_116 : i32
      %add3A_305 = arith.constant 512 : i32
      %add3A_306 = arith.addi %add3A_304, %add3A_305 : i32
      %dma_start3A_307 = arith.constant 4 : i32
      %dma_start3A_308 = arith.constant 0 : i32
      %dma_start3A_309 = arith.constant 0 : i32
      %dma_start3A_310 = tpu.memref_slice %arg6[%dma_start3A_307, %dma_start3A_308, %dma_start3A_309] : memref<6x128x128xf32, #tpu.memory_space<vmem>> -> memref<1x128x128xf32, #tpu.memory_space<vmem>>
      %dma_start3A_311 = tpu.memref_squeeze %dma_start3A_310 : memref<1x128x128xf32, #tpu.memory_space<vmem>> -> memref<128x128xf32, #tpu.memory_space<vmem>>
      %dma_start3A_312 = arith.constant 0 : i32
      %dma_start3A_313 = tpu.memref_slice %arg4[%add3A_306, %dma_start3A_312] : memref<320000x128xf32, #tpu.memory_space<hbm>> -> memref<128x128xf32, #tpu.memory_space<hbm>>
      %dma_start3A_314 = arith.constant 0 : i32
      %dma_start3A_315 = tpu.memref_slice %arg4[%add3A_306, %dma_start3A_314] : memref<320000x128xf32, #tpu.memory_space<hbm>> -> memref<128x128xf32, #tpu.memory_space<hbm>>
      %dma_start3A_316 = arith.constant 0 : i32
      %dma_start3A_317 = arith.constant 0 : i32
      %dma_start3A_318 = tpu.memref_slice %arg6[%dma_start3A_307, %dma_start3A_316, %dma_start3A_317] : memref<6x128x128xf32, #tpu.memory_space<vmem>> -> memref<1x128x128xf32, #tpu.memory_space<vmem>>
      %dma_start3A_319 = tpu.memref_squeeze %dma_start3A_318 : memref<1x128x128xf32, #tpu.memory_space<vmem>> -> memref<128x128xf32, #tpu.memory_space<vmem>>
      tpu.enqueue_dma source(%dma_start3A_319 : memref<128x128xf32, #tpu.memory_space<vmem>>) target(%dma_start3A_315 : memref<128x128xf32, #tpu.memory_space<hbm>>) target_semaphore(%arg8 : memref<!tpu.dma_semaphore, #tpu.memory_space<semaphore_mem>>)
      %add3A_320 = arith.constant 640 : i32
      %add3A_321 = arith.addi %mul3A_116, %add3A_320 : i32
      %dma_wait3A_322 = arith.constant 5 : i32
      %dma_wait3A_323 = arith.constant 0 : i32
      %dma_wait3A_324 = arith.constant 0 : i32
      %dma_wait3A_325 = tpu.memref_slice %arg6[%dma_wait3A_322, %dma_wait3A_323, %dma_wait3A_324] : memref<6x128x128xf32, #tpu.memory_space<vmem>> -> memref<1x128x128xf32, #tpu.memory_space<vmem>>
      %dma_wait3A_326 = tpu.memref_squeeze %dma_wait3A_325 : memref<1x128x128xf32, #tpu.memory_space<vmem>> -> memref<128x128xf32, #tpu.memory_space<vmem>>
      %dma_wait3A_327 = tpu.memref_slice %arg5[%add3A_321] : memref<10000xi32, #tpu.memory_space<vmem>> -> memref<128xi32, #tpu.memory_space<vmem>>
      %dma_wait3A_328 = arith.constant 0 : i32
      %dma_wait3A_329 = arith.constant 0 : i32
      %dma_wait3A_330 = tpu.memref_slice %arg2[%dma_wait3A_328, %dma_wait3A_329] : memref<10000x128xf32, #tpu.memory_space<hbm>> -> memref<10000x128xf32, #tpu.memory_space<hbm>>
      tpu.wait_indirect_dma semaphore(%arg7 : memref<!tpu.dma_semaphore, #tpu.memory_space<semaphore_mem>>) src(%dma_wait3A_330 : memref<10000x128xf32, #tpu.memory_space<hbm>>) dst(%dma_wait3A_326 : memref<128x128xf32, #tpu.memory_space<vmem>>)
      %add3A_331 = arith.addi %mul3A_2, %mul3A_116 : i32
      %add3A_332 = arith.constant 640 : i32
      %add3A_333 = arith.addi %add3A_331, %add3A_332 : i32
      %dma_start3A_334 = arith.constant 5 : i32
      %dma_start3A_335 = arith.constant 0 : i32
      %dma_start3A_336 = arith.constant 0 : i32
      %dma_start3A_337 = tpu.memref_slice %arg6[%dma_start3A_334, %dma_start3A_335, %dma_start3A_336] : memref<6x128x128xf32, #tpu.memory_space<vmem>> -> memref<1x128x128xf32, #tpu.memory_space<vmem>>
      %dma_start3A_338 = tpu.memref_squeeze %dma_start3A_337 : memref<1x128x128xf32, #tpu.memory_space<vmem>> -> memref<128x128xf32, #tpu.memory_space<vmem>>
      %dma_start3A_339 = arith.constant 0 : i32
      %dma_start3A_340 = tpu.memref_slice %arg4[%add3A_333, %dma_start3A_339] : memref<320000x128xf32, #tpu.memory_space<hbm>> -> memref<128x128xf32, #tpu.memory_space<hbm>>
      %dma_start3A_341 = arith.constant 0 : i32
      %dma_start3A_342 = tpu.memref_slice %arg4[%add3A_333, %dma_start3A_341] : memref<320000x128xf32, #tpu.memory_space<hbm>> -> memref<128x128xf32, #tpu.memory_space<hbm>>
      %dma_start3A_343 = arith.constant 0 : i32
      %dma_start3A_344 = arith.constant 0 : i32
      %dma_start3A_345 = tpu.memref_slice %arg6[%dma_start3A_334, %dma_start3A_343, %dma_start3A_344] : memref<6x128x128xf32, #tpu.memory_space<vmem>> -> memref<1x128x128xf32, #tpu.memory_space<vmem>>
      %dma_start3A_346 = tpu.memref_squeeze %dma_start3A_345 : memref<1x128x128xf32, #tpu.memory_space<vmem>> -> memref<128x128xf32, #tpu.memory_space<vmem>>
      tpu.enqueue_dma source(%dma_start3A_346 : memref<128x128xf32, #tpu.memory_space<vmem>>) target(%dma_start3A_342 : memref<128x128xf32, #tpu.memory_space<hbm>>) target_semaphore(%arg8 : memref<!tpu.dma_semaphore, #tpu.memory_space<semaphore_mem>>)
    }
    %scan3A_7 = arith.constant 13 : i32
    %dma_wait3A = arith.constant 0 : i32
    %dma_wait3A_8 = arith.constant 0 : i32
    %dma_wait3A_9 = arith.constant 0 : i32
    %dma_wait3A_10 = tpu.memref_slice %arg6[%dma_wait3A, %dma_wait3A_8, %dma_wait3A_9] : memref<6x128x128xf32, #tpu.memory_space<vmem>> -> memref<1x128x128xf32, #tpu.memory_space<vmem>>
    %dma_wait3A_11 = tpu.memref_squeeze %dma_wait3A_10 : memref<1x128x128xf32, #tpu.memory_space<vmem>> -> memref<128x128xf32, #tpu.memory_space<vmem>>
    %dma_wait3A_12 = arith.constant 0 : i32
    %dma_wait3A_13 = tpu.memref_slice %arg4[%mul3A_2, %dma_wait3A_12] : memref<320000x128xf32, #tpu.memory_space<hbm>> -> memref<128x128xf32, #tpu.memory_space<hbm>>
    %dma_wait3A_14 = arith.constant 0 : i32
    %dma_wait3A_15 = tpu.memref_slice %arg4[%mul3A_2, %dma_wait3A_14] : memref<320000x128xf32, #tpu.memory_space<hbm>> -> memref<128x128xf32, #tpu.memory_space<hbm>>
    %dma_wait3A_16 = arith.constant 0 : i32
    %dma_wait3A_17 = arith.constant 0 : i32
    %dma_wait3A_18 = tpu.memref_slice %arg6[%dma_wait3A, %dma_wait3A_16, %dma_wait3A_17] : memref<6x128x128xf32, #tpu.memory_space<vmem>> -> memref<1x128x128xf32, #tpu.memory_space<vmem>>
    %dma_wait3A_19 = tpu.memref_squeeze %dma_wait3A_18 : memref<1x128x128xf32, #tpu.memory_space<vmem>> -> memref<128x128xf32, #tpu.memory_space<vmem>>
    tpu.wait_dma2 semaphore(%arg8 : memref<!tpu.dma_semaphore, #tpu.memory_space<semaphore_mem>>) src(%dma_wait3A_19 : memref<128x128xf32, #tpu.memory_space<vmem>>) dst(%dma_wait3A_15 : memref<128x128xf32, #tpu.memory_space<hbm>>)
    %dma_wait3A_20 = arith.constant 1 : i32
    %dma_wait3A_21 = arith.constant 0 : i32
    %dma_wait3A_22 = arith.constant 0 : i32
    %dma_wait3A_23 = tpu.memref_slice %arg6[%dma_wait3A_20, %dma_wait3A_21, %dma_wait3A_22] : memref<6x128x128xf32, #tpu.memory_space<vmem>> -> memref<1x128x128xf32, #tpu.memory_space<vmem>>
    %dma_wait3A_24 = tpu.memref_squeeze %dma_wait3A_23 : memref<1x128x128xf32, #tpu.memory_space<vmem>> -> memref<128x128xf32, #tpu.memory_space<vmem>>
    %dma_wait3A_25 = arith.constant 0 : i32
    %dma_wait3A_26 = tpu.memref_slice %arg4[%mul3A_2, %dma_wait3A_25] : memref<320000x128xf32, #tpu.memory_space<hbm>> -> memref<128x128xf32, #tpu.memory_space<hbm>>
    %dma_wait3A_27 = arith.constant 0 : i32
    %dma_wait3A_28 = tpu.memref_slice %arg4[%mul3A_2, %dma_wait3A_27] : memref<320000x128xf32, #tpu.memory_space<hbm>> -> memref<128x128xf32, #tpu.memory_space<hbm>>
    %dma_wait3A_29 = arith.constant 0 : i32
    %dma_wait3A_30 = arith.constant 0 : i32
    %dma_wait3A_31 = tpu.memref_slice %arg6[%dma_wait3A_20, %dma_wait3A_29, %dma_wait3A_30] : memref<6x128x128xf32, #tpu.memory_space<vmem>> -> memref<1x128x128xf32, #tpu.memory_space<vmem>>
    %dma_wait3A_32 = tpu.memref_squeeze %dma_wait3A_31 : memref<1x128x128xf32, #tpu.memory_space<vmem>> -> memref<128x128xf32, #tpu.memory_space<vmem>>
    tpu.wait_dma2 semaphore(%arg8 : memref<!tpu.dma_semaphore, #tpu.memory_space<semaphore_mem>>) src(%dma_wait3A_32 : memref<128x128xf32, #tpu.memory_space<vmem>>) dst(%dma_wait3A_28 : memref<128x128xf32, #tpu.memory_space<hbm>>)
    %dma_wait3A_33 = arith.constant 2 : i32
    %dma_wait3A_34 = arith.constant 0 : i32
    %dma_wait3A_35 = arith.constant 0 : i32
    %dma_wait3A_36 = tpu.memref_slice %arg6[%dma_wait3A_33, %dma_wait3A_34, %dma_wait3A_35] : memref<6x128x128xf32, #tpu.memory_space<vmem>> -> memref<1x128x128xf32, #tpu.memory_space<vmem>>
    %dma_wait3A_37 = tpu.memref_squeeze %dma_wait3A_36 : memref<1x128x128xf32, #tpu.memory_space<vmem>> -> memref<128x128xf32, #tpu.memory_space<vmem>>
    %dma_wait3A_38 = arith.constant 0 : i32
    %dma_wait3A_39 = tpu.memref_slice %arg4[%mul3A_2, %dma_wait3A_38] : memref<320000x128xf32, #tpu.memory_space<hbm>> -> memref<128x128xf32, #tpu.memory_space<hbm>>
    %dma_wait3A_40 = arith.constant 0 : i32
    %dma_wait3A_41 = tpu.memref_slice %arg4[%mul3A_2, %dma_wait3A_40] : memref<320000x128xf32, #tpu.memory_space<hbm>> -> memref<128x128xf32, #tpu.memory_space<hbm>>
    %dma_wait3A_42 = arith.constant 0 : i32
    %dma_wait3A_43 = arith.constant 0 : i32
    %dma_wait3A_44 = tpu.memref_slice %arg6[%dma_wait3A_33, %dma_wait3A_42, %dma_wait3A_43] : memref<6x128x128xf32, #tpu.memory_space<vmem>> -> memref<1x128x128xf32, #tpu.memory_space<vmem>>
    %dma_wait3A_45 = tpu.memref_squeeze %dma_wait3A_44 : memref<1x128x128xf32, #tpu.memory_space<vmem>> -> memref<128x128xf32, #tpu.memory_space<vmem>>
    tpu.wait_dma2 semaphore(%arg8 : memref<!tpu.dma_semaphore, #tpu.memory_space<semaphore_mem>>) src(%dma_wait3A_45 : memref<128x128xf32, #tpu.memory_space<vmem>>) dst(%dma_wait3A_41 : memref<128x128xf32, #tpu.memory_space<hbm>>)
    %dma_wait3A_46 = arith.constant 3 : i32
    %dma_wait3A_47 = arith.constant 0 : i32
    %dma_wait3A_48 = arith.constant 0 : i32
    %dma_wait3A_49 = tpu.memref_slice %arg6[%dma_wait3A_46, %dma_wait3A_47, %dma_wait3A_48] : memref<6x128x128xf32, #tpu.memory_space<vmem>> -> memref<1x128x128xf32, #tpu.memory_space<vmem>>
    %dma_wait3A_50 = tpu.memref_squeeze %dma_wait3A_49 : memref<1x128x128xf32, #tpu.memory_space<vmem>> -> memref<128x128xf32, #tpu.memory_space<vmem>>
    %dma_wait3A_51 = arith.constant 0 : i32
    %dma_wait3A_52 = tpu.memref_slice %arg4[%mul3A_2, %dma_wait3A_51] : memref<320000x128xf32, #tpu.memory_space<hbm>> -> memref<128x128xf32, #tpu.memory_space<hbm>>
    %dma_wait3A_53 = arith.constant 0 : i32
    %dma_wait3A_54 = tpu.memref_slice %arg4[%mul3A_2, %dma_wait3A_53] : memref<320000x128xf32, #tpu.memory_space<hbm>> -> memref<128x128xf32, #tpu.memory_space<hbm>>
    %dma_wait3A_55 = arith.constant 0 : i32
    %dma_wait3A_56 = arith.constant 0 : i32
    %dma_wait3A_57 = tpu.memref_slice %arg6[%dma_wait3A_46, %dma_wait3A_55, %dma_wait3A_56] : memref<6x128x128xf32, #tpu.memory_space<vmem>> -> memref<1x128x128xf32, #tpu.memory_space<vmem>>
    %dma_wait3A_58 = tpu.memref_squeeze %dma_wait3A_57 : memref<1x128x128xf32, #tpu.memory_space<vmem>> -> memref<128x128xf32, #tpu.memory_space<vmem>>
    tpu.wait_dma2 semaphore(%arg8 : memref<!tpu.dma_semaphore, #tpu.memory_space<semaphore_mem>>) src(%dma_wait3A_58 : memref<128x128xf32, #tpu.memory_space<vmem>>) dst(%dma_wait3A_54 : memref<128x128xf32, #tpu.memory_space<hbm>>)
    %dma_wait3A_59 = arith.constant 4 : i32
    %dma_wait3A_60 = arith.constant 0 : i32
    %dma_wait3A_61 = arith.constant 0 : i32
    %dma_wait3A_62 = tpu.memref_slice %arg6[%dma_wait3A_59, %dma_wait3A_60, %dma_wait3A_61] : memref<6x128x128xf32, #tpu.memory_space<vmem>> -> memref<1x128x128xf32, #tpu.memory_space<vmem>>
    %dma_wait3A_63 = tpu.memref_squeeze %dma_wait3A_62 : memref<1x128x128xf32, #tpu.memory_space<vmem>> -> memref<128x128xf32, #tpu.memory_space<vmem>>
    %dma_wait3A_64 = arith.constant 0 : i32
    %dma_wait3A_65 = tpu.memref_slice %arg4[%mul3A_2, %dma_wait3A_64] : memref<320000x128xf32, #tpu.memory_space<hbm>> -> memref<128x128xf32, #tpu.memory_space<hbm>>
    %dma_wait3A_66 = arith.constant 0 : i32
    %dma_wait3A_67 = tpu.memref_slice %arg4[%mul3A_2, %dma_wait3A_66] : memref<320000x128xf32, #tpu.memory_space<hbm>> -> memref<128x128xf32, #tpu.memory_space<hbm>>
    %dma_wait3A_68 = arith.constant 0 : i32
    %dma_wait3A_69 = arith.constant 0 : i32
    %dma_wait3A_70 = tpu.memref_slice %arg6[%dma_wait3A_59, %dma_wait3A_68, %dma_wait3A_69] : memref<6x128x128xf32, #tpu.memory_space<vmem>> -> memref<1x128x128xf32, #tpu.memory_space<vmem>>
    %dma_wait3A_71 = tpu.memref_squeeze %dma_wait3A_70 : memref<1x128x128xf32, #tpu.memory_space<vmem>> -> memref<128x128xf32, #tpu.memory_space<vmem>>
    tpu.wait_dma2 semaphore(%arg8 : memref<!tpu.dma_semaphore, #tpu.memory_space<semaphore_mem>>) src(%dma_wait3A_71 : memref<128x128xf32, #tpu.memory_space<vmem>>) dst(%dma_wait3A_67 : memref<128x128xf32, #tpu.memory_space<hbm>>)
    %dma_wait3A_72 = arith.constant 5 : i32
    %dma_wait3A_73 = arith.constant 0 : i32
    %dma_wait3A_74 = arith.constant 0 : i32
    %dma_wait3A_75 = tpu.memref_slice %arg6[%dma_wait3A_72, %dma_wait3A_73, %dma_wait3A_74] : memref<6x128x128xf32, #tpu.memory_space<vmem>> -> memref<1x128x128xf32, #tpu.memory_space<vmem>>
    %dma_wait3A_76 = tpu.memref_squeeze %dma_wait3A_75 : memref<1x128x128xf32, #tpu.memory_space<vmem>> -> memref<128x128xf32, #tpu.memory_space<vmem>>
    %dma_wait3A_77 = arith.constant 0 : i32
    %dma_wait3A_78 = tpu.memref_slice %arg4[%mul3A_2, %dma_wait3A_77] : memref<320000x128xf32, #tpu.memory_space<hbm>> -> memref<128x128xf32, #tpu.memory_space<hbm>>
    %dma_wait3A_79 = arith.constant 0 : i32
    %dma_wait3A_80 = tpu.memref_slice %arg4[%mul3A_2, %dma_wait3A_79] : memref<320000x128xf32, #tpu.memory_space<hbm>> -> memref<128x128xf32, #tpu.memory_space<hbm>>
    %dma_wait3A_81 = arith.constant 0 : i32
    %dma_wait3A_82 = arith.constant 0 : i32
    %dma_wait3A_83 = tpu.memref_slice %arg6[%dma_wait3A_72, %dma_wait3A_81, %dma_wait3A_82] : memref<6x128x128xf32, #tpu.memory_space<vmem>> -> memref<1x128x128xf32, #tpu.memory_space<vmem>>
    %dma_wait3A_84 = tpu.memref_squeeze %dma_wait3A_83 : memref<1x128x128xf32, #tpu.memory_space<vmem>> -> memref<128x128xf32, #tpu.memory_space<vmem>>
    tpu.wait_dma2 semaphore(%arg8 : memref<!tpu.dma_semaphore, #tpu.memory_space<semaphore_mem>>) src(%dma_wait3A_84 : memref<128x128xf32, #tpu.memory_space<vmem>>) dst(%dma_wait3A_80 : memref<128x128xf32, #tpu.memory_space<hbm>>)
    %dma_start3A = arith.constant 0 : i32
    %dma_start3A_85 = arith.constant 0 : i32
    %dma_start3A_86 = arith.constant 0 : i32
    %dma_start3A_87 = tpu.memref_slice %arg6[%dma_start3A, %dma_start3A_85, %dma_start3A_86] : memref<6x128x128xf32, #tpu.memory_space<vmem>> -> memref<1x128x128xf32, #tpu.memory_space<vmem>>
    %dma_start3A_88 = tpu.memref_squeeze %dma_start3A_87 : memref<1x128x128xf32, #tpu.memory_space<vmem>> -> memref<128x128xf32, #tpu.memory_space<vmem>>
    %dma_start3A_89 = arith.constant 0 : i32
    %dma_start3A_90 = arith.constant 0 : i32
    %dma_start3A_91 = tpu.memref_slice %dma_start3A_88[%dma_start3A_89, %dma_start3A_90] : memref<128x128xf32, #tpu.memory_space<vmem>> -> memref<16x128xf32, #tpu.memory_space<vmem>>
    %dma_start3A_92 = arith.constant 9984 : i32
    %dma_start3A_93 = tpu.memref_slice %arg5[%dma_start3A_92] : memref<10000xi32, #tpu.memory_space<vmem>> -> memref<16xi32, #tpu.memory_space<vmem>>
    %dma_start3A_94 = arith.constant 0 : i32
    %dma_start3A_95 = arith.constant 0 : i32
    %dma_start3A_96 = tpu.memref_slice %arg2[%dma_start3A_94, %dma_start3A_95] : memref<10000x128xf32, #tpu.memory_space<hbm>> -> memref<10000x128xf32, #tpu.memory_space<hbm>>
    tpu.enqueue_indirect_dma source(%dma_start3A_96 : memref<10000x128xf32, #tpu.memory_space<hbm>>) target(%dma_start3A_91 : memref<16x128xf32, #tpu.memory_space<vmem>>) offsets(%dma_start3A_93 : memref<16xi32, #tpu.memory_space<vmem>>) semaphore(%arg7 : memref<!tpu.dma_semaphore, #tpu.memory_space<semaphore_mem>>)
    %dma_wait3A_97 = arith.constant 0 : i32
    %dma_wait3A_98 = arith.constant 0 : i32
    %dma_wait3A_99 = arith.constant 0 : i32
    %dma_wait3A_100 = tpu.memref_slice %arg6[%dma_wait3A_97, %dma_wait3A_98, %dma_wait3A_99] : memref<6x128x128xf32, #tpu.memory_space<vmem>> -> memref<1x128x128xf32, #tpu.memory_space<vmem>>
    %dma_wait3A_101 = tpu.memref_squeeze %dma_wait3A_100 : memref<1x128x128xf32, #tpu.memory_space<vmem>> -> memref<128x128xf32, #tpu.memory_space<vmem>>
    %dma_wait3A_102 = arith.constant 0 : i32
    %dma_wait3A_103 = arith.constant 0 : i32
    %dma_wait3A_104 = tpu.memref_slice %dma_wait3A_101[%dma_wait3A_102, %dma_wait3A_103] : memref<128x128xf32, #tpu.memory_space<vmem>> -> memref<16x128xf32, #tpu.memory_space<vmem>>
    %dma_wait3A_105 = arith.constant 9984 : i32
    %dma_wait3A_106 = tpu.memref_slice %arg5[%dma_wait3A_105] : memref<10000xi32, #tpu.memory_space<vmem>> -> memref<16xi32, #tpu.memory_space<vmem>>
    %dma_wait3A_107 = arith.constant 0 : i32
    %dma_wait3A_108 = arith.constant 0 : i32
    %dma_wait3A_109 = tpu.memref_slice %arg2[%dma_wait3A_107, %dma_wait3A_108] : memref<10000x128xf32, #tpu.memory_space<hbm>> -> memref<10000x128xf32, #tpu.memory_space<hbm>>
    tpu.wait_indirect_dma semaphore(%arg7 : memref<!tpu.dma_semaphore, #tpu.memory_space<semaphore_mem>>) src(%dma_wait3A_109 : memref<10000x128xf32, #tpu.memory_space<hbm>>) dst(%dma_wait3A_104 : memref<16x128xf32, #tpu.memory_space<vmem>>)
    %add3A_110 = arith.constant 9984 : i32
    %add3A_111 = arith.addi %mul3A_2, %add3A_110 : i32
    %run_scoped3A = arith.constant 0 : i32
    "tpu.region"() ({
      %run_scoped3A_112 = tpu.sem_alloc : memref<!tpu.dma_semaphore, #tpu.memory_space<semaphore_mem>>
      %dma_start3A_113 = arith.constant 0 : i32
      %dma_start3A_114 = arith.constant 0 : i32
      %dma_start3A_115 = tpu.memref_slice %arg6[%run_scoped3A, %dma_start3A_113, %dma_start3A_114] : memref<6x128x128xf32, #tpu.memory_space<vmem>> -> memref<1x128x128xf32, #tpu.memory_space<vmem>>
      %dma_start3A_116 = tpu.memref_squeeze %dma_start3A_115 : memref<1x128x128xf32, #tpu.memory_space<vmem>> -> memref<128x128xf32, #tpu.memory_space<vmem>>
      %dma_start3A_117 = arith.constant 0 : i32
      %dma_start3A_118 = arith.constant 0 : i32
      %dma_start3A_119 = tpu.memref_slice %dma_start3A_116[%dma_start3A_117, %dma_start3A_118] : memref<128x128xf32, #tpu.memory_space<vmem>> -> memref<16x128xf32, #tpu.memory_space<vmem>>
      %dma_start3A_120 = arith.constant 0 : i32
      %dma_start3A_121 = tpu.memref_slice %arg4[%add3A_111, %dma_start3A_120] : memref<320000x128xf32, #tpu.memory_space<hbm>> -> memref<16x128xf32, #tpu.memory_space<hbm>>
      %dma_start3A_122 = arith.constant 0 : i32
      %dma_start3A_123 = tpu.memref_slice %arg4[%add3A_111, %dma_start3A_122] : memref<320000x128xf32, #tpu.memory_space<hbm>> -> memref<16x128xf32, #tpu.memory_space<hbm>>
      %dma_start3A_124 = arith.constant 0 : i32
      %dma_start3A_125 = arith.constant 0 : i32
      %dma_start3A_126 = tpu.memref_slice %arg6[%run_scoped3A, %dma_start3A_124, %dma_start3A_125] : memref<6x128x128xf32, #tpu.memory_space<vmem>> -> memref<1x128x128xf32, #tpu.memory_space<vmem>>
      %dma_start3A_127 = tpu.memref_squeeze %dma_start3A_126 : memref<1x128x128xf32, #tpu.memory_space<vmem>> -> memref<128x128xf32, #tpu.memory_space<vmem>>
      %dma_start3A_128 = arith.constant 0 : i32
      %dma_start3A_129 = arith.constant 0 : i32
      %dma_start3A_130 = tpu.memref_slice %dma_start3A_127[%dma_start3A_128, %dma_start3A_129] : memref<128x128xf32, #tpu.memory_space<vmem>> -> memref<16x128xf32, #tpu.memory_space<vmem>>
      tpu.enqueue_dma source(%dma_start3A_130 : memref<16x128xf32, #tpu.memory_space<vmem>>) target(%dma_start3A_123 : memref<16x128xf32, #tpu.memory_space<hbm>>) target_semaphore(%run_scoped3A_112 : memref<!tpu.dma_semaphore, #tpu.memory_space<semaphore_mem>>)
      %dma_wait3A_131 = arith.constant 0 : i32
      %dma_wait3A_132 = arith.constant 0 : i32
      %dma_wait3A_133 = tpu.memref_slice %arg6[%run_scoped3A, %dma_wait3A_131, %dma_wait3A_132] : memref<6x128x128xf32, #tpu.memory_space<vmem>> -> memref<1x128x128xf32, #tpu.memory_space<vmem>>
      %dma_wait3A_134 = tpu.memref_squeeze %dma_wait3A_133 : memref<1x128x128xf32, #tpu.memory_space<vmem>> -> memref<128x128xf32, #tpu.memory_space<vmem>>
      %dma_wait3A_135 = arith.constant 0 : i32
      %dma_wait3A_136 = arith.constant 0 : i32
      %dma_wait3A_137 = tpu.memref_slice %dma_wait3A_134[%dma_wait3A_135, %dma_wait3A_136] : memref<128x128xf32, #tpu.memory_space<vmem>> -> memref<16x128xf32, #tpu.memory_space<vmem>>
      %dma_wait3A_138 = arith.constant 0 : i32
      %dma_wait3A_139 = tpu.memref_slice %arg4[%add3A_111, %dma_wait3A_138] : memref<320000x128xf32, #tpu.memory_space<hbm>> -> memref<16x128xf32, #tpu.memory_space<hbm>>
      %dma_wait3A_140 = arith.constant 0 : i32
      %dma_wait3A_141 = tpu.memref_slice %arg4[%add3A_111, %dma_wait3A_140] : memref<320000x128xf32, #tpu.memory_space<hbm>> -> memref<16x128xf32, #tpu.memory_space<hbm>>
      %dma_wait3A_142 = arith.constant 0 : i32
      %dma_wait3A_143 = arith.constant 0 : i32
      %dma_wait3A_144 = tpu.memref_slice %arg6[%run_scoped3A, %dma_wait3A_142, %dma_wait3A_143] : memref<6x128x128xf32, #tpu.memory_space<vmem>> -> memref<1x128x128xf32, #tpu.memory_space<vmem>>
      %dma_wait3A_145 = tpu.memref_squeeze %dma_wait3A_144 : memref<1x128x128xf32, #tpu.memory_space<vmem>> -> memref<128x128xf32, #tpu.memory_space<vmem>>
      %dma_wait3A_146 = arith.constant 0 : i32
      %dma_wait3A_147 = arith.constant 0 : i32
      %dma_wait3A_148 = tpu.memref_slice %dma_wait3A_145[%dma_wait3A_146, %dma_wait3A_147] : memref<128x128xf32, #tpu.memory_space<vmem>> -> memref<16x128xf32, #tpu.memory_space<vmem>>
      tpu.wait_dma2 semaphore(%run_scoped3A_112 : memref<!tpu.dma_semaphore, #tpu.memory_space<semaphore_mem>>) src(%dma_wait3A_148 : memref<16x128xf32, #tpu.memory_space<vmem>>) dst(%dma_wait3A_141 : memref<16x128xf32, #tpu.memory_space<hbm>>)
      tpu.yield
    }) : () -> ()
    return
  }
}

module attributes {stable_mosaic.version = 14 : i64} {
  func.func @body(%arg0: i32, %arg1: memref<400x1xi32, #tpu.memory_space<vmem>>, %arg2: memref<100x128xf32, #tpu.memory_space<vmem>>, %arg3: memref<128x128xf32, #tpu.memory_space<vmem>>, %arg4: memref<1x128xf32, #tpu.memory_space<vmem>>, %arg5: memref<400x128xf32, #tpu.memory_space<vmem>>, %arg6: memref<400x128xf32, #tpu.memory_space<vmem>>) attributes {dimension_semantics = [#tpu.dimension_semantics<arbitrary>], iteration_bounds = array<i64: 25>, scalar_prefetch = 0 : i64, scratch_operands = 0 : i64, tpu.core_type = #tpu.core_type<tc>, window_params = [{transform_indices = @transform_0, window_bounds = array<i64: 400, 1>}, {pipeline_mode = #tpu.pipeline_mode<synchronous>, transform_indices = @transform_1, window_bounds = array<i64: 100, 128>}, {pipeline_mode = #tpu.pipeline_mode<synchronous>, transform_indices = @transform_2, window_bounds = array<i64: 128, 128>}, {pipeline_mode = #tpu.pipeline_mode<synchronous>, transform_indices = @transform_3, window_bounds = array<i64: 1, 128>}, {transform_indices = @transform_4, window_bounds = array<i64: 400, 128>}, {transform_indices = @transform_5, window_bounds = array<i64: 400, 128>}]} {
    %iota3A = tpu.iota {dimensions = array<i32: 1>} : vector<400x100xi32>
    %get3A = arith.constant 0 : index
    %get3A_0 = arith.constant 0 : index
    %get3A_1 = vector.load %arg1[%get3A, %get3A_0] : memref<400x1xi32, #tpu.memory_space<vmem>>, vector<400x1xi32>
    %eq3A = vector.broadcast %get3A_1 : vector<400x1xi32> to vector<400x100xi32>
    %eq3A_2 = arith.cmpi eq, %iota3A, %eq3A : vector<400x100xi32>
    %convert_element_type3A = arith.extui %eq3A_2 : vector<400x100xi1> to vector<400x100xi32>
    %convert_element_type3A_3 = arith.sitofp %convert_element_type3A : vector<400x100xi32> to vector<400x100xf32>
    %get3A_4 = arith.constant 0 : index
    %get3A_5 = arith.constant 0 : index
    %get3A_6 = vector.load %arg2[%get3A_4, %get3A_5] : memref<100x128xf32, #tpu.memory_space<vmem>>, vector<100x128xf32>
    %dot_general3A = arith.constant dense<0.000000e+00> : vector<400x128xf32>
    %dot_general3A_7 = tpu.matmul %convert_element_type3A_3, %get3A_6, %dot_general3A {dimension_numbers = #tpu.dot_dimension_numbers<[1], [0], [0], [1], [0, 0, 1, 1], [], []>, transpose_lhs_hint = false} : vector<400x100xf32>, vector<100x128xf32>, vector<400x128xf32> -> vector<400x128xf32>
    %swap3A = arith.constant 0 : index
    %swap3A_8 = arith.constant 0 : index
    %swap3A_9 = vector.load %arg5[%swap3A, %swap3A_8] : memref<400x128xf32, #tpu.memory_space<vmem>>, vector<400x128xf32>
    tpu.vector_store %arg5[%swap3A, %swap3A_8], %dot_general3A_7 {strides = array<i32>} : memref<400x128xf32, #tpu.memory_space<vmem>>, vector<400x128xf32>,
    %get3A_10 = arith.constant 0 : index
    %get3A_11 = arith.constant 0 : index
    %get3A_12 = vector.load %arg3[%get3A_10, %get3A_11] : memref<128x128xf32, #tpu.memory_space<vmem>>, vector<128x128xf32>
    %dot_general3A_13 = arith.constant dense<0.000000e+00> : vector<400x128xf32>
    %dot_general3A_14 = tpu.matmul %dot_general3A_7, %get3A_12, %dot_general3A_13 {dimension_numbers = #tpu.dot_dimension_numbers<[1], [0], [0], [1], [0, 0, 1, 1], [], []>, transpose_lhs_hint = false} : vector<400x128xf32>, vector<128x128xf32>, vector<400x128xf32> -> vector<400x128xf32>
    %get3A_15 = arith.constant 0 : index
    %get3A_16 = arith.constant 0 : index
    %get3A_17 = vector.load %arg4[%get3A_15, %get3A_16] : memref<1x128xf32, #tpu.memory_space<vmem>>, vector<1x128xf32>
    %add3A = vector.broadcast %get3A_17 : vector<1x128xf32> to vector<400x128xf32>
    %add3A_18 = arith.addf %dot_general3A_14, %add3A : vector<400x128xf32>
    %swap3A_19 = arith.constant 0 : index
    %swap3A_20 = arith.constant 0 : index
    %swap3A_21 = vector.load %arg6[%swap3A_19, %swap3A_20] : memref<400x128xf32, #tpu.memory_space<vmem>>, vector<400x128xf32>
    tpu.vector_store %arg6[%swap3A_19, %swap3A_20], %add3A_18 {strides = array<i32>} : memref<400x128xf32, #tpu.memory_space<vmem>>, vector<400x128xf32>,
    return
  }
  func.func @transform_0(%arg0: i32) -> (i32, i32) {
    %c0_i32 = arith.constant 0 : i32
    %c0_i32_0 = arith.constant 0 : i32
    return %arg0, %c0_i32 : i32, i32
  }
  func.func @transform_1(%arg0: i32) -> (i32, i32) {
    %c0_i32 = arith.constant 0 : i32
    %c0_i32_0 = arith.constant 0 : i32
    %c0_i32_1 = arith.constant 0 : i32
    return %c0_i32, %c0_i32_0 : i32, i32
  }
  func.func @transform_2(%arg0: i32) -> (i32, i32) {
    %c0_i32 = arith.constant 0 : i32
    %c0_i32_0 = arith.constant 0 : i32
    %c0_i32_1 = arith.constant 0 : i32
    return %c0_i32, %c0_i32_0 : i32, i32
  }
  func.func @transform_3(%arg0: i32) -> (i32, i32) {
    %c0_i32 = arith.constant 0 : i32
    %c0_i32_0 = arith.constant 0 : i32
    %c0_i32_1 = arith.constant 0 : i32
    return %c0_i32, %c0_i32_0 : i32, i32
  }
  func.func @transform_4(%arg0: i32) -> (i32, i32) {
    %c0_i32 = arith.constant 0 : i32
    %c0_i32_0 = arith.constant 0 : i32
    return %arg0, %c0_i32 : i32, i32
  }
  func.func @transform_5(%arg0: i32) -> (i32, i32) {
    %c0_i32 = arith.constant 0 : i32
    %c0_i32_0 = arith.constant 0 : i32
    return %arg0, %c0_i32 : i32, i32
  }
}

module attributes {stable_mosaic.version = 14 : i64} {
  func.func @body(%arg0: i32, %arg1: memref<400x32x50xbf16, #tpu.memory_space<vmem>>, %arg2: memref<12800x128xf32, #tpu.memory_space<vmem>>, %arg3: memref<400x128xf32, #tpu.memory_space<vmem>>, %arg4: memref<50x128xf32, #tpu.memory_space<vmem>>, %arg5: memref<1x128xf32, #tpu.memory_space<vmem>>, %arg6: memref<128x128xf32, #tpu.memory_space<vmem>>, %arg7: memref<1x128xf32, #tpu.memory_space<vmem>>, %arg8: memref<128x128xf32, #tpu.memory_space<vmem>>, %arg9: memref<1x128xf32, #tpu.memory_space<vmem>>, %arg10: memref<128x128xf32, #tpu.memory_space<vmem>>, %arg11: memref<1x128xf32, #tpu.memory_space<vmem>>, %arg12: memref<128x128xf32, #tpu.memory_space<vmem>>, %arg13: memref<1x128xf32, #tpu.memory_space<vmem>>, %arg14: memref<400x128xf32, #tpu.memory_space<vmem>>, %arg15: memref<400x128xf32, #tpu.memory_space<vmem>>) attributes {dimension_semantics = [#tpu.dimension_semantics<arbitrary>], iteration_bounds = array<i64: 25>, scalar_prefetch = 0 : i64, scratch_operands = 0 : i64, tpu.core_type = #tpu.core_type<tc>, window_params = [{transform_indices = @transform_0, window_bounds = array<i64: 400, 32, 50>}, {transform_indices = @transform_1, window_bounds = array<i64: 12800, 128>}, {transform_indices = @transform_2, window_bounds = array<i64: 400, 128>}, {pipeline_mode = #tpu.pipeline_mode<synchronous>, transform_indices = @transform_3, window_bounds = array<i64: 50, 128>}, {pipeline_mode = #tpu.pipeline_mode<synchronous>, transform_indices = @transform_4, window_bounds = array<i64: 1, 128>}, {pipeline_mode = #tpu.pipeline_mode<synchronous>, transform_indices = @transform_5, window_bounds = array<i64: 128, 128>}, {pipeline_mode = #tpu.pipeline_mode<synchronous>, transform_indices = @transform_6, window_bounds = array<i64: 1, 128>}, {pipeline_mode = #tpu.pipeline_mode<synchronous>, transform_indices = @transform_7, window_bounds = array<i64: 128, 128>}, {pipeline_mode = #tpu.pipeline_mode<synchronous>, transform_indices = @transform_8, window_bounds = array<i64: 1, 128>}, {pipeline_mode = #tpu.pipeline_mode<synchronous>, transform_indices = @transform_9, window_bounds = array<i64: 128, 128>}, {pipeline_mode = #tpu.pipeline_mode<synchronous>, transform_indices = @transform_10, window_bounds = array<i64: 1, 128>}, {pipeline_mode = #tpu.pipeline_mode<synchronous>, transform_indices = @transform_11, window_bounds = array<i64: 128, 128>}, {pipeline_mode = #tpu.pipeline_mode<synchronous>, transform_indices = @transform_12, window_bounds = array<i64: 1, 128>}, {transform_indices = @transform_13, window_bounds = array<i64: 400, 128>}, {transform_indices = @transform_14, window_bounds = array<i64: 400, 128>}]} {
    %get3A = arith.constant 0 : index
    %get3A_0 = arith.constant 0 : index
    %get3A_1 = arith.constant 0 : index
    %get3A_2 = vector.load %arg1[%get3A, %get3A_0, %get3A_1] : memref<400x32x50xbf16, #tpu.memory_space<vmem>>, vector<400x32x50xbf16>
    %reshape3A = vector.shape_cast %get3A_2 : vector<400x32x50xbf16> to vector<12800x50xbf16>
    %get3A_3 = arith.constant 0 : index
    %get3A_4 = arith.constant 0 : index
    %get3A_5 = vector.load %arg4[%get3A_3, %get3A_4] : memref<50x128xf32, #tpu.memory_space<vmem>>, vector<50x128xf32>
    %convert_element_type3A = arith.truncf %get3A_5 : vector<50x128xf32> to vector<50x128xbf16>
    %dot_general3A = arith.constant dense<0.000000e+00> : vector<12800x128xf32>
    %dot_general3A_6 = tpu.matmul %reshape3A, %convert_element_type3A, %dot_general3A {dimension_numbers = #tpu.dot_dimension_numbers<[1], [0], [0], [1], [0, 0, 1, 1], [], []>, transpose_lhs_hint = false} : vector<12800x50xbf16>, vector<50x128xbf16>, vector<12800x128xf32> -> vector<12800x128xf32>
    %get3A_7 = arith.constant 0 : index
    %get3A_8 = arith.constant 0 : index
    %get3A_9 = vector.load %arg5[%get3A_7, %get3A_8] : memref<1x128xf32, #tpu.memory_space<vmem>>, vector<1x128xf32>
    %add3A = vector.broadcast %get3A_9 : vector<1x128xf32> to vector<12800x128xf32>
    %add3A_10 = arith.addf %dot_general3A_6, %add3A : vector<12800x128xf32>
    %max3A = arith.constant 0.000000e+00 : f32
    %max3A_11 = vector.broadcast %max3A : f32 to vector<12800x128xf32>
    %max3A_12 = arith.maximumf %add3A_10, %max3A_11 : vector<12800x128xf32>
    %sub3A = arith.subf %add3A_10, %max3A_12 : vector<12800x128xf32>
    %exp3A = math.exp %sub3A : vector<12800x128xf32>
    %neg3A = arith.constant 0.000000e+00 : f32
    %neg3A_13 = vector.broadcast %neg3A : f32 to vector<12800x128xf32>
    %neg3A_14 = arith.subf %neg3A_13, %max3A_12 : vector<12800x128xf32>
    %exp3A_15 = math.exp %neg3A_14 : vector<12800x128xf32>
    %add3A_16 = arith.addf %exp3A, %exp3A_15 : vector<12800x128xf32>
    %log3A = math.log %add3A_16 : vector<12800x128xf32>
    %add3A_17 = arith.addf %max3A_12, %log3A : vector<12800x128xf32>
    %sub3A_18 = arith.constant 0.693147182 : f32
    %sub3A_19 = vector.broadcast %sub3A_18 : f32 to vector<12800x128xf32>
    %sub3A_20 = arith.subf %add3A_17, %sub3A_19 : vector<12800x128xf32>
    %get3A_21 = arith.constant 0 : index
    %get3A_22 = arith.constant 0 : index
    %get3A_23 = vector.load %arg6[%get3A_21, %get3A_22] : memref<128x128xf32, #tpu.memory_space<vmem>>, vector<128x128xf32>
    %convert_element_type3A_24 = arith.truncf %sub3A_20 : vector<12800x128xf32> to vector<12800x128xbf16>
    %convert_element_type3A_25 = arith.truncf %get3A_23 : vector<128x128xf32> to vector<128x128xbf16>
    %dot_general3A_26 = arith.constant dense<0.000000e+00> : vector<12800x128xf32>
    %dot_general3A_27 = tpu.matmul %convert_element_type3A_24, %convert_element_type3A_25, %dot_general3A_26 {dimension_numbers = #tpu.dot_dimension_numbers<[1], [0], [0], [1], [0, 0, 1, 1], [], []>, transpose_lhs_hint = false} : vector<12800x128xbf16>, vector<128x128xbf16>, vector<12800x128xf32> -> vector<12800x128xf32>
    %get3A_28 = arith.constant 0 : index
    %get3A_29 = arith.constant 0 : index
    %get3A_30 = vector.load %arg7[%get3A_28, %get3A_29] : memref<1x128xf32, #tpu.memory_space<vmem>>, vector<1x128xf32>
    %add3A_31 = vector.broadcast %get3A_30 : vector<1x128xf32> to vector<12800x128xf32>
    %add3A_32 = arith.addf %dot_general3A_27, %add3A_31 : vector<12800x128xf32>
    %get3A_33 = arith.constant 0 : index
    %get3A_34 = arith.constant 0 : index
    %get3A_35 = vector.load %arg2[%get3A_33, %get3A_34] : memref<12800x128xf32, #tpu.memory_space<vmem>>, vector<12800x128xf32>
    %mul3A = arith.mulf %add3A_32, %get3A_35 : vector<12800x128xf32>
    %reshape3A_36 = vector.shape_cast %mul3A : vector<12800x128xf32> to vector<400x32x128xf32>
    %reduce_sum3A = arith.constant dense<0.000000e+00> : vector<400x128xf32>
    %reduce_sum3A_37 = vector.multi_reduction <add>, %reshape3A_36, %reduce_sum3A [1] : vector<400x32x128xf32> to vector<400x128xf32>
    %get3A_38 = arith.constant 0 : index
    %get3A_39 = arith.constant 0 : index
    %get3A_40 = vector.load %arg8[%get3A_38, %get3A_39] : memref<128x128xf32, #tpu.memory_space<vmem>>, vector<128x128xf32>
    %dot_general3A_41 = arith.constant dense<0.000000e+00> : vector<400x128xf32>
    %dot_general3A_42 = tpu.matmul %reduce_sum3A_37, %get3A_40, %dot_general3A_41 {dimension_numbers = #tpu.dot_dimension_numbers<[1], [0], [0], [1], [0, 0, 1, 1], [], []>, transpose_lhs_hint = false} : vector<400x128xf32>, vector<128x128xf32>, vector<400x128xf32> -> vector<400x128xf32>
    %get3A_43 = arith.constant 0 : index
    %get3A_44 = arith.constant 0 : index
    %get3A_45 = vector.load %arg9[%get3A_43, %get3A_44] : memref<1x128xf32, #tpu.memory_space<vmem>>, vector<1x128xf32>
    %add3A_46 = vector.broadcast %get3A_45 : vector<1x128xf32> to vector<400x128xf32>
    %add3A_47 = arith.addf %dot_general3A_42, %add3A_46 : vector<400x128xf32>
    %max3A_48 = arith.constant 0.000000e+00 : f32
    %max3A_49 = vector.broadcast %max3A_48 : f32 to vector<400x128xf32>
    %max3A_50 = arith.maximumf %add3A_47, %max3A_49 : vector<400x128xf32>
    %sub3A_51 = arith.subf %add3A_47, %max3A_50 : vector<400x128xf32>
    %exp3A_52 = math.exp %sub3A_51 : vector<400x128xf32>
    %neg3A_53 = arith.constant 0.000000e+00 : f32
    %neg3A_54 = vector.broadcast %neg3A_53 : f32 to vector<400x128xf32>
    %neg3A_55 = arith.subf %neg3A_54, %max3A_50 : vector<400x128xf32>
    %exp3A_56 = math.exp %neg3A_55 : vector<400x128xf32>
    %add3A_57 = arith.addf %exp3A_52, %exp3A_56 : vector<400x128xf32>
    %log3A_58 = math.log %add3A_57 : vector<400x128xf32>
    %add3A_59 = arith.addf %max3A_50, %log3A_58 : vector<400x128xf32>
    %sub3A_60 = arith.constant 0.693147182 : f32
    %sub3A_61 = vector.broadcast %sub3A_60 : f32 to vector<400x128xf32>
    %sub3A_62 = arith.subf %add3A_59, %sub3A_61 : vector<400x128xf32>
    %get3A_63 = arith.constant 0 : index
    %get3A_64 = arith.constant 0 : index
    %get3A_65 = vector.load %arg10[%get3A_63, %get3A_64] : memref<128x128xf32, #tpu.memory_space<vmem>>, vector<128x128xf32>
    %dot_general3A_66 = arith.constant dense<0.000000e+00> : vector<400x128xf32>
    %dot_general3A_67 = tpu.matmul %sub3A_62, %get3A_65, %dot_general3A_66 {dimension_numbers = #tpu.dot_dimension_numbers<[1], [0], [0], [1], [0, 0, 1, 1], [], []>, transpose_lhs_hint = false} : vector<400x128xf32>, vector<128x128xf32>, vector<400x128xf32> -> vector<400x128xf32>
    %get3A_68 = arith.constant 0 : index
    %get3A_69 = arith.constant 0 : index
    %get3A_70 = vector.load %arg11[%get3A_68, %get3A_69] : memref<1x128xf32, #tpu.memory_space<vmem>>, vector<1x128xf32>
    %add3A_71 = vector.broadcast %get3A_70 : vector<1x128xf32> to vector<400x128xf32>
    %add3A_72 = arith.addf %dot_general3A_67, %add3A_71 : vector<400x128xf32>
    %get3A_73 = arith.constant 0 : index
    %get3A_74 = arith.constant 0 : index
    %get3A_75 = vector.load %arg3[%get3A_73, %get3A_74] : memref<400x128xf32, #tpu.memory_space<vmem>>, vector<400x128xf32>
    %add3A_76 = arith.addf %get3A_75, %add3A_72 : vector<400x128xf32>
    %swap3A = arith.constant 0 : index
    %swap3A_77 = arith.constant 0 : index
    %swap3A_78 = vector.load %arg14[%swap3A, %swap3A_77] : memref<400x128xf32, #tpu.memory_space<vmem>>, vector<400x128xf32>
    tpu.vector_store %arg14[%swap3A, %swap3A_77], %add3A_76 {strides = array<i32>} : memref<400x128xf32, #tpu.memory_space<vmem>>, vector<400x128xf32>,
    %get3A_79 = arith.constant 0 : index
    %get3A_80 = arith.constant 0 : index
    %get3A_81 = vector.load %arg12[%get3A_79, %get3A_80] : memref<128x128xf32, #tpu.memory_space<vmem>>, vector<128x128xf32>
    %dot_general3A_82 = arith.constant dense<0.000000e+00> : vector<400x128xf32>
    %dot_general3A_83 = tpu.matmul %add3A_76, %get3A_81, %dot_general3A_82 {dimension_numbers = #tpu.dot_dimension_numbers<[1], [0], [0], [1], [0, 0, 1, 1], [], []>, transpose_lhs_hint = false} : vector<400x128xf32>, vector<128x128xf32>, vector<400x128xf32> -> vector<400x128xf32>
    %get3A_84 = arith.constant 0 : index
    %get3A_85 = arith.constant 0 : index
    %get3A_86 = vector.load %arg13[%get3A_84, %get3A_85] : memref<1x128xf32, #tpu.memory_space<vmem>>, vector<1x128xf32>
    %add3A_87 = vector.broadcast %get3A_86 : vector<1x128xf32> to vector<400x128xf32>
    %add3A_88 = arith.addf %dot_general3A_83, %add3A_87 : vector<400x128xf32>
    %swap3A_89 = arith.constant 0 : index
    %swap3A_90 = arith.constant 0 : index
    %swap3A_91 = vector.load %arg15[%swap3A_89, %swap3A_90] : memref<400x128xf32, #tpu.memory_space<vmem>>, vector<400x128xf32>
    tpu.vector_store %arg15[%swap3A_89, %swap3A_90], %add3A_88 {strides = array<i32>} : memref<400x128xf32, #tpu.memory_space<vmem>>, vector<400x128xf32>,
    return
  }
  func.func @transform_0(%arg0: i32) -> (i32, i32, i32) {
    %c0_i32 = arith.constant 0 : i32
    %c0_i32_0 = arith.constant 0 : i32
    %c0_i32_1 = arith.constant 0 : i32
    return %arg0, %c0_i32, %c0_i32_0 : i32, i32, i32
  }
  func.func @transform_1(%arg0: i32) -> (i32, i32) {
    %c0_i32 = arith.constant 0 : i32
    %c0_i32_0 = arith.constant 0 : i32
    return %arg0, %c0_i32 : i32, i32
  }
  func.func @transform_2(%arg0: i32) -> (i32, i32) {
    %c0_i32 = arith.constant 0 : i32
    %c0_i32_0 = arith.constant 0 : i32
    return %arg0, %c0_i32 : i32, i32
  }
  func.func @transform_3(%arg0: i32) -> (i32, i32) {
    %c0_i32 = arith.constant 0 : i32
    %c0_i32_0 = arith.constant 0 : i32
    %c0_i32_1 = arith.constant 0 : i32
    return %c0_i32, %c0_i32_0 : i32, i32
  }
  func.func @transform_4(%arg0: i32) -> (i32, i32) {
    %c0_i32 = arith.constant 0 : i32
    %c0_i32_0 = arith.constant 0 : i32
    %c0_i32_1 = arith.constant 0 : i32
    return %c0_i32, %c0_i32_0 : i32, i32
  }
  func.func @transform_5(%arg0: i32) -> (i32, i32) {
    %c0_i32 = arith.constant 0 : i32
    %c0_i32_0 = arith.constant 0 : i32
    %c0_i32_1 = arith.constant 0 : i32
    return %c0_i32, %c0_i32_0 : i32, i32
  }
  func.func @transform_6(%arg0: i32) -> (i32, i32) {
    %c0_i32 = arith.constant 0 : i32
    %c0_i32_0 = arith.constant 0 : i32
    %c0_i32_1 = arith.constant 0 : i32
    return %c0_i32, %c0_i32_0 : i32, i32
  }
  func.func @transform_7(%arg0: i32) -> (i32, i32) {
    %c0_i32 = arith.constant 0 : i32
    %c0_i32_0 = arith.constant 0 : i32
    %c0_i32_1 = arith.constant 0 : i32
    return %c0_i32, %c0_i32_0 : i32, i32
  }
  func.func @transform_8(%arg0: i32) -> (i32, i32) {
    %c0_i32 = arith.constant 0 : i32
    %c0_i32_0 = arith.constant 0 : i32
    %c0_i32_1 = arith.constant 0 : i32
    return %c0_i32, %c0_i32_0 : i32, i32
  }
  func.func @transform_9(%arg0: i32) -> (i32, i32) {
    %c0_i32 = arith.constant 0 : i32
    %c0_i32_0 = arith.constant 0 : i32
    %c0_i32_1 = arith.constant 0 : i32
    return %c0_i32, %c0_i32_0 : i32, i32
  }
  func.func @transform_10(%arg0: i32) -> (i32, i32) {
    %c0_i32 = arith.constant 0 : i32
    %c0_i32_0 = arith.constant 0 : i32
    %c0_i32_1 = arith.constant 0 : i32
    return %c0_i32, %c0_i32_0 : i32, i32
  }
  func.func @transform_11(%arg0: i32) -> (i32, i32) {
    %c0_i32 = arith.constant 0 : i32
    %c0_i32_0 = arith.constant 0 : i32
    %c0_i32_1 = arith.constant 0 : i32
    return %c0_i32, %c0_i32_0 : i32, i32
  }
  func.func @transform_12(%arg0: i32) -> (i32, i32) {
    %c0_i32 = arith.constant 0 : i32
    %c0_i32_0 = arith.constant 0 : i32
    %c0_i32_1 = arith.constant 0 : i32
    return %c0_i32, %c0_i32_0 : i32, i32
  }
  func.func @transform_13(%arg0: i32) -> (i32, i32) {
    %c0_i32 = arith.constant 0 : i32
    %c0_i32_0 = arith.constant 0 : i32
    return %arg0, %c0_i32 : i32, i32
  }
  func.func @transform_14(%arg0: i32) -> (i32, i32) {
    %c0_i32 = arith.constant 0 : i32
    %c0_i32_0 = arith.constant 0 : i32
    return %arg0, %c0_i32 : i32, i32
  }
}

module attributes {stable_mosaic.version = 14 : i64} {
  func.func @body(%arg0: i32, %arg1: memref<400x32x50xbf16, #tpu.memory_space<vmem>>, %arg2: memref<12800x128xf32, #tpu.memory_space<vmem>>, %arg3: memref<400x128xf32, #tpu.memory_space<vmem>>, %arg4: memref<50x128xf32, #tpu.memory_space<vmem>>, %arg5: memref<1x128xf32, #tpu.memory_space<vmem>>, %arg6: memref<128x128xf32, #tpu.memory_space<vmem>>, %arg7: memref<1x128xf32, #tpu.memory_space<vmem>>, %arg8: memref<128x128xf32, #tpu.memory_space<vmem>>, %arg9: memref<1x128xf32, #tpu.memory_space<vmem>>, %arg10: memref<128x128xf32, #tpu.memory_space<vmem>>, %arg11: memref<1x128xf32, #tpu.memory_space<vmem>>, %arg12: memref<128x64xf32, #tpu.memory_space<vmem>>, %arg13: memref<1x64xf32, #tpu.memory_space<vmem>>, %arg14: memref<64x1xf32, #tpu.memory_space<vmem>>, %arg15: memref<1x1xf32, #tpu.memory_space<vmem>>, %arg16: memref<1x1xf32, #tpu.memory_space<vmem>>, %arg17: memref<1x64xf32, #tpu.memory_space<vmem>>) attributes {dimension_semantics = [#tpu.dimension_semantics<arbitrary>], iteration_bounds = array<i64: 25>, scalar_prefetch = 0 : i64, scratch_operands = 1 : i64, tpu.core_type = #tpu.core_type<tc>, window_params = [{transform_indices = @transform_0, window_bounds = array<i64: 400, 32, 50>}, {transform_indices = @transform_1, window_bounds = array<i64: 12800, 128>}, {transform_indices = @transform_2, window_bounds = array<i64: 400, 128>}, {pipeline_mode = #tpu.pipeline_mode<synchronous>, transform_indices = @transform_3, window_bounds = array<i64: 50, 128>}, {pipeline_mode = #tpu.pipeline_mode<synchronous>, transform_indices = @transform_4, window_bounds = array<i64: 1, 128>}, {pipeline_mode = #tpu.pipeline_mode<synchronous>, transform_indices = @transform_5, window_bounds = array<i64: 128, 128>}, {pipeline_mode = #tpu.pipeline_mode<synchronous>, transform_indices = @transform_6, window_bounds = array<i64: 1, 128>}, {pipeline_mode = #tpu.pipeline_mode<synchronous>, transform_indices = @transform_7, window_bounds = array<i64: 128, 128>}, {pipeline_mode = #tpu.pipeline_mode<synchronous>, transform_indices = @transform_8, window_bounds = array<i64: 1, 128>}, {pipeline_mode = #tpu.pipeline_mode<synchronous>, transform_indices = @transform_9, window_bounds = array<i64: 128, 128>}, {pipeline_mode = #tpu.pipeline_mode<synchronous>, transform_indices = @transform_10, window_bounds = array<i64: 1, 128>}, {pipeline_mode = #tpu.pipeline_mode<synchronous>, transform_indices = @transform_11, window_bounds = array<i64: 128, 64>}, {pipeline_mode = #tpu.pipeline_mode<synchronous>, transform_indices = @transform_12, window_bounds = array<i64: 1, 64>}, {pipeline_mode = #tpu.pipeline_mode<synchronous>, transform_indices = @transform_13, window_bounds = array<i64: 64, 1>}, {pipeline_mode = #tpu.pipeline_mode<synchronous>, transform_indices = @transform_14, window_bounds = array<i64: 1, 1>}, {pipeline_mode = #tpu.pipeline_mode<synchronous>, transform_indices = @transform_15, window_bounds = array<i64: 1, 1>}]} {
    %get3A = arith.constant 0 : index
    %get3A_0 = arith.constant 0 : index
    %get3A_1 = arith.constant 0 : index
    %get3A_2 = vector.load %arg1[%get3A, %get3A_0, %get3A_1] : memref<400x32x50xbf16, #tpu.memory_space<vmem>>, vector<400x32x50xbf16>
    %reshape3A = vector.shape_cast %get3A_2 : vector<400x32x50xbf16> to vector<12800x50xbf16>
    %get3A_3 = arith.constant 0 : index
    %get3A_4 = arith.constant 0 : index
    %get3A_5 = vector.load %arg4[%get3A_3, %get3A_4] : memref<50x128xf32, #tpu.memory_space<vmem>>, vector<50x128xf32>
    %convert_element_type3A = arith.truncf %get3A_5 : vector<50x128xf32> to vector<50x128xbf16>
    %dot_general3A = arith.constant dense<0.000000e+00> : vector<12800x128xf32>
    %dot_general3A_6 = tpu.matmul %reshape3A, %convert_element_type3A, %dot_general3A {dimension_numbers = #tpu.dot_dimension_numbers<[1], [0], [0], [1], [0, 0, 1, 1], [], []>, transpose_lhs_hint = false} : vector<12800x50xbf16>, vector<50x128xbf16>, vector<12800x128xf32> -> vector<12800x128xf32>
    %get3A_7 = arith.constant 0 : index
    %get3A_8 = arith.constant 0 : index
    %get3A_9 = vector.load %arg5[%get3A_7, %get3A_8] : memref<1x128xf32, #tpu.memory_space<vmem>>, vector<1x128xf32>
    %add3A = vector.broadcast %get3A_9 : vector<1x128xf32> to vector<12800x128xf32>
    %add3A_10 = arith.addf %dot_general3A_6, %add3A : vector<12800x128xf32>
    %max3A = arith.constant 0.000000e+00 : f32
    %max3A_11 = vector.broadcast %max3A : f32 to vector<12800x128xf32>
    %max3A_12 = arith.maximumf %add3A_10, %max3A_11 : vector<12800x128xf32>
    %sub3A = arith.subf %add3A_10, %max3A_12 : vector<12800x128xf32>
    %exp3A = math.exp %sub3A : vector<12800x128xf32>
    %neg3A = arith.constant 0.000000e+00 : f32
    %neg3A_13 = vector.broadcast %neg3A : f32 to vector<12800x128xf32>
    %neg3A_14 = arith.subf %neg3A_13, %max3A_12 : vector<12800x128xf32>
    %exp3A_15 = math.exp %neg3A_14 : vector<12800x128xf32>
    %add3A_16 = arith.addf %exp3A, %exp3A_15 : vector<12800x128xf32>
    %log3A = math.log %add3A_16 : vector<12800x128xf32>
    %add3A_17 = arith.addf %max3A_12, %log3A : vector<12800x128xf32>
    %sub3A_18 = arith.constant 0.693147182 : f32
    %sub3A_19 = vector.broadcast %sub3A_18 : f32 to vector<12800x128xf32>
    %sub3A_20 = arith.subf %add3A_17, %sub3A_19 : vector<12800x128xf32>
    %get3A_21 = arith.constant 0 : index
    %get3A_22 = arith.constant 0 : index
    %get3A_23 = vector.load %arg6[%get3A_21, %get3A_22] : memref<128x128xf32, #tpu.memory_space<vmem>>, vector<128x128xf32>
    %convert_element_type3A_24 = arith.truncf %sub3A_20 : vector<12800x128xf32> to vector<12800x128xbf16>
    %convert_element_type3A_25 = arith.truncf %get3A_23 : vector<128x128xf32> to vector<128x128xbf16>
    %dot_general3A_26 = arith.constant dense<0.000000e+00> : vector<12800x128xf32>
    %dot_general3A_27 = tpu.matmul %convert_element_type3A_24, %convert_element_type3A_25, %dot_general3A_26 {dimension_numbers = #tpu.dot_dimension_numbers<[1], [0], [0], [1], [0, 0, 1, 1], [], []>, transpose_lhs_hint = false} : vector<12800x128xbf16>, vector<128x128xbf16>, vector<12800x128xf32> -> vector<12800x128xf32>
    %get3A_28 = arith.constant 0 : index
    %get3A_29 = arith.constant 0 : index
    %get3A_30 = vector.load %arg7[%get3A_28, %get3A_29] : memref<1x128xf32, #tpu.memory_space<vmem>>, vector<1x128xf32>
    %add3A_31 = vector.broadcast %get3A_30 : vector<1x128xf32> to vector<12800x128xf32>
    %add3A_32 = arith.addf %dot_general3A_27, %add3A_31 : vector<12800x128xf32>
    %get3A_33 = arith.constant 0 : index
    %get3A_34 = arith.constant 0 : index
    %get3A_35 = vector.load %arg2[%get3A_33, %get3A_34] : memref<12800x128xf32, #tpu.memory_space<vmem>>, vector<12800x128xf32>
    %mul3A = arith.mulf %add3A_32, %get3A_35 : vector<12800x128xf32>
    %reshape3A_36 = vector.shape_cast %mul3A : vector<12800x128xf32> to vector<400x32x128xf32>
    %reduce_sum3A = arith.constant dense<0.000000e+00> : vector<400x128xf32>
    %reduce_sum3A_37 = vector.multi_reduction <add>, %reshape3A_36, %reduce_sum3A [1] : vector<400x32x128xf32> to vector<400x128xf32>
    %get3A_38 = arith.constant 0 : index
    %get3A_39 = arith.constant 0 : index
    %get3A_40 = vector.load %arg8[%get3A_38, %get3A_39] : memref<128x128xf32, #tpu.memory_space<vmem>>, vector<128x128xf32>
    %dot_general3A_41 = arith.constant dense<0.000000e+00> : vector<400x128xf32>
    %dot_general3A_42 = tpu.matmul %reduce_sum3A_37, %get3A_40, %dot_general3A_41 {dimension_numbers = #tpu.dot_dimension_numbers<[1], [0], [0], [1], [0, 0, 1, 1], [], []>, transpose_lhs_hint = false} : vector<400x128xf32>, vector<128x128xf32>, vector<400x128xf32> -> vector<400x128xf32>
    %get3A_43 = arith.constant 0 : index
    %get3A_44 = arith.constant 0 : index
    %get3A_45 = vector.load %arg9[%get3A_43, %get3A_44] : memref<1x128xf32, #tpu.memory_space<vmem>>, vector<1x128xf32>
    %add3A_46 = vector.broadcast %get3A_45 : vector<1x128xf32> to vector<400x128xf32>
    %add3A_47 = arith.addf %dot_general3A_42, %add3A_46 : vector<400x128xf32>
    %max3A_48 = arith.constant 0.000000e+00 : f32
    %max3A_49 = vector.broadcast %max3A_48 : f32 to vector<400x128xf32>
    %max3A_50 = arith.maximumf %add3A_47, %max3A_49 : vector<400x128xf32>
    %sub3A_51 = arith.subf %add3A_47, %max3A_50 : vector<400x128xf32>
    %exp3A_52 = math.exp %sub3A_51 : vector<400x128xf32>
    %neg3A_53 = arith.constant 0.000000e+00 : f32
    %neg3A_54 = vector.broadcast %neg3A_53 : f32 to vector<400x128xf32>
    %neg3A_55 = arith.subf %neg3A_54, %max3A_50 : vector<400x128xf32>
    %exp3A_56 = math.exp %neg3A_55 : vector<400x128xf32>
    %add3A_57 = arith.addf %exp3A_52, %exp3A_56 : vector<400x128xf32>
    %log3A_58 = math.log %add3A_57 : vector<400x128xf32>
    %add3A_59 = arith.addf %max3A_50, %log3A_58 : vector<400x128xf32>
    %sub3A_60 = arith.constant 0.693147182 : f32
    %sub3A_61 = vector.broadcast %sub3A_60 : f32 to vector<400x128xf32>
    %sub3A_62 = arith.subf %add3A_59, %sub3A_61 : vector<400x128xf32>
    %get3A_63 = arith.constant 0 : index
    %get3A_64 = arith.constant 0 : index
    %get3A_65 = vector.load %arg10[%get3A_63, %get3A_64] : memref<128x128xf32, #tpu.memory_space<vmem>>, vector<128x128xf32>
    %dot_general3A_66 = arith.constant dense<0.000000e+00> : vector<400x128xf32>
    %dot_general3A_67 = tpu.matmul %sub3A_62, %get3A_65, %dot_general3A_66 {dimension_numbers = #tpu.dot_dimension_numbers<[1], [0], [0], [1], [0, 0, 1, 1], [], []>, transpose_lhs_hint = false} : vector<400x128xf32>, vector<128x128xf32>, vector<400x128xf32> -> vector<400x128xf32>
    %get3A_68 = arith.constant 0 : index
    %get3A_69 = arith.constant 0 : index
    %get3A_70 = vector.load %arg11[%get3A_68, %get3A_69] : memref<1x128xf32, #tpu.memory_space<vmem>>, vector<1x128xf32>
    %add3A_71 = vector.broadcast %get3A_70 : vector<1x128xf32> to vector<400x128xf32>
    %add3A_72 = arith.addf %dot_general3A_67, %add3A_71 : vector<400x128xf32>
    %get3A_73 = arith.constant 0 : index
    %get3A_74 = arith.constant 0 : index
    %get3A_75 = vector.load %arg3[%get3A_73, %get3A_74] : memref<400x128xf32, #tpu.memory_space<vmem>>, vector<400x128xf32>
    %add3A_76 = arith.addf %get3A_75, %add3A_72 : vector<400x128xf32>
    %get3A_77 = arith.constant 0 : index
    %get3A_78 = arith.constant 0 : index
    %get3A_79 = vector.load %arg12[%get3A_77, %get3A_78] : memref<128x64xf32, #tpu.memory_space<vmem>>, vector<128x64xf32>
    %dot_general3A_80 = arith.constant dense<0.000000e+00> : vector<400x64xf32>
    %dot_general3A_81 = tpu.matmul %add3A_76, %get3A_79, %dot_general3A_80 {dimension_numbers = #tpu.dot_dimension_numbers<[1], [0], [0], [1], [0, 0, 1, 1], [], []>, transpose_lhs_hint = false} : vector<400x128xf32>, vector<128x64xf32>, vector<400x64xf32> -> vector<400x64xf32>
    %get3A_82 = arith.constant 0 : index
    %get3A_83 = arith.constant 0 : index
    %get3A_84 = vector.load %arg13[%get3A_82, %get3A_83] : memref<1x64xf32, #tpu.memory_space<vmem>>, vector<1x64xf32>
    %add3A_85 = vector.broadcast %get3A_84 : vector<1x64xf32> to vector<400x64xf32>
    %add3A_86 = arith.addf %dot_general3A_81, %add3A_85 : vector<400x64xf32>
    %max3A_87 = arith.constant 0.000000e+00 : f32
    %max3A_88 = vector.broadcast %max3A_87 : f32 to vector<400x64xf32>
    %max3A_89 = arith.maximumf %add3A_86, %max3A_88 : vector<400x64xf32>
    %sub3A_90 = arith.subf %add3A_86, %max3A_89 : vector<400x64xf32>
    %exp3A_91 = math.exp %sub3A_90 : vector<400x64xf32>
    %neg3A_92 = arith.constant 0.000000e+00 : f32
    %neg3A_93 = vector.broadcast %neg3A_92 : f32 to vector<400x64xf32>
    %neg3A_94 = arith.subf %neg3A_93, %max3A_89 : vector<400x64xf32>
    %exp3A_95 = math.exp %neg3A_94 : vector<400x64xf32>
    %add3A_96 = arith.addf %exp3A_91, %exp3A_95 : vector<400x64xf32>
    %log3A_97 = math.log %add3A_96 : vector<400x64xf32>
    %add3A_98 = arith.addf %max3A_89, %log3A_97 : vector<400x64xf32>
    %sub3A_99 = arith.constant 0.693147182 : f32
    %sub3A_100 = vector.broadcast %sub3A_99 : f32 to vector<400x64xf32>
    %sub3A_101 = arith.subf %add3A_98, %sub3A_100 : vector<400x64xf32>
    %eq3A = arith.constant 0 : i32
    %eq3A_102 = arith.cmpi eq, %arg0, %eq3A : i32
    %convert_element_type3A_103 = arith.extui %eq3A_102 : i1 to i32
    %cond3A = arith.constant 0 : i32
    %cond3A_104 = arith.cmpi ne, %convert_element_type3A_103, %cond3A : i32
    scf.if %cond3A_104 {
      %broadcast_in_dim3A_118 = arith.constant 0.000000e+00 : f32
      %broadcast_in_dim3A_119 = vector.broadcast %broadcast_in_dim3A_118 : f32 to vector<1x64xf32>
      %swap3A_120 = arith.constant 0 : index
      %swap3A_121 = arith.constant 0 : index
      %swap3A_122 = vector.load %arg17[%swap3A_120, %swap3A_121] : memref<1x64xf32, #tpu.memory_space<vmem>>, vector<1x64xf32>
      tpu.vector_store %arg17[%swap3A_120, %swap3A_121], %broadcast_in_dim3A_119 {strides = array<i32>} : memref<1x64xf32, #tpu.memory_space<vmem>>, vector<1x64xf32>,
    } else {
    }
    %get3A_105 = arith.constant 0 : index
    %get3A_106 = arith.constant 0 : index
    %get3A_107 = vector.load %arg17[%get3A_105, %get3A_106] : memref<1x64xf32, #tpu.memory_space<vmem>>, vector<1x64xf32>
    %reduce_sum3A_108 = arith.constant dense<0.000000e+00> : vector<64xf32>
    %reduce_sum3A_109 = vector.multi_reduction <add>, %sub3A_101, %reduce_sum3A_108 [0] : vector<400x64xf32> to vector<64xf32>
    %broadcast_in_dim3A = vector.shape_cast %reduce_sum3A_109 : vector<64xf32> to vector<1x64xf32>
    %add3A_110 = arith.addf %get3A_107, %broadcast_in_dim3A : vector<1x64xf32>
    %swap3A = arith.constant 0 : index
    %swap3A_111 = arith.constant 0 : index
    %swap3A_112 = vector.load %arg17[%swap3A, %swap3A_111] : memref<1x64xf32, #tpu.memory_space<vmem>>, vector<1x64xf32>
    tpu.vector_store %arg17[%swap3A, %swap3A_111], %add3A_110 {strides = array<i32>} : memref<1x64xf32, #tpu.memory_space<vmem>>, vector<1x64xf32>,
    %eq3A_113 = arith.constant 24 : i32
    %eq3A_114 = arith.cmpi eq, %arg0, %eq3A_113 : i32
    %convert_element_type3A_115 = arith.extui %eq3A_114 : i1 to i32
    %cond3A_116 = arith.constant 0 : i32
    %cond3A_117 = arith.cmpi ne, %convert_element_type3A_115, %cond3A_116 : i32
    scf.if %cond3A_117 {
      %get3A_118 = arith.constant 0 : index
      %get3A_119 = arith.constant 0 : index
      %get3A_120 = vector.load %arg17[%get3A_118, %get3A_119] : memref<1x64xf32, #tpu.memory_space<vmem>>, vector<1x64xf32>
      %get3A_121 = arith.constant 0 : index
      %get3A_122 = arith.constant 0 : index
      %get3A_123 = vector.load %arg14[%get3A_121, %get3A_122] : memref<64x1xf32, #tpu.memory_space<vmem>>, vector<64x1xf32>
      %dot_general3A_124 = arith.constant dense<0.000000e+00> : vector<1x1xf32>
      %dot_general3A_125 = tpu.matmul %get3A_120, %get3A_123, %dot_general3A_124 {dimension_numbers = #tpu.dot_dimension_numbers<[1], [0], [0], [1], [0, 0, 1, 1], [], []>, transpose_lhs_hint = false} : vector<1x64xf32>, vector<64x1xf32>, vector<1x1xf32> -> vector<1x1xf32>
      %get3A_126 = arith.constant 0 : index
      %get3A_127 = arith.constant 0 : index
      %get3A_128 = vector.load %arg15[%get3A_126, %get3A_127] : memref<1x1xf32, #tpu.memory_space<vmem>>, vector<1x1xf32>
      %mul3A_129 = arith.constant 1.000000e+04 : f32
      %mul3A_130 = vector.broadcast %mul3A_129 : f32 to vector<1x1xf32>
      %mul3A_131 = arith.mulf %mul3A_130, %get3A_128 : vector<1x1xf32>
      %add3A_132 = arith.addf %dot_general3A_125, %mul3A_131 : vector<1x1xf32>
      %swap3A_133 = arith.constant 0 : index
      %swap3A_134 = arith.constant 0 : index
      %swap3A_135 = vector.load %arg16[%swap3A_133, %swap3A_134] : memref<1x1xf32, #tpu.memory_space<vmem>>, vector<1x1xf32>
      tpu.vector_store %arg16[%swap3A_133, %swap3A_134], %add3A_132 {strides = array<i32>} : memref<1x1xf32, #tpu.memory_space<vmem>>, vector<1x1xf32>,
    } else {
    }
    return
  }
  func.func @transform_0(%arg0: i32) -> (i32, i32, i32) {
    %c0_i32 = arith.constant 0 : i32
    %c0_i32_0 = arith.constant 0 : i32
    %c0_i32_1 = arith.constant 0 : i32
    return %arg0, %c0_i32, %c0_i32_0 : i32, i32, i32
  }
  func.func @transform_1(%arg0: i32) -> (i32, i32) {
    %c0_i32 = arith.constant 0 : i32
    %c0_i32_0 = arith.constant 0 : i32
    return %arg0, %c0_i32 : i32, i32
  }
  func.func @transform_2(%arg0: i32) -> (i32, i32) {
    %c0_i32 = arith.constant 0 : i32
    %c0_i32_0 = arith.constant 0 : i32
    return %arg0, %c0_i32 : i32, i32
  }
  func.func @transform_3(%arg0: i32) -> (i32, i32) {
    %c0_i32 = arith.constant 0 : i32
    %c0_i32_0 = arith.constant 0 : i32
    %c0_i32_1 = arith.constant 0 : i32
    return %c0_i32, %c0_i32_0 : i32, i32
  }
  func.func @transform_4(%arg0: i32) -> (i32, i32) {
    %c0_i32 = arith.constant 0 : i32
    %c0_i32_0 = arith.constant 0 : i32
    %c0_i32_1 = arith.constant 0 : i32
    return %c0_i32, %c0_i32_0 : i32, i32
  }
  func.func @transform_5(%arg0: i32) -> (i32, i32) {
    %c0_i32 = arith.constant 0 : i32
    %c0_i32_0 = arith.constant 0 : i32
    %c0_i32_1 = arith.constant 0 : i32
    return %c0_i32, %c0_i32_0 : i32, i32
  }
  func.func @transform_6(%arg0: i32) -> (i32, i32) {
    %c0_i32 = arith.constant 0 : i32
    %c0_i32_0 = arith.constant 0 : i32
    %c0_i32_1 = arith.constant 0 : i32
    return %c0_i32, %c0_i32_0 : i32, i32
  }
  func.func @transform_7(%arg0: i32) -> (i32, i32) {
    %c0_i32 = arith.constant 0 : i32
    %c0_i32_0 = arith.constant 0 : i32
    %c0_i32_1 = arith.constant 0 : i32
    return %c0_i32, %c0_i32_0 : i32, i32
  }
  func.func @transform_8(%arg0: i32) -> (i32, i32) {
    %c0_i32 = arith.constant 0 : i32
    %c0_i32_0 = arith.constant 0 : i32
    %c0_i32_1 = arith.constant 0 : i32
    return %c0_i32, %c0_i32_0 : i32, i32
  }
  func.func @transform_9(%arg0: i32) -> (i32, i32) {
    %c0_i32 = arith.constant 0 : i32
    %c0_i32_0 = arith.constant 0 : i32
    %c0_i32_1 = arith.constant 0 : i32
    return %c0_i32, %c0_i32_0 : i32, i32
  }
  func.func @transform_10(%arg0: i32) -> (i32, i32) {
    %c0_i32 = arith.constant 0 : i32
    %c0_i32_0 = arith.constant 0 : i32
    %c0_i32_1 = arith.constant 0 : i32
    return %c0_i32, %c0_i32_0 : i32, i32
  }
  func.func @transform_11(%arg0: i32) -> (i32, i32) {
    %c0_i32 = arith.constant 0 : i32
    %c0_i32_0 = arith.constant 0 : i32
    %c0_i32_1 = arith.constant 0 : i32
    return %c0_i32, %c0_i32_0 : i32, i32
  }
  func.func @transform_12(%arg0: i32) -> (i32, i32) {
    %c0_i32 = arith.constant 0 : i32
    %c0_i32_0 = arith.constant 0 : i32
    %c0_i32_1 = arith.constant 0 : i32
    return %c0_i32, %c0_i32_0 : i32, i32
  }
  func.func @transform_13(%arg0: i32) -> (i32, i32) {
    %c0_i32 = arith.constant 0 : i32
    %c0_i32_0 = arith.constant 0 : i32
    %c0_i32_1 = arith.constant 0 : i32
    return %c0_i32, %c0_i32_0 : i32, i32
  }
  func.func @transform_14(%arg0: i32) -> (i32, i32) {
    %c0_i32 = arith.constant 0 : i32
    %c0_i32_0 = arith.constant 0 : i32
    %c0_i32_1 = arith.constant 0 : i32
    return %c0_i32, %c0_i32_0 : i32, i32
  }
  func.func @transform_15(%arg0: i32) -> (i32, i32) {
    %c0_i32 = arith.constant 0 : i32
    %c0_i32_0 = arith.constant 0 : i32
    %c0_i32_1 = arith.constant 0 : i32
    return %c0_i32, %c0_i32_0 : i32, i32
  }
}

</mosaic_0001>

<sc_bundles>
// kernel: kernel.12.cloned.1.call-start
scs
__scs_entry_jumppad:
0x0: {  	(pc) =	sbr.rel $0x88, $3  }
0x1: {  	(tag) =	ssettag $0x0;
	lr =	simm.s32 $0x1  }
0x2: {  	[smem:$0x3F7B] =	sst lr;
	_ =	strace $0xD0000000  }
0x3: {  	_ = 	snop  }
0x4: {  	_ = 	snop  }
0x5: {  	_ = 	snop  }
0x6: {  	_ = 	snop  }
0x7: {  	_ = 	snop  }
__scs_overlays_trampoline_lowered:
0x8: {  	[smem:$0x3F8A] =	sst s0  }
0x9: {  	[smem:$0x3F8B] =	sst s1  }
0xa: {  	[smem:$0x3F8C] =	sst s2  }
0xb: {  	[smem:$0x3F8D] =	sst s3  }
0xc: {  	[smem:$0x3F8E] =	sst s4  }
0xd: {  	[smem:$0x3F8F] =	sst s5  }
0xe: {  	[smem:$0x3F90] =	sst s6  }
0xf: {  	[smem:$0x3F91] =	sst s7  }
0x10: {  	[smem:$0x3F92] =	sst s8  }
0x11: {  	[smem:$0x3F93] =	sst s9;
	s0 =	simm.s32 @!p0 $0x0  }
0x12: {  	s1 =	sld [smem:$0x3F79];
	s0 =	simm.s32 @p0 $0x1  }
0x13: {  	[smem:$0x3F94] =	sst s0;
	s0 =	simm.s32 @!p1 $0x0  }
0x14: {  	s2 =	sld [smem:$0x3F78];
	s0 =	simm.s32 @p1 $0x1  }
0x15: {  	[smem:$0x3F95] =	sst s0;
	s0 =	simm.s32 @!p2 $0x0  }
0x16: {  	s3 =	sld [smem:$0x3FDB];
	s0 =	simm.s32 @p2 $0x1  }
0x17: {  	s4 =	simm.s32 $0x1BF5;
	[smem:$0x3F97] =	sst s0  }
0x18: {  	s0 =	sld [smem:$0x3F7A];
	_ =	swait.ge [sflag:s4], $0x0  }
0x19: {  	s7 =	sld [smem:$0x3F7B]  }
0x1a: {  	s8 =	sadd.s32 $0xFFFFE003, lr  }
0x1b: {  	s9 =	sadd.s32 $0xFFFFFEF7, lr;
	s5 =	simm.s32 $0xFFFFFFFF;
	p2 =	slt.u32 s8, $0xFFFFF086  }
0x1c: {  	p1 =	slt.u32 s9, $0xF7A;
	s5 =	simm.s32 @!p2 $0x0  }
0x1d: {  	s5 =	simm.s32 @p1 $0x1;
	p0 =	seq.s32 s7, s2  }
0x1e: {  	s7 =	smul.u32 @!p0 $0xF7A, s2;
	p2 =	seq.s32 @!p0 s5, $0x0  }
0x1f: {  	s9 =	smul.u32 $0xF7A, s1;
	s8 =	simm.s32 @!p0 $0x1BF5;
	p2 =	por !p2, p0  }
0x20: {  	[sflag:s8] =	ssyncset.s32 @!p0 $0xFFFFF086;
	s6 =	sadd.s32 @!p0 s3, s7;
	s7 =	simm.s32 @!p0 $0x108  }
0x21: {  	s3 =	sadd.s32 s3, s9;
	s6 =	sadd.s32 @!p0 $0x88, s6;
	s7 =	simm.s32 @p2 $0x1082  }
0x22: {  	[simem:s7], [sflag:s8] =	dma.local @!p0 [hbm:s6], $0xF7A  }
0x23: {  	s9 =	sor.u32 $0xD0000000, s2;
	s6 =	simm.s32 $0x108;
	_ =	swait.ge @!p0 [sflag:s8], $0x0  }
0x24: {  	s3 =	sadd.s32 $0x88, s3;
	s6 =	simm.s32 @!p1 $0x1082;
	[sflag:s4] =	ssyncset.s32 $0xFFFFF086  }
0x25: {  	[simem:s6], [sflag:s4] =	dma.local [hbm:s3], $0xF7A  }
0x26: {  	[smem:$0x3F7B] =	sst s1;
	(tag) =	ssettag s2;
	_ =	strace s9  }
0x27: {  	s1 =	sld [smem:$0x3F8B]  }
0x28: {  	s2 =	sld [smem:$0x3F8C]  }
0x29: {  	s4 =	sld [smem:$0x3F8E]  }
0x2a: {  	p0 =	seq.s32 s5, $0x0;
	s5 =	sld [smem:$0x3F8F]  }
0x2b: {  	s6 =	sld [smem:$0x3F90]  }
0x2c: {  	s7 =	sld [smem:$0x3F91]  }
0x2d: {  	s3 =	simm.s32 $0x108;
	s8 =	sld [smem:$0x3F92]  }
0x2e: {  	s3 =	simm.s32 @!p0 $0x1082;
	s9 =	sld [smem:$0x3F93]  }
0x2f: {  	lr =	sadd.s32 s0, s3;
	s0 =	sld [smem:$0x3F8A]  }
0x30: {  	s3 =	sld [smem:$0x3F8D]  }
0x31: {  	[smem:$0x3F96] =	sst s10  }
0x32: {  	s10 =	sld [smem:$0x3F94];
	_ =	sdelay $0x3  }
0x33: {  	p0 =	seq.s32 s10, $0x1;
	s10 =	sld [smem:$0x3F96];
	_ =	sdelay $0x3  }
0x34: {  	[smem:$0x3F96] =	sst s10  }
0x35: {  	s10 =	sld [smem:$0x3F95];
	_ =	sdelay $0x3  }
0x36: {  	p1 =	seq.s32 s10, $0x1;
	s10 =	sld [smem:$0x3F96];
	_ =	sdelay $0x3  }
0x37: {  	[smem:$0x3F96] =	sst s10  }
0x38: {  	s10 =	sld [smem:$0x3F97]  }
0x39: {  	_ = 	snop;
	(pc) =	sbr.ind lr, $3  }
0x3a: {  	_ = 	snop  }
0x3b: {  	_ = 	snop  }
0x3c: {  	p2 =	seq.s32 s10, $0x1;
	s10 =	sld [smem:$0x3F96]  }
0x3d: {  	_ =	shalt  }
0x3e: {  	_ =	shalt  }
0x3f: {  	_ =	shalt  }
0x40: {  	_ =	shalt  }
0x41: {  	_ =	shalt  }
0x42: {  	_ =	shalt  }
0x43: {  	_ =	shalt  }
0x44: {  	_ =	shalt  }
0x45: {  	_ =	shalt  }
0x46: {  	_ =	shalt  }
0x47: {  	_ =	shalt  }
0x48: {  	_ =	shalt  }
0x49: {  	_ =	shalt  }
0x4a: {  	_ =	shalt  }
0x4b: {  	_ =	shalt  }
0x4c: {  	_ =	shalt  }
0x4d: {  	_ =	shalt  }
0x4e: {  	_ =	shalt  }
0x4f: {  	_ =	shalt  }
0x50: {  	_ =	shalt  }
0x51: {  	_ =	shalt  }
0x52: {  	_ =	shalt  }
0x53: {  	_ =	shalt  }
0x54: {  	_ =	shalt  }
0x55: {  	_ =	shalt  }
0x56: {  	_ =	shalt  }
0x57: {  	_ =	shalt  }
0x58: {  	_ =	shalt  }
0x59: {  	_ =	shalt  }
0x5a: {  	_ =	shalt  }
0x5b: {  	_ =	shalt  }
0x5c: {  	_ =	shalt  }
0x5d: {  	_ =	shalt  }
0x5e: {  	_ =	shalt  }
0x5f: {  	_ =	shalt  }
0x60: {  	_ =	shalt  }
0x61: {  	_ =	shalt  }
0x62: {  	_ =	shalt  }
0x63: {  	_ =	shalt  }
0x64: {  	_ =	shalt  }
0x65: {  	_ =	shalt  }
0x66: {  	_ =	shalt  }
0x67: {  	_ =	shalt  }
0x68: {  	_ =	shalt  }
0x69: {  	_ =	shalt  }
0x6a: {  	_ =	shalt  }
0x6b: {  	_ =	shalt  }
0x6c: {  	_ =	shalt  }
0x6d: {  	_ =	shalt  }
0x6e: {  	_ =	shalt  }
0x6f: {  	_ =	shalt  }
0x70: {  	_ =	shalt  }
0x71: {  	_ =	shalt  }
0x72: {  	_ =	shalt  }
0x73: {  	_ =	shalt  }
0x74: {  	_ =	shalt  }
0x75: {  	_ =	shalt  }
0x76: {  	_ =	shalt  }
0x77: {  	_ =	shalt  }
0x78: {  	_ =	shalt  }
0x79: {  	_ =	shalt  }
0x7a: {  	_ =	shalt  }
0x7b: {  	_ =	shalt  }
0x7c: {  	_ =	shalt  }
0x7d: {  	_ =	shalt  }
0x7e: {  	_ =	shalt  }
0x7f: {  	_ =	shalt  }
0x80: {  	_ =	shalt  }
0x81: {  	_ =	shalt  }
0x82: {  	_ =	shalt  }
0x83: {  	_ =	shalt  }
0x84: {  	_ =	shalt  }
0x85: {  	_ =	shalt  }
0x86: {  	_ =	shalt  }
0x87: {  	_ =	shalt  }
.Lfunc_end0:
.L_simem_size_0:
called_computation.1_lowered:
.L_overlay_start_0:
0x88: {  	s2 =	sld [smem:$0x3FD9]  }
0x89: {  	s3 =	sld [smem:$0x3FFE];
	_ =	sdelay $0x1  }
0x8a: {  	s1 =	srdreg.scid  }
0x8b: {  	s0 =	sand.u32 $0x1, s1  }
0x8c: {  	s16 =	sshll.u32 s0, $0xA;
	s2 =	sadd.s32 s3, s2  }
0x8d: {  	s2 =	sadd.s32 s2, s16  }
0x8e: {  	[smem:$0x3FA2] =	sst s2  }
0x8f: {  	_ = 	snop  }
0x90: {  	(tm) =	ssettm $0x1  }
0x91: {  	s17 =	sld [smem:$0x3FFB];
	_ =	sdelay $0x3  }
0x92: {  	_ =	strace s17  }
0x93: {  	s2 =	sld [smem:$0x3FFC];
	_ =	sdelay $0x3  }
0x94: {  	_ =	strace s2  }
0x95: {  	s2 =	sld [smem:$0x3FFD];
	_ =	sdelay $0x3  }
0x96: {  	_ =	strace s2  }
0x97: {  	_ =	strace $0x8FFFFFFF  }
0x98: {  	s18 =	sld [smem:$0x3FDB];
	_ =	sdelay $0x1  }
0x99: {  	s19 =	simm.s32 $_scs_section_size  }
0x9a: {  	s4 =	simm.s32 $_size__tile_overlayer_lowered;
	s5 =	simm.s32 $_tile_overlayer_lowered  }
0x9b: {  	s22 =	simm.s32 $0x1BFF;
	s21 =	sshll.u32 s5, $0x1;
	s2 =	sadd.s32 s19, s18  }
0x9c: {  	s6 =	simm.s32 $0x0;
	s20 =	sshll.u32 s4, $0x1;
	s4 =	sadd.s32 s21, s2  }
0x9d: {  	[timem:s6], [sflag:s22] =	dma.local [hbm:s4], s20  }
0x9e: {  	_ =	swait.ge [sflag:s22], s20  }
0x9f: {  	s3 =	ssub.s32 $0x0, s20;
	[sflag:s22] =	ssyncset.done $0x0  }
0xa0: {  	[sflag:s22] =	ssyncadd.s32 s3;
	_ =	sdelay $0x1  }
0xa1: {  	s23 =	simm.s32 $0x1B8B  }
0xa2: {  	_ =	swait.ge [sflag:s23], $0x1  }
0xa3: {  	[sflag:s23] =	ssyncset.done $0x0  }
0xa4: {  	s25 =	simm.s32 $0x1B8E;
	s24 =	sld [smem:$0x3FFE];
	[sflag:s23] =	ssyncadd.s32 $0xFFFFFFFF  }
0xa5: {  	s26 =	simm.s32 $execute0_lowered;
	[smem:$0x3FD2] =	sst s25  }
0xa6: {  	s4 =	sshll.u32 s26, $0x1;
	_ =	strace $0x80000049;
	[dreg:$0x1] =	wrdreg $0xFFFFFFFF  }
0xa7: {  	s28 =	simm.s32 $_size_execute0_lowered;
	s2 =	sadd.s32 s2, s4;
	[dreg:$0x0] =	wrdreg $0x0  }
0xa8: {  	s4 =	sshll.u32 s28, $0x1;
	[dreg:$0x2] =	wrdreg s2  }
0xa9: {  	[dreg:$0x3] =	wrdreg s4  }
0xaa: {  	[dreg:$0x4] =	wrdreg $0xC0  }
0xab: {  	_ =	task [dreg:s6], $0x5FFFF  }
0xac: {  	[dreg:$0x1] =	wrdreg $0xFFFFFFFF  }
0xad: {  	[dreg:$0x0] =	wrdreg $0x60  }
0xae: {  	[dreg:$0x2] =	wrdreg s24  }
0xaf: {  	[dreg:$0x3] =	wrdreg $0x9  }
0xb0: {  	_ =	task.clear_ibuf [dreg:s6], $0x4FFFF;
	_ =	strace $0x90000049  }
0xb1: {  	s29 =	simm.s32 $0x9;
	_ =	strace $0x8000004B  }
0xb2: {  	_ =	swait.ge [sflag:s29], $0x1  }
0xb3: {  	[sflag:s29] =	ssyncadd.s32 $0xFFFFFFFF  }
0xb4: {  	_ =	strace $0x9000004B  }
0xb5: {  	_ =	sfence  }
0xb6: {  	s30 =	sld [smem:$0x0];
	_ =	sdelay $0x2  }
0xb7: {  	s31 =	sshll.u32 s1, $0xD;
	s1 =	sshrl.u32 s1, $0x2  }
0xb8: {  	s3 =	sand.u32 $0x4000, s31;
	s1 =	sadd.s32 s1, s30  }
0xb9: {  	s0 =	sor.u32 s3, s0;
	s1 =	sshll.u32 s1, $0x11  }
0xba: {  	s0 =	sor.u32 s1, s0  }
0xbb: {  	s0 =	sadd.s32 $0x8F2B, s0  }
0xbc: {  	[sflag:s0] =	ssyncadd.remote.s32 $0x1  }
0xbd: {  	_ =	sfence.sel $0xFFFF  }
0xbe: {  	[dreg:$0x0] =	wrdreg $0xFFFFFFFF;
	(pc) =	sbr.abs _section_cstart, $3  }
0xbf: {  	[dreg:$0x1] =	wrdreg $0xFFFFFFFF  }
0xc0: {  	_ =	task.clear_ibuf [dreg:s6], $0x2FFFF;
	_ =	strace $0x9FFFFFFF  }
0xc1: {  	(tm) =	ssettm $0x7FFFFFFF  }
tec
execute0_lowered:
.L_overlay_start_1:
0x0: {  	(tag) =	ssettag $0x1  }
0x1: {  	s1 =	srdreg.scid  }
0x2: {  	s0 =	stileid.u32;
	s5 =	rddreg [dreg:$0x0]  }
0x3: {  	s2 =	simm.s32 $0x0;
	s12 =	simm.s32 $0xA780;
	s13 =	simm.s32 $0xE780  }
0x4: {  	s14 =	simm.s32 $0x12780;
	s15 =	simm.s32 $0x16780;
	s16 =	simm.s32 $0x1  }
0x5: {  	s17 =	simm.s32 $0x2;
	s18 =	simm.s32 $0x10;
	s19 =	simm.s32 $0x2700  }
0x6: {  	s4 =	sand.u32 $0x1, s1;
	s30 =	sshll.u32 s0, $0x1;
	s9 =	smul.u32 $0x4E200, s0  }
0x7: {  	s1 =	rddreg [dreg:$0x1];
	s6 =	sor.u32 s4, s30;
	s11 =	smul.u32 $0x27100, s4  }
0x8: {  	s20 =	simm.s32 $0x0;
	[smem:$0x7FF] =	sst s2;
	s3 =	smul.u32 $0x2710, s6  }
0x9: {  	_ =	strace $0x8000004A;
	s8 =	ssub.s32 $0x2, s4;
	s6 =	smul.u32 $0x138800, s6  }
0xa: {  	s10 =	sshrl.u32 s8, $0x1;
	s7 =	sshrl.u32 s3, $0x3;
	s3 =	sadd.s32 $0x10800, s5  }
0xb: {  	s6 =	sshrl.u32 s6, $0x3;
	s7 =	sadd.s32 s7, s5;
	s5 =	sadd.s32 $0x5EC00, s5  }
0xc: {  	s8 =	ssub.s32 s8, s10;
	s10 =	simm.s32 $0x2780;
	s6 =	sadd.s32 s5, s6  }
0xd: {  	s9 =	sadd.s32 s9, s5;
	s4 =	sadd.s32 $0x6A00, s7;
	s5 =	sadd.s32 $0x27000, s6  }
0xe: {  	s31 =	sadd.s32 s11, s9;
	s6 =	smax.u32 s8, $0x1;
	s8 =	simm.s32 $0x3  }
0xf: {  	s9 =	simm.s32 $0x80;
	s11 =	simm.s32 $0x6780;
	s7 =	sadd.s32 $0x2800, s31  }
.LBB2_1:
0x10: {  	[tilespmem:s2], [sflag:$0x3] =	stream.linear.gather [hbm4b:s4+s2], $0x2710, $0x38;
	[tilespmem:$0x1A780] =	vst v63  }
0x11: {  	_ =	swait.ge [sflag:s8], $0x2710  }
0x12: {  	p0 =	por $0x1, $0x1;
	[sflag:s8] =	ssyncset.done $0x0  }
0x13: {  	s21 =	simm.s32 @!p0 $0x2;
	[sflag:s8] =	ssyncadd.s32 $0xFFFFD8F0  }
0x14: {  	_ =	swait.ge @!p0 [sflag:s21], $0x4000  }
0x15: {  	[sflag:s21] =	ssyncset.done @!p0 $0x0  }
0x16: {  	[sflag:s21] =	ssyncadd.s32 @!p0 $0xFFFFC000  }
0x17: {  	_ =	swait.ge @!p0 [sflag:s21], $0x4000  }
0x18: {  	[sflag:s21] =	ssyncset.done @!p0 $0x0  }
0x19: {  	[sflag:s21] =	ssyncadd.s32 @!p0 $0xFFFFC000  }
0x1a: {  	_ =	swait.ge @!p0 [sflag:s21], $0x4000  }
0x1b: {  	[sflag:s21] =	ssyncset.done @!p0 $0x0  }
0x1c: {  	[sflag:s21] =	ssyncadd.s32 @!p0 $0xFFFFC000  }
0x1d: {  	_ =	swait.ge @!p0 [sflag:s21], $0x4000  }
0x1e: {  	[sflag:s21] =	ssyncset.done @!p0 $0x0  }
0x1f: {  	[sflag:s21] =	ssyncadd.s32 @!p0 $0xFFFFC000  }
0x20: {  	_ =	swait.ge @!p0 [sflag:s21], $0x4000  }
0x21: {  	[sflag:s21] =	ssyncset.done @!p0 $0x0  }
0x22: {  	[sflag:s21] =	ssyncadd.s32 @!p0 $0xFFFFC000  }
0x23: {  	_ =	swait.ge @!p0 [sflag:s21], $0x4000  }
0x24: {  	[sflag:s21] =	ssyncset.done @!p0 $0x0  }
0x25: {  	s30 =	simm.s32 $0x0;
	[sflag:s21] =	ssyncadd.s32 @!p0 $0xFFFFC000  }
0x26: {  	[tilespmem:s10], [sflag:$0x1] =	stream.indirect.gather [hbm4b:s3+s9], $0x80, s30, s9, $0xb8;
	[tilespmem:$0x1A780] =	vst v63  }
0x27: {  	s31 =	simm.s32 $0x80  }
0x28: {  	[tilespmem:s11], [sflag:$0x1] =	stream.indirect.gather [hbm4b:s3+s9], $0x80, s31, s9, $0xb8;
	[tilespmem:$0x1A780] =	vst v63  }
0x29: {  	s22 =	simm.s32 $0x100  }
0x2a: {  	[tilespmem:s12], [sflag:$0x1] =	stream.indirect.gather [hbm4b:s3+s9], $0x80, s22, s9, $0xb8;
	[tilespmem:$0x1A780] =	vst v63  }
0x2b: {  	s23 =	simm.s32 $0x180  }
0x2c: {  	[tilespmem:s13], [sflag:$0x1] =	stream.indirect.gather [hbm4b:s3+s9], $0x80, s23, s9, $0xb8;
	[tilespmem:$0x1A780] =	vst v63  }
0x2d: {  	s24 =	simm.s32 $0x200  }
0x2e: {  	[tilespmem:s14], [sflag:$0x1] =	stream.indirect.gather [hbm4b:s3+s9], $0x80, s24, s9, $0xb8;
	[tilespmem:$0x1A780] =	vst v63  }
0x2f: {  	s25 =	simm.s32 $0x280  }
0x30: {  	[tilespmem:s15], [sflag:$0x1] =	stream.indirect.gather [hbm4b:s3+s9], $0x80, s25, s9, $0xb8;
	[tilespmem:$0x1A780] =	vst v63  }
0x31: {  	_ =	swait.ge [sflag:s16], $0x4000  }
0x32: {  	[sflag:s16] =	ssyncset.done $0x0  }
0x33: {  	s26 =	sadd.s32 $0xFFFFD800, s7;
	[sflag:s16] =	ssyncadd.s32 $0xFFFFC000  }
0x34: {  	[hbm4b:s26+s2] =	stream.linear.scatter [tilespmem:s10], [sflag:$0x2], $0x4000, $0x38;
	[tilespmem:$0x1A780] =	vst v63  }
0x35: {  	_ =	swait.ge [sflag:s16], $0x4000  }
0x36: {  	[sflag:s16] =	ssyncset.done $0x0  }
0x37: {  	s28 =	sadd.s32 $0xFFFFE000, s7;
	[sflag:s16] =	ssyncadd.s32 $0xFFFFC000  }
0x38: {  	[hbm4b:s28+s2] =	stream.linear.scatter [tilespmem:s11], [sflag:$0x2], $0x4000, $0x38;
	[tilespmem:$0x1A780] =	vst v63  }
0x39: {  	_ =	swait.ge [sflag:s16], $0x4000  }
0x3a: {  	[sflag:s16] =	ssyncset.done $0x0  }
0x3b: {  	s29 =	sadd.s32 $0xFFFFE800, s7;
	[sflag:s16] =	ssyncadd.s32 $0xFFFFC000  }
0x3c: {  	[hbm4b:s29+s2] =	stream.linear.scatter [tilespmem:s12], [sflag:$0x2], $0x4000, $0x38;
	[tilespmem:$0x1A780] =	vst v63  }
0x3d: {  	_ =	swait.ge [sflag:s16], $0x4000  }
0x3e: {  	[sflag:s16] =	ssyncset.done $0x0  }
0x3f: {  	s30 =	sadd.s32 $0xFFFFF000, s7;
	[sflag:s16] =	ssyncadd.s32 $0xFFFFC000  }
0x40: {  	[hbm4b:s30+s2] =	stream.linear.scatter [tilespmem:s13], [sflag:$0x2], $0x4000, $0x38;
	[tilespmem:$0x1A780] =	vst v63  }
0x41: {  	_ =	swait.ge [sflag:s16], $0x4000  }
0x42: {  	[sflag:s16] =	ssyncset.done $0x0  }
0x43: {  	p1 =	por $0x0, $0x0;
	s31 =	sadd.s32 $0xFFFFF800, s7;
	[sflag:s16] =	ssyncadd.s32 $0xFFFFC000  }
0x44: {  	[hbm4b:s31+s2] =	stream.linear.scatter [tilespmem:s14], [sflag:$0x2], $0x4000, $0x38;
	[tilespmem:$0x1A780] =	vst v63  }
0x45: {  	s21 =	sadd.s32 $0x3000, s7;
	s22 =	simm.s32 $0xC00;
	_ =	swait.ge [sflag:s16], $0x4000  }
0x46: {  	s23 =	simm.s32 $0x1800;
	s24 =	smov.u32 s7;
	[sflag:s16] =	ssyncset.done $0x0  }
.LBB2_2:
0x47: {  	s25 =	simm.s32 @!p1 $0x2  }
0x48: {  	[sflag:s16] =	ssyncadd.s32 $0xFFFFC000;
	s26 =	smov.u32 s23;
	s23 =	sadd.s32 $0xC00, s23  }
0x49: {  	[hbm4b:s24+s2] =	stream.linear.scatter [tilespmem:s15], [sflag:$0x2], $0x4000, $0x38;
	[tilespmem:$0x1A780] =	vst v63  }
0x4a: {  	p0 =	sne.s32 s23, $0x9C00;
	s24 =	smov.u32 s21;
	_ =	swait.ge @!p1 [sflag:s25], $0x4000  }
0x4b: {  	[sflag:s25] =	ssyncset.done @!p1 $0x0  }
0x4c: {  	[sflag:s25] =	ssyncadd.s32 @!p1 $0xFFFFC000  }
0x4d: {  	_ =	swait.ge @!p1 [sflag:s25], $0x4000  }
0x4e: {  	[sflag:s25] =	ssyncset.done @!p1 $0x0  }
0x4f: {  	[sflag:s25] =	ssyncadd.s32 @!p1 $0xFFFFC000  }
0x50: {  	_ =	swait.ge @!p1 [sflag:s25], $0x4000  }
0x51: {  	[sflag:s25] =	ssyncset.done @!p1 $0x0  }
0x52: {  	[sflag:s25] =	ssyncadd.s32 @!p1 $0xFFFFC000  }
0x53: {  	_ =	swait.ge @!p1 [sflag:s25], $0x4000  }
0x54: {  	[sflag:s25] =	ssyncset.done @!p1 $0x0  }
0x55: {  	[sflag:s25] =	ssyncadd.s32 @!p1 $0xFFFFC000  }
0x56: {  	_ =	swait.ge @!p1 [sflag:s25], $0x4000  }
0x57: {  	[sflag:s25] =	ssyncset.done @!p1 $0x0  }
0x58: {  	[sflag:s25] =	ssyncadd.s32 @!p1 $0xFFFFC000  }
0x59: {  	_ =	swait.ge @!p1 [sflag:s25], $0x4000  }
0x5a: {  	[sflag:s25] =	ssyncset.done @!p1 $0x0  }
0x5b: {  	[sflag:s25] =	ssyncadd.s32 @!p1 $0xFFFFC000;
	s25 =	sshra.s32 s22, $0x2;
	s22 =	smov.u32 s26  }
0x5c: {  	[tilespmem:s10], [sflag:$0x1] =	stream.indirect.gather [hbm4b:s3+s9], $0x80, s25, s9, $0xb8;
	[tilespmem:$0x1A780] =	vst v63  }
0x5d: {  	s26 =	sadd.s32 $0x80, s25  }
0x5e: {  	[tilespmem:s11], [sflag:$0x1] =	stream.indirect.gather [hbm4b:s3+s9], $0x80, s26, s9, $0xb8;
	[tilespmem:$0x1A780] =	vst v63  }
0x5f: {  	s26 =	sadd.s32 $0x100, s25  }
0x60: {  	[tilespmem:s12], [sflag:$0x1] =	stream.indirect.gather [hbm4b:s3+s9], $0x80, s26, s9, $0xb8;
	[tilespmem:$0x1A780] =	vst v63  }
0x61: {  	s26 =	sadd.s32 $0x180, s25  }
0x62: {  	[tilespmem:s13], [sflag:$0x1] =	stream.indirect.gather [hbm4b:s3+s9], $0x80, s26, s9, $0xb8;
	[tilespmem:$0x1A780] =	vst v63  }
0x63: {  	s26 =	sadd.s32 $0x200, s25  }
0x64: {  	[tilespmem:s14], [sflag:$0x1] =	stream.indirect.gather [hbm4b:s3+s9], $0x80, s26, s9, $0xb8;
	[tilespmem:$0x1A780] =	vst v63  }
0x65: {  	s25 =	sadd.s32 $0x280, s25  }
0x66: {  	[tilespmem:s15], [sflag:$0x1] =	stream.indirect.gather [hbm4b:s3+s9], $0x80, s25, s9, $0xb8;
	[tilespmem:$0x1A780] =	vst v63  }
0x67: {  	_ =	swait.ge [sflag:s16], $0x4000  }
0x68: {  	[sflag:s16] =	ssyncset.done $0x0  }
0x69: {  	s25 =	sadd.s32 $0xFFFFD800, s21;
	[sflag:s16] =	ssyncadd.s32 $0xFFFFC000  }
0x6a: {  	[hbm4b:s25+s2] =	stream.linear.scatter [tilespmem:s10], [sflag:$0x2], $0x4000, $0x38;
	[tilespmem:$0x1A780] =	vst v63  }
0x6b: {  	_ =	swait.ge [sflag:s16], $0x4000  }
0x6c: {  	[sflag:s16] =	ssyncset.done $0x0  }
0x6d: {  	s25 =	sadd.s32 $0xFFFFE000, s21;
	[sflag:s16] =	ssyncadd.s32 $0xFFFFC000  }
0x6e: {  	[hbm4b:s25+s2] =	stream.linear.scatter [tilespmem:s11], [sflag:$0x2], $0x4000, $0x38;
	[tilespmem:$0x1A780] =	vst v63  }
0x6f: {  	_ =	swait.ge [sflag:s16], $0x4000  }
0x70: {  	[sflag:s16] =	ssyncset.done $0x0  }
0x71: {  	s25 =	sadd.s32 $0xFFFFE800, s21;
	[sflag:s16] =	ssyncadd.s32 $0xFFFFC000  }
0x72: {  	[hbm4b:s25+s2] =	stream.linear.scatter [tilespmem:s12], [sflag:$0x2], $0x4000, $0x38;
	[tilespmem:$0x1A780] =	vst v63  }
0x73: {  	_ =	swait.ge [sflag:s16], $0x4000  }
0x74: {  	[sflag:s16] =	ssyncset.done $0x0  }
0x75: {  	s25 =	sadd.s32 $0xFFFFF000, s21;
	[sflag:s16] =	ssyncadd.s32 $0xFFFFC000  }
0x76: {  	[hbm4b:s25+s2] =	stream.linear.scatter [tilespmem:s13], [sflag:$0x2], $0x4000, $0x38;
	[tilespmem:$0x1A780] =	vst v63  }
0x77: {  	_ =	swait.ge [sflag:s16], $0x4000  }
.Ltmp0:
0x78: {  	[sflag:s16] =	ssyncset.done $0x0;
	(pc) =	sbr.rel @p0 .LBB2_2-.Ltmp0, $4  }
0x79: {  	s25 =	sadd.s32 $0xFFFFF800, s21;
	[sflag:s16] =	ssyncadd.s32 $0xFFFFC000  }
0x7a: {  	[hbm4b:s25+s2] =	stream.linear.scatter [tilespmem:s14], [sflag:$0x2], $0x4000, $0x38;
	[tilespmem:$0x1A780] =	vst v63  }
0x7b: {  	_ =	swait.ge [sflag:s16], $0x4000  }
0x7c: {  	p1 =	seq.s32 s22, $0x0;
	s21 =	sadd.s32 $0x3000, s21;
	[sflag:s16] =	ssyncset.done $0x0  }
0x7d: {  	s23 =	simm.s32 @!p1 $0x2;
	[sflag:s16] =	ssyncadd.s32 $0xFFFFC000  }
0x7e: {  	[hbm4b:s24+s2] =	stream.linear.scatter [tilespmem:s15], [sflag:$0x2], $0x4000, $0x38;
	[tilespmem:$0x1A780] =	vst v63  }
0x7f: {  	_ =	swait.ge @!p1 [sflag:s23], $0x4000  }
0x80: {  	[sflag:s23] =	ssyncset.done @!p1 $0x0  }
0x81: {  	[sflag:s23] =	ssyncadd.s32 @!p1 $0xFFFFC000  }
0x82: {  	_ =	swait.ge @!p1 [sflag:s23], $0x4000  }
0x83: {  	[sflag:s23] =	ssyncset.done @!p1 $0x0  }
0x84: {  	[sflag:s23] =	ssyncadd.s32 @!p1 $0xFFFFC000  }
0x85: {  	_ =	swait.ge @!p1 [sflag:s23], $0x4000  }
0x86: {  	[sflag:s23] =	ssyncset.done @!p1 $0x0  }
0x87: {  	[sflag:s23] =	ssyncadd.s32 @!p1 $0xFFFFC000  }
0x88: {  	_ =	swait.ge @!p1 [sflag:s23], $0x4000  }
0x89: {  	[sflag:s23] =	ssyncset.done @!p1 $0x0  }
0x8a: {  	[sflag:s23] =	ssyncadd.s32 @!p1 $0xFFFFC000  }
0x8b: {  	_ =	swait.ge @!p1 [sflag:s23], $0x4000  }
0x8c: {  	[sflag:s23] =	ssyncset.done @!p1 $0x0  }
0x8d: {  	[sflag:s23] =	ssyncadd.s32 @!p1 $0xFFFFC000  }
0x8e: {  	_ =	swait.ge @!p1 [sflag:s23], $0x4000  }
0x8f: {  	[sflag:s23] =	ssyncset.done @!p1 $0x0  }
0x90: {  	s22 =	sshra.s32 s22, $0x2;
	[sflag:s23] =	ssyncadd.s32 @!p1 $0xFFFFC000  }
0x91: {  	[tilespmem:s10], [sflag:$0x1] =	stream.indirect.gather [hbm4b:s3+s9], $0x80, s22, s9, $0xb8;
	[tilespmem:$0x1A780] =	vst v63  }
0x92: {  	s30 =	sadd.s32 $0x80, s22  }
0x93: {  	[tilespmem:s11], [sflag:$0x1] =	stream.indirect.gather [hbm4b:s3+s9], $0x80, s30, s9, $0xb8;
	[tilespmem:$0x1A780] =	vst v63  }
0x94: {  	s31 =	sadd.s32 $0x100, s22  }
0x95: {  	[tilespmem:s12], [sflag:$0x1] =	stream.indirect.gather [hbm4b:s3+s9], $0x80, s31, s9, $0xb8;
	[tilespmem:$0x1A780] =	vst v63  }
0x96: {  	s24 =	sadd.s32 $0x180, s22  }
0x97: {  	[tilespmem:s13], [sflag:$0x1] =	stream.indirect.gather [hbm4b:s3+s9], $0x80, s24, s9, $0xb8;
	[tilespmem:$0x1A780] =	vst v63  }
0x98: {  	s25 =	sadd.s32 $0x200, s22  }
0x99: {  	[tilespmem:s14], [sflag:$0x1] =	stream.indirect.gather [hbm4b:s3+s9], $0x80, s25, s9, $0xb8;
	[tilespmem:$0x1A780] =	vst v63  }
0x9a: {  	s22 =	sadd.s32 $0x280, s22  }
0x9b: {  	[tilespmem:s15], [sflag:$0x1] =	stream.indirect.gather [hbm4b:s3+s9], $0x80, s22, s9, $0xb8;
	[tilespmem:$0x1A780] =	vst v63  }
0x9c: {  	_ =	swait.ge [sflag:s16], $0x4000  }
0x9d: {  	[sflag:s16] =	ssyncset.done $0x0  }
0x9e: {  	s26 =	sadd.s32 $0xFFFFD800, s21;
	[sflag:s16] =	ssyncadd.s32 $0xFFFFC000  }
0x9f: {  	[hbm4b:s26+s2] =	stream.linear.scatter [tilespmem:s10], [sflag:$0x2], $0x4000, $0x38;
	[tilespmem:$0x1A780] =	vst v63  }
0xa0: {  	_ =	swait.ge [sflag:s16], $0x4000  }
0xa1: {  	[sflag:s16] =	ssyncset.done $0x0  }
0xa2: {  	s28 =	sadd.s32 $0xFFFFE000, s21;
	[sflag:s16] =	ssyncadd.s32 $0xFFFFC000  }
0xa3: {  	[hbm4b:s28+s2] =	stream.linear.scatter [tilespmem:s11], [sflag:$0x2], $0x4000, $0x38;
	[tilespmem:$0x1A780] =	vst v63  }
0xa4: {  	_ =	swait.ge [sflag:s16], $0x4000  }
0xa5: {  	[sflag:s16] =	ssyncset.done $0x0  }
0xa6: {  	s29 =	sadd.s32 $0xFFFFE800, s21;
	[sflag:s16] =	ssyncadd.s32 $0xFFFFC000  }
0xa7: {  	[hbm4b:s29+s2] =	stream.linear.scatter [tilespmem:s12], [sflag:$0x2], $0x4000, $0x38;
	[tilespmem:$0x1A780] =	vst v63  }
0xa8: {  	_ =	swait.ge [sflag:s16], $0x4000  }
0xa9: {  	[sflag:s16] =	ssyncset.done $0x0  }
0xaa: {  	s30 =	sadd.s32 $0xFFFFF000, s21;
	[sflag:s16] =	ssyncadd.s32 $0xFFFFC000  }
0xab: {  	[hbm4b:s30+s2] =	stream.linear.scatter [tilespmem:s13], [sflag:$0x2], $0x4000, $0x38;
	[tilespmem:$0x1A780] =	vst v63  }
0xac: {  	_ =	swait.ge [sflag:s16], $0x4000  }
0xad: {  	[sflag:s16] =	ssyncset.done $0x0  }
0xae: {  	s31 =	sadd.s32 $0xFFFFF800, s21;
	[sflag:s16] =	ssyncadd.s32 $0xFFFFC000  }
0xaf: {  	[hbm4b:s31+s2] =	stream.linear.scatter [tilespmem:s14], [sflag:$0x2], $0x4000, $0x38;
	[tilespmem:$0x1A780] =	vst v63  }
0xb0: {  	_ =	swait.ge [sflag:s16], $0x4000  }
0xb1: {  	[sflag:s16] =	ssyncset.done $0x0  }
0xb2: {  	[sflag:s16] =	ssyncadd.s32 $0xFFFFC000  }
0xb3: {  	[hbm4b:s21+s2] =	stream.linear.scatter [tilespmem:s15], [sflag:$0x2], $0x4000, $0x38;
	[tilespmem:$0x1A780] =	vst v63  }
0xb4: {  	_ =	swait.ge [sflag:s17], $0x4000  }
0xb5: {  	[sflag:s17] =	ssyncset.done $0x0  }
0xb6: {  	[sflag:s17] =	ssyncadd.s32 $0xFFFFC000  }
0xb7: {  	_ =	swait.ge [sflag:s17], $0x4000  }
0xb8: {  	[sflag:s17] =	ssyncset.done $0x0  }
0xb9: {  	[sflag:s17] =	ssyncadd.s32 $0xFFFFC000  }
0xba: {  	_ =	swait.ge [sflag:s17], $0x4000  }
0xbb: {  	[sflag:s17] =	ssyncset.done $0x0  }
0xbc: {  	[sflag:s17] =	ssyncadd.s32 $0xFFFFC000  }
0xbd: {  	_ =	swait.ge [sflag:s17], $0x4000  }
0xbe: {  	[sflag:s17] =	ssyncset.done $0x0  }
0xbf: {  	[sflag:s17] =	ssyncadd.s32 $0xFFFFC000  }
0xc0: {  	_ =	swait.ge [sflag:s17], $0x4000  }
0xc1: {  	[sflag:s17] =	ssyncset.done $0x0  }
0xc2: {  	[sflag:s17] =	ssyncadd.s32 $0xFFFFC000  }
0xc3: {  	_ =	swait.ge [sflag:s17], $0x4000  }
0xc4: {  	[sflag:s17] =	ssyncset.done $0x0  }
0xc5: {  	[sflag:s17] =	ssyncadd.s32 $0xFFFFC000  }
0xc6: {  	[tilespmem:s10], [sflag:$0x1] =	stream.indirect.gather [hbm4b:s3+s18], $0x80, s19, s18, $0xb8;
	[tilespmem:$0x1A780] =	vst v63  }
0xc7: {  	s20 =	sadd.s32 $0x1, s20;
	_ =	swait.ge [sflag:s16], $0x800  }
0xc8: {  	p0 =	sne.s32 s20, s6;
	[sflag:s16] =	ssyncset.done $0x0  }
.Ltmp1:
0xc9: {  	[sflag:s16] =	ssyncadd.s32 $0xFFFFF800;
	(pc) =	sbr.rel @p0 .LBB2_1-.Ltmp1, $4  }
0xca: {  	[hbm4b:s5+s2] =	stream.linear.scatter [tilespmem:s10], [sflag:$0x3], $0x800, $0x38;
	[tilespmem:$0x1A780] =	vst v63  }
0xcb: {  	_ =	swait.ge [sflag:s8], $0x800  }
0xcc: {  	[sflag:s8] =	ssyncset.done $0x0  }
0xcd: {  	[sflag:s8] =	ssyncadd.s32 $0xFFFFF800  }
0xce: {  	_ =	sfence.sel $0x180000  }
0xcf: {  	[bflag:$0x0] =	sbarrier.arrive $0xFFFF  }
0xd0: {  	p0 =	sne.s32 s0, $0x0;
	_ =	strace $0x9000004A  }
0xd1: {  	s0 =	sadd.s32 @!p0 $0x100000, s1;
	[bflag:$0x2] =	sbarrier.arrive $0xFFFF  }
0xd2: {  	[sflag:s0] =	ssyncadd.tile.s32 @!p0 $0x1;
	_ =	shalt  }
.Lfunc_end2:
_tile_overlayer_lowered:
.L_overlay_start_2:
0xd3: {  	(tag) =	ssettag $0x2  }
0xd4: {  	s0 =	rddreg [dreg:$0x0];
	s2 =	stileid.u32  }
0xd5: {  	s1 =	rddreg [dreg:$0x1];
	p0 =	sne.s32 s2, $0x0  }
0xd6: {  	s3 =	rddreg [dreg:$0x2];
	[bflag:$0x3] =	sbarrier.arrive $0xFFFF;
	s2 =	simm.s32 @!p0 $0x1C03  }
0xd7: {  	[timem:s3], [sflag:s2] =	dma.local @!p0 [hbm:s0], s1  }
0xd8: {  	s0 =	simm.s32 @!p0 $0x3  }
0xd9: {  	_ =	swait.ge @!p0 [sflag:s0], s1  }
0xda: {  	s1 =	ssub.s32 @!p0 $0x0, s1;
	[sflag:s0] =	ssyncset.done @!p0 $0x0  }
0xdb: {  	[sflag:s0] =	ssyncadd.s32 @!p0 s1  }
0xdc: {  	[bflag:$0x3] =	sbarrier.arrive $0xFFFF  }
0xdd: {  	_ =	shalt  }

// kernel: kernel.15.cloned.1.call-start
scs
__scs_entry_jumppad:
0x0: {  	(pc) =	sbr.rel $0x88, $3  }
0x1: {  	(tag) =	ssettag $0x0;
	lr =	simm.s32 $0x1  }
0x2: {  	[smem:$0x3F7B] =	sst lr;
	_ =	strace $0xD0000000  }
0x3: {  	_ = 	snop  }
0x4: {  	_ = 	snop  }
0x5: {  	_ = 	snop  }
0x6: {  	_ = 	snop  }
0x7: {  	_ = 	snop  }
__scs_overlays_trampoline_lowered:
0x8: {  	[smem:$0x3F8A] =	sst s0  }
0x9: {  	[smem:$0x3F8B] =	sst s1  }
0xa: {  	[smem:$0x3F8C] =	sst s2  }
0xb: {  	[smem:$0x3F8D] =	sst s3  }
0xc: {  	[smem:$0x3F8E] =	sst s4  }
0xd: {  	[smem:$0x3F8F] =	sst s5  }
0xe: {  	[smem:$0x3F90] =	sst s6  }
0xf: {  	[smem:$0x3F91] =	sst s7  }
0x10: {  	[smem:$0x3F92] =	sst s8  }
0x11: {  	[smem:$0x3F93] =	sst s9;
	s0 =	simm.s32 @!p0 $0x0  }
0x12: {  	s1 =	sld [smem:$0x3F79];
	s0 =	simm.s32 @p0 $0x1  }
0x13: {  	[smem:$0x3F94] =	sst s0;
	s0 =	simm.s32 @!p1 $0x0  }
0x14: {  	s2 =	sld [smem:$0x3F78];
	s0 =	simm.s32 @p1 $0x1  }
0x15: {  	[smem:$0x3F95] =	sst s0;
	s0 =	simm.s32 @!p2 $0x0  }
0x16: {  	s3 =	sld [smem:$0x3FDB];
	s0 =	simm.s32 @p2 $0x1  }
0x17: {  	s4 =	simm.s32 $0x1BF5;
	[smem:$0x3F97] =	sst s0  }
0x18: {  	s0 =	sld [smem:$0x3F7A];
	_ =	swait.ge [sflag:s4], $0x0  }
0x19: {  	s7 =	sld [smem:$0x3F7B]  }
0x1a: {  	s8 =	sadd.s32 $0xFFFFE003, lr  }
0x1b: {  	s9 =	sadd.s32 $0xFFFFFEF7, lr;
	s5 =	simm.s32 $0xFFFFFFFF;
	p2 =	slt.u32 s8, $0xFFFFF086  }
0x1c: {  	p1 =	slt.u32 s9, $0xF7A;
	s5 =	simm.s32 @!p2 $0x0  }
0x1d: {  	s5 =	simm.s32 @p1 $0x1;
	p0 =	seq.s32 s7, s2  }
0x1e: {  	s7 =	smul.u32 @!p0 $0xF7A, s2;
	p2 =	seq.s32 @!p0 s5, $0x0  }
0x1f: {  	s9 =	smul.u32 $0xF7A, s1;
	s8 =	simm.s32 @!p0 $0x1BF5;
	p2 =	por !p2, p0  }
0x20: {  	[sflag:s8] =	ssyncset.s32 @!p0 $0xFFFFF086;
	s6 =	sadd.s32 @!p0 s3, s7;
	s7 =	simm.s32 @!p0 $0x108  }
0x21: {  	s3 =	sadd.s32 s3, s9;
	s6 =	sadd.s32 @!p0 $0x88, s6;
	s7 =	simm.s32 @p2 $0x1082  }
0x22: {  	[simem:s7], [sflag:s8] =	dma.local @!p0 [hbm:s6], $0xF7A  }
0x23: {  	s9 =	sor.u32 $0xD0000000, s2;
	s6 =	simm.s32 $0x108;
	_ =	swait.ge @!p0 [sflag:s8], $0x0  }
0x24: {  	s3 =	sadd.s32 $0x88, s3;
	s6 =	simm.s32 @!p1 $0x1082;
	[sflag:s4] =	ssyncset.s32 $0xFFFFF086  }
0x25: {  	[simem:s6], [sflag:s4] =	dma.local [hbm:s3], $0xF7A  }
0x26: {  	[smem:$0x3F7B] =	sst s1;
	(tag) =	ssettag s2;
	_ =	strace s9  }
0x27: {  	s1 =	sld [smem:$0x3F8B]  }
0x28: {  	s2 =	sld [smem:$0x3F8C]  }
0x29: {  	s4 =	sld [smem:$0x3F8E]  }
0x2a: {  	p0 =	seq.s32 s5, $0x0;
	s5 =	sld [smem:$0x3F8F]  }
0x2b: {  	s6 =	sld [smem:$0x3F90]  }
0x2c: {  	s7 =	sld [smem:$0x3F91]  }
0x2d: {  	s3 =	simm.s32 $0x108;
	s8 =	sld [smem:$0x3F92]  }
0x2e: {  	s3 =	simm.s32 @!p0 $0x1082;
	s9 =	sld [smem:$0x3F93]  }
0x2f: {  	lr =	sadd.s32 s0, s3;
	s0 =	sld [smem:$0x3F8A]  }
0x30: {  	s3 =	sld [smem:$0x3F8D]  }
0x31: {  	[smem:$0x3F96] =	sst s10  }
0x32: {  	s10 =	sld [smem:$0x3F94];
	_ =	sdelay $0x3  }
0x33: {  	p0 =	seq.s32 s10, $0x1;
	s10 =	sld [smem:$0x3F96];
	_ =	sdelay $0x3  }
0x34: {  	[smem:$0x3F96] =	sst s10  }
0x35: {  	s10 =	sld [smem:$0x3F95];
	_ =	sdelay $0x3  }
0x36: {  	p1 =	seq.s32 s10, $0x1;
	s10 =	sld [smem:$0x3F96];
	_ =	sdelay $0x3  }
0x37: {  	[smem:$0x3F96] =	sst s10  }
0x38: {  	s10 =	sld [smem:$0x3F97]  }
0x39: {  	_ = 	snop;
	(pc) =	sbr.ind lr, $3  }
0x3a: {  	_ = 	snop  }
0x3b: {  	_ = 	snop  }
0x3c: {  	p2 =	seq.s32 s10, $0x1;
	s10 =	sld [smem:$0x3F96]  }
0x3d: {  	_ =	shalt  }
0x3e: {  	_ =	shalt  }
0x3f: {  	_ =	shalt  }
0x40: {  	_ =	shalt  }
0x41: {  	_ =	shalt  }
0x42: {  	_ =	shalt  }
0x43: {  	_ =	shalt  }
0x44: {  	_ =	shalt  }
0x45: {  	_ =	shalt  }
0x46: {  	_ =	shalt  }
0x47: {  	_ =	shalt  }
0x48: {  	_ =	shalt  }
0x49: {  	_ =	shalt  }
0x4a: {  	_ =	shalt  }
0x4b: {  	_ =	shalt  }
0x4c: {  	_ =	shalt  }
0x4d: {  	_ =	shalt  }
0x4e: {  	_ =	shalt  }
0x4f: {  	_ =	shalt  }
0x50: {  	_ =	shalt  }
0x51: {  	_ =	shalt  }
0x52: {  	_ =	shalt  }
0x53: {  	_ =	shalt  }
0x54: {  	_ =	shalt  }
0x55: {  	_ =	shalt  }
0x56: {  	_ =	shalt  }
0x57: {  	_ =	shalt  }
0x58: {  	_ =	shalt  }
0x59: {  	_ =	shalt  }
0x5a: {  	_ =	shalt  }
0x5b: {  	_ =	shalt  }
0x5c: {  	_ =	shalt  }
0x5d: {  	_ =	shalt  }
0x5e: {  	_ =	shalt  }
0x5f: {  	_ =	shalt  }
0x60: {  	_ =	shalt  }
0x61: {  	_ =	shalt  }
0x62: {  	_ =	shalt  }
0x63: {  	_ =	shalt  }
0x64: {  	_ =	shalt  }
0x65: {  	_ =	shalt  }
0x66: {  	_ =	shalt  }
0x67: {  	_ =	shalt  }
0x68: {  	_ =	shalt  }
0x69: {  	_ =	shalt  }
0x6a: {  	_ =	shalt  }
0x6b: {  	_ =	shalt  }
0x6c: {  	_ =	shalt  }
0x6d: {  	_ =	shalt  }
0x6e: {  	_ =	shalt  }
0x6f: {  	_ =	shalt  }
0x70: {  	_ =	shalt  }
0x71: {  	_ =	shalt  }
0x72: {  	_ =	shalt  }
0x73: {  	_ =	shalt  }
0x74: {  	_ =	shalt  }
0x75: {  	_ =	shalt  }
0x76: {  	_ =	shalt  }
0x77: {  	_ =	shalt  }
0x78: {  	_ =	shalt  }
0x79: {  	_ =	shalt  }
0x7a: {  	_ =	shalt  }
0x7b: {  	_ =	shalt  }
0x7c: {  	_ =	shalt  }
0x7d: {  	_ =	shalt  }
0x7e: {  	_ =	shalt  }
0x7f: {  	_ =	shalt  }
0x80: {  	_ =	shalt  }
0x81: {  	_ =	shalt  }
0x82: {  	_ =	shalt  }
0x83: {  	_ =	shalt  }
0x84: {  	_ =	shalt  }
0x85: {  	_ =	shalt  }
0x86: {  	_ =	shalt  }
0x87: {  	_ =	shalt  }
.Lfunc_end0:
.L_simem_size_0:
called_computation.2_lowered:
.L_overlay_start_0:
0x88: {  	s2 =	sld [smem:$0x3FD9]  }
0x89: {  	s3 =	sld [smem:$0x3FFE];
	_ =	sdelay $0x1  }
0x8a: {  	s1 =	srdreg.scid  }
0x8b: {  	s0 =	sand.u32 $0x1, s1  }
0x8c: {  	s16 =	sshll.u32 s0, $0xA;
	s2 =	sadd.s32 s3, s2  }
0x8d: {  	s2 =	sadd.s32 s2, s16  }
0x8e: {  	[smem:$0x3FA2] =	sst s2  }
0x8f: {  	_ = 	snop  }
0x90: {  	(tm) =	ssettm $0x1  }
0x91: {  	s17 =	sld [smem:$0x3FFB];
	_ =	sdelay $0x3  }
0x92: {  	_ =	strace s17  }
0x93: {  	s2 =	sld [smem:$0x3FFC];
	_ =	sdelay $0x3  }
0x94: {  	_ =	strace s2  }
0x95: {  	s2 =	sld [smem:$0x3FFD];
	_ =	sdelay $0x3  }
0x96: {  	_ =	strace s2  }
0x97: {  	_ =	strace $0x8FFFFFFF  }
0x98: {  	s18 =	sld [smem:$0x3FDB];
	_ =	sdelay $0x1  }
0x99: {  	s19 =	simm.s32 $_scs_section_size  }
0x9a: {  	s4 =	simm.s32 $_size__tile_overlayer_lowered;
	s5 =	simm.s32 $_tile_overlayer_lowered  }
0x9b: {  	s22 =	simm.s32 $0x1BFF;
	s21 =	sshll.u32 s5, $0x1;
	s2 =	sadd.s32 s19, s18  }
0x9c: {  	s6 =	simm.s32 $0x0;
	s20 =	sshll.u32 s4, $0x1;
	s4 =	sadd.s32 s21, s2  }
0x9d: {  	[timem:s6], [sflag:s22] =	dma.local [hbm:s4], s20  }
0x9e: {  	_ =	swait.ge [sflag:s22], s20  }
0x9f: {  	s3 =	ssub.s32 $0x0, s20;
	[sflag:s22] =	ssyncset.done $0x0  }
0xa0: {  	[sflag:s22] =	ssyncadd.s32 s3;
	_ =	sdelay $0x1  }
0xa1: {  	s23 =	simm.s32 $0x1B8B  }
0xa2: {  	_ =	swait.ge [sflag:s23], $0x1  }
0xa3: {  	[sflag:s23] =	ssyncset.done $0x0  }
0xa4: {  	s25 =	simm.s32 $0x1B8E;
	s24 =	sld [smem:$0x3FFE];
	[sflag:s23] =	ssyncadd.s32 $0xFFFFFFFF  }
0xa5: {  	s26 =	simm.s32 $execute0_lowered;
	[smem:$0x3FD2] =	sst s25  }
0xa6: {  	s4 =	sshll.u32 s26, $0x1;
	_ =	strace $0x8000004C;
	[dreg:$0x1] =	wrdreg $0xFFFFFFFF  }
0xa7: {  	s28 =	simm.s32 $_size_execute0_lowered;
	s2 =	sadd.s32 s2, s4;
	[dreg:$0x0] =	wrdreg $0x0  }
0xa8: {  	s4 =	sshll.u32 s28, $0x1;
	[dreg:$0x2] =	wrdreg s2  }
0xa9: {  	[dreg:$0x3] =	wrdreg s4  }
0xaa: {  	[dreg:$0x4] =	wrdreg $0xC0  }
0xab: {  	_ =	task [dreg:s6], $0x5FFFF  }
0xac: {  	[dreg:$0x1] =	wrdreg $0xFFFFFFFF  }
0xad: {  	[dreg:$0x0] =	wrdreg $0x60  }
0xae: {  	[dreg:$0x2] =	wrdreg s24  }
0xaf: {  	[dreg:$0x3] =	wrdreg $0x9  }
0xb0: {  	_ =	task.clear_ibuf [dreg:s6], $0x4FFFF;
	_ =	strace $0x9000004C  }
0xb1: {  	s29 =	simm.s32 $0x9;
	_ =	strace $0x8000004E  }
0xb2: {  	_ =	swait.ge [sflag:s29], $0x1  }
0xb3: {  	[sflag:s29] =	ssyncadd.s32 $0xFFFFFFFF  }
0xb4: {  	_ =	strace $0x9000004E  }
0xb5: {  	_ =	sfence  }
0xb6: {  	s30 =	sld [smem:$0x0];
	_ =	sdelay $0x2  }
0xb7: {  	s31 =	sshll.u32 s1, $0xD;
	s1 =	sshrl.u32 s1, $0x2  }
0xb8: {  	s3 =	sand.u32 $0x4000, s31;
	s1 =	sadd.s32 s1, s30  }
0xb9: {  	s0 =	sor.u32 s3, s0;
	s1 =	sshll.u32 s1, $0x11  }
0xba: {  	s0 =	sor.u32 s1, s0  }
0xbb: {  	s0 =	sadd.s32 $0x8F2B, s0  }
0xbc: {  	[sflag:s0] =	ssyncadd.remote.s32 $0x1  }
0xbd: {  	_ =	sfence.sel $0xFFFF  }
0xbe: {  	[dreg:$0x0] =	wrdreg $0xFFFFFFFF;
	(pc) =	sbr.abs _section_cstart, $3  }
0xbf: {  	[dreg:$0x1] =	wrdreg $0xFFFFFFFF  }
0xc0: {  	_ =	task.clear_ibuf [dreg:s6], $0x2FFFF;
	_ =	strace $0x9FFFFFFF  }
0xc1: {  	(tm) =	ssettm $0x7FFFFFFF  }
tec
execute0_lowered:
.L_overlay_start_1:
0x0: {  	(tag) =	ssettag $0x1  }
0x1: {  	s1 =	srdreg.scid  }
0x2: {  	s0 =	stileid.u32;
	s5 =	rddreg [dreg:$0x0]  }
0x3: {  	s2 =	simm.s32 $0x0;
	s12 =	simm.s32 $0xA780;
	s13 =	simm.s32 $0xE780  }
0x4: {  	s14 =	simm.s32 $0x12780;
	s15 =	simm.s32 $0x16780;
	s16 =	simm.s32 $0x1  }
0x5: {  	s17 =	simm.s32 $0x2;
	s18 =	simm.s32 $0x10;
	s19 =	simm.s32 $0x2700  }
0x6: {  	s4 =	sand.u32 $0x1, s1;
	s30 =	sshll.u32 s0, $0x1;
	s9 =	smul.u32 $0x4E200, s0  }
0x7: {  	s1 =	rddreg [dreg:$0x1];
	s6 =	sor.u32 s4, s30;
	s11 =	smul.u32 $0x27100, s4  }
0x8: {  	s20 =	simm.s32 $0x0;
	[smem:$0x7FF] =	sst s2;
	s3 =	smul.u32 $0x2710, s6  }
0x9: {  	_ =	strace $0x8000004D;
	s8 =	ssub.s32 $0x2, s4;
	s6 =	smul.u32 $0x138800, s6  }
0xa: {  	s10 =	sshrl.u32 s8, $0x1;
	s7 =	sshrl.u32 s3, $0x3;
	s3 =	sadd.s32 $0x10800, s5  }
0xb: {  	s6 =	sshrl.u32 s6, $0x3;
	s7 =	sadd.s32 s7, s5;
	s5 =	sadd.s32 $0x5EC00, s5  }
0xc: {  	s8 =	ssub.s32 s8, s10;
	s10 =	simm.s32 $0x2780;
	s6 =	sadd.s32 s5, s6  }
0xd: {  	s9 =	sadd.s32 s9, s5;
	s4 =	sadd.s32 $0x6A00, s7;
	s5 =	sadd.s32 $0x27000, s6  }
0xe: {  	s31 =	sadd.s32 s11, s9;
	s6 =	smax.u32 s8, $0x1;
	s8 =	simm.s32 $0x3  }
0xf: {  	s9 =	simm.s32 $0x80;
	s11 =	simm.s32 $0x6780;
	s7 =	sadd.s32 $0x2800, s31  }
.LBB2_1:
0x10: {  	[tilespmem:s2], [sflag:$0x3] =	stream.linear.gather [hbm4b:s4+s2], $0x2710, $0x38;
	[tilespmem:$0x1A780] =	vst v63  }
0x11: {  	_ =	swait.ge [sflag:s8], $0x2710  }
0x12: {  	p0 =	por $0x1, $0x1;
	[sflag:s8] =	ssyncset.done $0x0  }
0x13: {  	s21 =	simm.s32 @!p0 $0x2;
	[sflag:s8] =	ssyncadd.s32 $0xFFFFD8F0  }
0x14: {  	_ =	swait.ge @!p0 [sflag:s21], $0x4000  }
0x15: {  	[sflag:s21] =	ssyncset.done @!p0 $0x0  }
0x16: {  	[sflag:s21] =	ssyncadd.s32 @!p0 $0xFFFFC000  }
0x17: {  	_ =	swait.ge @!p0 [sflag:s21], $0x4000  }
0x18: {  	[sflag:s21] =	ssyncset.done @!p0 $0x0  }
0x19: {  	[sflag:s21] =	ssyncadd.s32 @!p0 $0xFFFFC000  }
0x1a: {  	_ =	swait.ge @!p0 [sflag:s21], $0x4000  }
0x1b: {  	[sflag:s21] =	ssyncset.done @!p0 $0x0  }
0x1c: {  	[sflag:s21] =	ssyncadd.s32 @!p0 $0xFFFFC000  }
0x1d: {  	_ =	swait.ge @!p0 [sflag:s21], $0x4000  }
0x1e: {  	[sflag:s21] =	ssyncset.done @!p0 $0x0  }
0x1f: {  	[sflag:s21] =	ssyncadd.s32 @!p0 $0xFFFFC000  }
0x20: {  	_ =	swait.ge @!p0 [sflag:s21], $0x4000  }
0x21: {  	[sflag:s21] =	ssyncset.done @!p0 $0x0  }
0x22: {  	[sflag:s21] =	ssyncadd.s32 @!p0 $0xFFFFC000  }
0x23: {  	_ =	swait.ge @!p0 [sflag:s21], $0x4000  }
0x24: {  	[sflag:s21] =	ssyncset.done @!p0 $0x0  }
0x25: {  	s30 =	simm.s32 $0x0;
	[sflag:s21] =	ssyncadd.s32 @!p0 $0xFFFFC000  }
0x26: {  	[tilespmem:s10], [sflag:$0x1] =	stream.indirect.gather [hbm4b:s3+s9], $0x80, s30, s9, $0xb8;
	[tilespmem:$0x1A780] =	vst v63  }
0x27: {  	s31 =	simm.s32 $0x80  }
0x28: {  	[tilespmem:s11], [sflag:$0x1] =	stream.indirect.gather [hbm4b:s3+s9], $0x80, s31, s9, $0xb8;
	[tilespmem:$0x1A780] =	vst v63  }
0x29: {  	s22 =	simm.s32 $0x100  }
0x2a: {  	[tilespmem:s12], [sflag:$0x1] =	stream.indirect.gather [hbm4b:s3+s9], $0x80, s22, s9, $0xb8;
	[tilespmem:$0x1A780] =	vst v63  }
0x2b: {  	s23 =	simm.s32 $0x180  }
0x2c: {  	[tilespmem:s13], [sflag:$0x1] =	stream.indirect.gather [hbm4b:s3+s9], $0x80, s23, s9, $0xb8;
	[tilespmem:$0x1A780] =	vst v63  }
0x2d: {  	s24 =	simm.s32 $0x200  }
0x2e: {  	[tilespmem:s14], [sflag:$0x1] =	stream.indirect.gather [hbm4b:s3+s9], $0x80, s24, s9, $0xb8;
	[tilespmem:$0x1A780] =	vst v63  }
0x2f: {  	s25 =	simm.s32 $0x280  }
0x30: {  	[tilespmem:s15], [sflag:$0x1] =	stream.indirect.gather [hbm4b:s3+s9], $0x80, s25, s9, $0xb8;
	[tilespmem:$0x1A780] =	vst v63  }
0x31: {  	_ =	swait.ge [sflag:s16], $0x4000  }
0x32: {  	[sflag:s16] =	ssyncset.done $0x0  }
0x33: {  	s26 =	sadd.s32 $0xFFFFD800, s7;
	[sflag:s16] =	ssyncadd.s32 $0xFFFFC000  }
0x34: {  	[hbm4b:s26+s2] =	stream.linear.scatter [tilespmem:s10], [sflag:$0x2], $0x4000, $0x38;
	[tilespmem:$0x1A780] =	vst v63  }
0x35: {  	_ =	swait.ge [sflag:s16], $0x4000  }
0x36: {  	[sflag:s16] =	ssyncset.done $0x0  }
0x37: {  	s28 =	sadd.s32 $0xFFFFE000, s7;
	[sflag:s16] =	ssyncadd.s32 $0xFFFFC000  }
0x38: {  	[hbm4b:s28+s2] =	stream.linear.scatter [tilespmem:s11], [sflag:$0x2], $0x4000, $0x38;
	[tilespmem:$0x1A780] =	vst v63  }
0x39: {  	_ =	swait.ge [sflag:s16], $0x4000  }
0x3a: {  	[sflag:s16] =	ssyncset.done $0x0  }
0x3b: {  	s29 =	sadd.s32 $0xFFFFE800, s7;
	[sflag:s16] =	ssyncadd.s32 $0xFFFFC000  }
0x3c: {  	[hbm4b:s29+s2] =	stream.linear.scatter [tilespmem:s12], [sflag:$0x2], $0x4000, $0x38;
	[tilespmem:$0x1A780] =	vst v63  }
0x3d: {  	_ =	swait.ge [sflag:s16], $0x4000  }
0x3e: {  	[sflag:s16] =	ssyncset.done $0x0  }
0x3f: {  	s30 =	sadd.s32 $0xFFFFF000, s7;
	[sflag:s16] =	ssyncadd.s32 $0xFFFFC000  }
0x40: {  	[hbm4b:s30+s2] =	stream.linear.scatter [tilespmem:s13], [sflag:$0x2], $0x4000, $0x38;
	[tilespmem:$0x1A780] =	vst v63  }
0x41: {  	_ =	swait.ge [sflag:s16], $0x4000  }
0x42: {  	[sflag:s16] =	ssyncset.done $0x0  }
0x43: {  	p1 =	por $0x0, $0x0;
	s31 =	sadd.s32 $0xFFFFF800, s7;
	[sflag:s16] =	ssyncadd.s32 $0xFFFFC000  }
0x44: {  	[hbm4b:s31+s2] =	stream.linear.scatter [tilespmem:s14], [sflag:$0x2], $0x4000, $0x38;
	[tilespmem:$0x1A780] =	vst v63  }
0x45: {  	s21 =	sadd.s32 $0x3000, s7;
	s22 =	simm.s32 $0xC00;
	_ =	swait.ge [sflag:s16], $0x4000  }
0x46: {  	s23 =	simm.s32 $0x1800;
	s24 =	smov.u32 s7;
	[sflag:s16] =	ssyncset.done $0x0  }
.LBB2_2:
0x47: {  	s25 =	simm.s32 @!p1 $0x2  }
0x48: {  	[sflag:s16] =	ssyncadd.s32 $0xFFFFC000;
	s26 =	smov.u32 s23;
	s23 =	sadd.s32 $0xC00, s23  }
0x49: {  	[hbm4b:s24+s2] =	stream.linear.scatter [tilespmem:s15], [sflag:$0x2], $0x4000, $0x38;
	[tilespmem:$0x1A780] =	vst v63  }
0x4a: {  	p0 =	sne.s32 s23, $0x9C00;
	s24 =	smov.u32 s21;
	_ =	swait.ge @!p1 [sflag:s25], $0x4000  }
0x4b: {  	[sflag:s25] =	ssyncset.done @!p1 $0x0  }
0x4c: {  	[sflag:s25] =	ssyncadd.s32 @!p1 $0xFFFFC000  }
0x4d: {  	_ =	swait.ge @!p1 [sflag:s25], $0x4000  }
0x4e: {  	[sflag:s25] =	ssyncset.done @!p1 $0x0  }
0x4f: {  	[sflag:s25] =	ssyncadd.s32 @!p1 $0xFFFFC000  }
0x50: {  	_ =	swait.ge @!p1 [sflag:s25], $0x4000  }
0x51: {  	[sflag:s25] =	ssyncset.done @!p1 $0x0  }
0x52: {  	[sflag:s25] =	ssyncadd.s32 @!p1 $0xFFFFC000  }
0x53: {  	_ =	swait.ge @!p1 [sflag:s25], $0x4000  }
0x54: {  	[sflag:s25] =	ssyncset.done @!p1 $0x0  }
0x55: {  	[sflag:s25] =	ssyncadd.s32 @!p1 $0xFFFFC000  }
0x56: {  	_ =	swait.ge @!p1 [sflag:s25], $0x4000  }
0x57: {  	[sflag:s25] =	ssyncset.done @!p1 $0x0  }
0x58: {  	[sflag:s25] =	ssyncadd.s32 @!p1 $0xFFFFC000  }
0x59: {  	_ =	swait.ge @!p1 [sflag:s25], $0x4000  }
0x5a: {  	[sflag:s25] =	ssyncset.done @!p1 $0x0  }
0x5b: {  	[sflag:s25] =	ssyncadd.s32 @!p1 $0xFFFFC000;
	s25 =	sshra.s32 s22, $0x2;
	s22 =	smov.u32 s26  }
0x5c: {  	[tilespmem:s10], [sflag:$0x1] =	stream.indirect.gather [hbm4b:s3+s9], $0x80, s25, s9, $0xb8;
	[tilespmem:$0x1A780] =	vst v63  }
0x5d: {  	s26 =	sadd.s32 $0x80, s25  }
0x5e: {  	[tilespmem:s11], [sflag:$0x1] =	stream.indirect.gather [hbm4b:s3+s9], $0x80, s26, s9, $0xb8;
	[tilespmem:$0x1A780] =	vst v63  }
0x5f: {  	s26 =	sadd.s32 $0x100, s25  }
0x60: {  	[tilespmem:s12], [sflag:$0x1] =	stream.indirect.gather [hbm4b:s3+s9], $0x80, s26, s9, $0xb8;
	[tilespmem:$0x1A780] =	vst v63  }
0x61: {  	s26 =	sadd.s32 $0x180, s25  }
0x62: {  	[tilespmem:s13], [sflag:$0x1] =	stream.indirect.gather [hbm4b:s3+s9], $0x80, s26, s9, $0xb8;
	[tilespmem:$0x1A780] =	vst v63  }
0x63: {  	s26 =	sadd.s32 $0x200, s25  }
0x64: {  	[tilespmem:s14], [sflag:$0x1] =	stream.indirect.gather [hbm4b:s3+s9], $0x80, s26, s9, $0xb8;
	[tilespmem:$0x1A780] =	vst v63  }
0x65: {  	s25 =	sadd.s32 $0x280, s25  }
0x66: {  	[tilespmem:s15], [sflag:$0x1] =	stream.indirect.gather [hbm4b:s3+s9], $0x80, s25, s9, $0xb8;
	[tilespmem:$0x1A780] =	vst v63  }
0x67: {  	_ =	swait.ge [sflag:s16], $0x4000  }
0x68: {  	[sflag:s16] =	ssyncset.done $0x0  }
0x69: {  	s25 =	sadd.s32 $0xFFFFD800, s21;
	[sflag:s16] =	ssyncadd.s32 $0xFFFFC000  }
0x6a: {  	[hbm4b:s25+s2] =	stream.linear.scatter [tilespmem:s10], [sflag:$0x2], $0x4000, $0x38;
	[tilespmem:$0x1A780] =	vst v63  }
0x6b: {  	_ =	swait.ge [sflag:s16], $0x4000  }
0x6c: {  	[sflag:s16] =	ssyncset.done $0x0  }
0x6d: {  	s25 =	sadd.s32 $0xFFFFE000, s21;
	[sflag:s16] =	ssyncadd.s32 $0xFFFFC000  }
0x6e: {  	[hbm4b:s25+s2] =	stream.linear.scatter [tilespmem:s11], [sflag:$0x2], $0x4000, $0x38;
	[tilespmem:$0x1A780] =	vst v63  }
0x6f: {  	_ =	swait.ge [sflag:s16], $0x4000  }
0x70: {  	[sflag:s16] =	ssyncset.done $0x0  }
0x71: {  	s25 =	sadd.s32 $0xFFFFE800, s21;
	[sflag:s16] =	ssyncadd.s32 $0xFFFFC000  }
0x72: {  	[hbm4b:s25+s2] =	stream.linear.scatter [tilespmem:s12], [sflag:$0x2], $0x4000, $0x38;
	[tilespmem:$0x1A780] =	vst v63  }
0x73: {  	_ =	swait.ge [sflag:s16], $0x4000  }
0x74: {  	[sflag:s16] =	ssyncset.done $0x0  }
0x75: {  	s25 =	sadd.s32 $0xFFFFF000, s21;
	[sflag:s16] =	ssyncadd.s32 $0xFFFFC000  }
0x76: {  	[hbm4b:s25+s2] =	stream.linear.scatter [tilespmem:s13], [sflag:$0x2], $0x4000, $0x38;
	[tilespmem:$0x1A780] =	vst v63  }
0x77: {  	_ =	swait.ge [sflag:s16], $0x4000  }
.Ltmp0:
0x78: {  	[sflag:s16] =	ssyncset.done $0x0;
	(pc) =	sbr.rel @p0 .LBB2_2-.Ltmp0, $4  }
0x79: {  	s25 =	sadd.s32 $0xFFFFF800, s21;
	[sflag:s16] =	ssyncadd.s32 $0xFFFFC000  }
0x7a: {  	[hbm4b:s25+s2] =	stream.linear.scatter [tilespmem:s14], [sflag:$0x2], $0x4000, $0x38;
	[tilespmem:$0x1A780] =	vst v63  }
0x7b: {  	_ =	swait.ge [sflag:s16], $0x4000  }
0x7c: {  	p1 =	seq.s32 s22, $0x0;
	s21 =	sadd.s32 $0x3000, s21;
	[sflag:s16] =	ssyncset.done $0x0  }
0x7d: {  	s23 =	simm.s32 @!p1 $0x2;
	[sflag:s16] =	ssyncadd.s32 $0xFFFFC000  }
0x7e: {  	[hbm4b:s24+s2] =	stream.linear.scatter [tilespmem:s15], [sflag:$0x2], $0x4000, $0x38;
	[tilespmem:$0x1A780] =	vst v63  }
0x7f: {  	_ =	swait.ge @!p1 [sflag:s23], $0x4000  }
0x80: {  	[sflag:s23] =	ssyncset.done @!p1 $0x0  }
0x81: {  	[sflag:s23] =	ssyncadd.s32 @!p1 $0xFFFFC000  }
0x82: {  	_ =	swait.ge @!p1 [sflag:s23], $0x4000  }
0x83: {  	[sflag:s23] =	ssyncset.done @!p1 $0x0  }
0x84: {  	[sflag:s23] =	ssyncadd.s32 @!p1 $0xFFFFC000  }
0x85: {  	_ =	swait.ge @!p1 [sflag:s23], $0x4000  }
0x86: {  	[sflag:s23] =	ssyncset.done @!p1 $0x0  }
0x87: {  	[sflag:s23] =	ssyncadd.s32 @!p1 $0xFFFFC000  }
0x88: {  	_ =	swait.ge @!p1 [sflag:s23], $0x4000  }
0x89: {  	[sflag:s23] =	ssyncset.done @!p1 $0x0  }
0x8a: {  	[sflag:s23] =	ssyncadd.s32 @!p1 $0xFFFFC000  }
0x8b: {  	_ =	swait.ge @!p1 [sflag:s23], $0x4000  }
0x8c: {  	[sflag:s23] =	ssyncset.done @!p1 $0x0  }
0x8d: {  	[sflag:s23] =	ssyncadd.s32 @!p1 $0xFFFFC000  }
0x8e: {  	_ =	swait.ge @!p1 [sflag:s23], $0x4000  }
0x8f: {  	[sflag:s23] =	ssyncset.done @!p1 $0x0  }
0x90: {  	s22 =	sshra.s32 s22, $0x2;
	[sflag:s23] =	ssyncadd.s32 @!p1 $0xFFFFC000  }
0x91: {  	[tilespmem:s10], [sflag:$0x1] =	stream.indirect.gather [hbm4b:s3+s9], $0x80, s22, s9, $0xb8;
	[tilespmem:$0x1A780] =	vst v63  }
0x92: {  	s30 =	sadd.s32 $0x80, s22  }
0x93: {  	[tilespmem:s11], [sflag:$0x1] =	stream.indirect.gather [hbm4b:s3+s9], $0x80, s30, s9, $0xb8;
	[tilespmem:$0x1A780] =	vst v63  }
0x94: {  	s31 =	sadd.s32 $0x100, s22  }
0x95: {  	[tilespmem:s12], [sflag:$0x1] =	stream.indirect.gather [hbm4b:s3+s9], $0x80, s31, s9, $0xb8;
	[tilespmem:$0x1A780] =	vst v63  }
0x96: {  	s24 =	sadd.s32 $0x180, s22  }
0x97: {  	[tilespmem:s13], [sflag:$0x1] =	stream.indirect.gather [hbm4b:s3+s9], $0x80, s24, s9, $0xb8;
	[tilespmem:$0x1A780] =	vst v63  }
0x98: {  	s25 =	sadd.s32 $0x200, s22  }
0x99: {  	[tilespmem:s14], [sflag:$0x1] =	stream.indirect.gather [hbm4b:s3+s9], $0x80, s25, s9, $0xb8;
	[tilespmem:$0x1A780] =	vst v63  }
0x9a: {  	s22 =	sadd.s32 $0x280, s22  }
0x9b: {  	[tilespmem:s15], [sflag:$0x1] =	stream.indirect.gather [hbm4b:s3+s9], $0x80, s22, s9, $0xb8;
	[tilespmem:$0x1A780] =	vst v63  }
0x9c: {  	_ =	swait.ge [sflag:s16], $0x4000  }
0x9d: {  	[sflag:s16] =	ssyncset.done $0x0  }
0x9e: {  	s26 =	sadd.s32 $0xFFFFD800, s21;
	[sflag:s16] =	ssyncadd.s32 $0xFFFFC000  }
0x9f: {  	[hbm4b:s26+s2] =	stream.linear.scatter [tilespmem:s10], [sflag:$0x2], $0x4000, $0x38;
	[tilespmem:$0x1A780] =	vst v63  }
0xa0: {  	_ =	swait.ge [sflag:s16], $0x4000  }
0xa1: {  	[sflag:s16] =	ssyncset.done $0x0  }
0xa2: {  	s28 =	sadd.s32 $0xFFFFE000, s21;
	[sflag:s16] =	ssyncadd.s32 $0xFFFFC000  }
0xa3: {  	[hbm4b:s28+s2] =	stream.linear.scatter [tilespmem:s11], [sflag:$0x2], $0x4000, $0x38;
	[tilespmem:$0x1A780] =	vst v63  }
0xa4: {  	_ =	swait.ge [sflag:s16], $0x4000  }
0xa5: {  	[sflag:s16] =	ssyncset.done $0x0  }
0xa6: {  	s29 =	sadd.s32 $0xFFFFE800, s21;
	[sflag:s16] =	ssyncadd.s32 $0xFFFFC000  }
0xa7: {  	[hbm4b:s29+s2] =	stream.linear.scatter [tilespmem:s12], [sflag:$0x2], $0x4000, $0x38;
	[tilespmem:$0x1A780] =	vst v63  }
0xa8: {  	_ =	swait.ge [sflag:s16], $0x4000  }
0xa9: {  	[sflag:s16] =	ssyncset.done $0x0  }
0xaa: {  	s30 =	sadd.s32 $0xFFFFF000, s21;
	[sflag:s16] =	ssyncadd.s32 $0xFFFFC000  }
0xab: {  	[hbm4b:s30+s2] =	stream.linear.scatter [tilespmem:s13], [sflag:$0x2], $0x4000, $0x38;
	[tilespmem:$0x1A780] =	vst v63  }
0xac: {  	_ =	swait.ge [sflag:s16], $0x4000  }
0xad: {  	[sflag:s16] =	ssyncset.done $0x0  }
0xae: {  	s31 =	sadd.s32 $0xFFFFF800, s21;
	[sflag:s16] =	ssyncadd.s32 $0xFFFFC000  }
0xaf: {  	[hbm4b:s31+s2] =	stream.linear.scatter [tilespmem:s14], [sflag:$0x2], $0x4000, $0x38;
	[tilespmem:$0x1A780] =	vst v63  }
0xb0: {  	_ =	swait.ge [sflag:s16], $0x4000  }
0xb1: {  	[sflag:s16] =	ssyncset.done $0x0  }
0xb2: {  	[sflag:s16] =	ssyncadd.s32 $0xFFFFC000  }
0xb3: {  	[hbm4b:s21+s2] =	stream.linear.scatter [tilespmem:s15], [sflag:$0x2], $0x4000, $0x38;
	[tilespmem:$0x1A780] =	vst v63  }
0xb4: {  	_ =	swait.ge [sflag:s17], $0x4000  }
0xb5: {  	[sflag:s17] =	ssyncset.done $0x0  }
0xb6: {  	[sflag:s17] =	ssyncadd.s32 $0xFFFFC000  }
0xb7: {  	_ =	swait.ge [sflag:s17], $0x4000  }
0xb8: {  	[sflag:s17] =	ssyncset.done $0x0  }
0xb9: {  	[sflag:s17] =	ssyncadd.s32 $0xFFFFC000  }
0xba: {  	_ =	swait.ge [sflag:s17], $0x4000  }
0xbb: {  	[sflag:s17] =	ssyncset.done $0x0  }
0xbc: {  	[sflag:s17] =	ssyncadd.s32 $0xFFFFC000  }
0xbd: {  	_ =	swait.ge [sflag:s17], $0x4000  }
0xbe: {  	[sflag:s17] =	ssyncset.done $0x0  }
0xbf: {  	[sflag:s17] =	ssyncadd.s32 $0xFFFFC000  }
0xc0: {  	_ =	swait.ge [sflag:s17], $0x4000  }
0xc1: {  	[sflag:s17] =	ssyncset.done $0x0  }
0xc2: {  	[sflag:s17] =	ssyncadd.s32 $0xFFFFC000  }
0xc3: {  	_ =	swait.ge [sflag:s17], $0x4000  }
0xc4: {  	[sflag:s17] =	ssyncset.done $0x0  }
0xc5: {  	[sflag:s17] =	ssyncadd.s32 $0xFFFFC000  }
0xc6: {  	[tilespmem:s10], [sflag:$0x1] =	stream.indirect.gather [hbm4b:s3+s18], $0x80, s19, s18, $0xb8;
	[tilespmem:$0x1A780] =	vst v63  }
0xc7: {  	s20 =	sadd.s32 $0x1, s20;
	_ =	swait.ge [sflag:s16], $0x800  }
0xc8: {  	p0 =	sne.s32 s20, s6;
	[sflag:s16] =	ssyncset.done $0x0  }
.Ltmp1:
0xc9: {  	[sflag:s16] =	ssyncadd.s32 $0xFFFFF800;
	(pc) =	sbr.rel @p0 .LBB2_1-.Ltmp1, $4  }
0xca: {  	[hbm4b:s5+s2] =	stream.linear.scatter [tilespmem:s10], [sflag:$0x3], $0x800, $0x38;
	[tilespmem:$0x1A780] =	vst v63  }
0xcb: {  	_ =	swait.ge [sflag:s8], $0x800  }
0xcc: {  	[sflag:s8] =	ssyncset.done $0x0  }
0xcd: {  	[sflag:s8] =	ssyncadd.s32 $0xFFFFF800  }
0xce: {  	_ =	sfence.sel $0x180000  }
0xcf: {  	[bflag:$0x0] =	sbarrier.arrive $0xFFFF  }
0xd0: {  	p0 =	sne.s32 s0, $0x0;
	_ =	strace $0x9000004D  }
0xd1: {  	s0 =	sadd.s32 @!p0 $0x100000, s1;
	[bflag:$0x2] =	sbarrier.arrive $0xFFFF  }
0xd2: {  	[sflag:s0] =	ssyncadd.tile.s32 @!p0 $0x1;
	_ =	shalt  }
.Lfunc_end2:
_tile_overlayer_lowered:
.L_overlay_start_2:
0xd3: {  	(tag) =	ssettag $0x2  }
0xd4: {  	s0 =	rddreg [dreg:$0x0];
	s2 =	stileid.u32  }
0xd5: {  	s1 =	rddreg [dreg:$0x1];
	p0 =	sne.s32 s2, $0x0  }
0xd6: {  	s3 =	rddreg [dreg:$0x2];
	[bflag:$0x3] =	sbarrier.arrive $0xFFFF;
	s2 =	simm.s32 @!p0 $0x1C03  }
0xd7: {  	[timem:s3], [sflag:s2] =	dma.local @!p0 [hbm:s0], s1  }
0xd8: {  	s0 =	simm.s32 @!p0 $0x3  }
0xd9: {  	_ =	swait.ge @!p0 [sflag:s0], s1  }
0xda: {  	s1 =	ssub.s32 @!p0 $0x0, s1;
	[sflag:s0] =	ssyncset.done @!p0 $0x0  }
0xdb: {  	[sflag:s0] =	ssyncadd.s32 @!p0 s1  }
0xdc: {  	[bflag:$0x3] =	sbarrier.arrive $0xFFFF  }
0xdd: {  	_ =	shalt  }

// kernel: kernel.9.cloned.1.call-start
scs
__scs_entry_jumppad:
0x0: {  	(pc) =	sbr.rel $0x88, $3  }
0x1: {  	(tag) =	ssettag $0x0;
	lr =	simm.s32 $0x1  }
0x2: {  	[smem:$0x3F7B] =	sst lr;
	_ =	strace $0xD0000000  }
0x3: {  	_ = 	snop  }
0x4: {  	_ = 	snop  }
0x5: {  	_ = 	snop  }
0x6: {  	_ = 	snop  }
0x7: {  	_ = 	snop  }
__scs_overlays_trampoline_lowered:
0x8: {  	[smem:$0x3F8A] =	sst s0  }
0x9: {  	[smem:$0x3F8B] =	sst s1  }
0xa: {  	[smem:$0x3F8C] =	sst s2  }
0xb: {  	[smem:$0x3F8D] =	sst s3  }
0xc: {  	[smem:$0x3F8E] =	sst s4  }
0xd: {  	[smem:$0x3F8F] =	sst s5  }
0xe: {  	[smem:$0x3F90] =	sst s6  }
0xf: {  	[smem:$0x3F91] =	sst s7  }
0x10: {  	[smem:$0x3F92] =	sst s8  }
0x11: {  	[smem:$0x3F93] =	sst s9;
	s0 =	simm.s32 @!p0 $0x0  }
0x12: {  	s1 =	sld [smem:$0x3F79];
	s0 =	simm.s32 @p0 $0x1  }
0x13: {  	[smem:$0x3F94] =	sst s0;
	s0 =	simm.s32 @!p1 $0x0  }
0x14: {  	s2 =	sld [smem:$0x3F78];
	s0 =	simm.s32 @p1 $0x1  }
0x15: {  	[smem:$0x3F95] =	sst s0;
	s0 =	simm.s32 @!p2 $0x0  }
0x16: {  	s3 =	sld [smem:$0x3FDB];
	s0 =	simm.s32 @p2 $0x1  }
0x17: {  	s4 =	simm.s32 $0x1BF5;
	[smem:$0x3F97] =	sst s0  }
0x18: {  	s0 =	sld [smem:$0x3F7A];
	_ =	swait.ge [sflag:s4], $0x0  }
0x19: {  	s7 =	sld [smem:$0x3F7B]  }
0x1a: {  	s8 =	sadd.s32 $0xFFFFE003, lr  }
0x1b: {  	s9 =	sadd.s32 $0xFFFFFEF7, lr;
	s5 =	simm.s32 $0xFFFFFFFF;
	p2 =	slt.u32 s8, $0xFFFFF086  }
0x1c: {  	p1 =	slt.u32 s9, $0xF7A;
	s5 =	simm.s32 @!p2 $0x0  }
0x1d: {  	s5 =	simm.s32 @p1 $0x1;
	p0 =	seq.s32 s7, s2  }
0x1e: {  	s7 =	smul.u32 @!p0 $0xF7A, s2;
	p2 =	seq.s32 @!p0 s5, $0x0  }
0x1f: {  	s9 =	smul.u32 $0xF7A, s1;
	s8 =	simm.s32 @!p0 $0x1BF5;
	p2 =	por !p2, p0  }
0x20: {  	[sflag:s8] =	ssyncset.s32 @!p0 $0xFFFFF086;
	s6 =	sadd.s32 @!p0 s3, s7;
	s7 =	simm.s32 @!p0 $0x108  }
0x21: {  	s3 =	sadd.s32 s3, s9;
	s6 =	sadd.s32 @!p0 $0x88, s6;
	s7 =	simm.s32 @p2 $0x1082  }
0x22: {  	[simem:s7], [sflag:s8] =	dma.local @!p0 [hbm:s6], $0xF7A  }
0x23: {  	s9 =	sor.u32 $0xD0000000, s2;
	s6 =	simm.s32 $0x108;
	_ =	swait.ge @!p0 [sflag:s8], $0x0  }
0x24: {  	s3 =	sadd.s32 $0x88, s3;
	s6 =	simm.s32 @!p1 $0x1082;
	[sflag:s4] =	ssyncset.s32 $0xFFFFF086  }
0x25: {  	[simem:s6], [sflag:s4] =	dma.local [hbm:s3], $0xF7A  }
0x26: {  	[smem:$0x3F7B] =	sst s1;
	(tag) =	ssettag s2;
	_ =	strace s9  }
0x27: {  	s1 =	sld [smem:$0x3F8B]  }
0x28: {  	s2 =	sld [smem:$0x3F8C]  }
0x29: {  	s4 =	sld [smem:$0x3F8E]  }
0x2a: {  	p0 =	seq.s32 s5, $0x0;
	s5 =	sld [smem:$0x3F8F]  }
0x2b: {  	s6 =	sld [smem:$0x3F90]  }
0x2c: {  	s7 =	sld [smem:$0x3F91]  }
0x2d: {  	s3 =	simm.s32 $0x108;
	s8 =	sld [smem:$0x3F92]  }
0x2e: {  	s3 =	simm.s32 @!p0 $0x1082;
	s9 =	sld [smem:$0x3F93]  }
0x2f: {  	lr =	sadd.s32 s0, s3;
	s0 =	sld [smem:$0x3F8A]  }
0x30: {  	s3 =	sld [smem:$0x3F8D]  }
0x31: {  	[smem:$0x3F96] =	sst s10  }
0x32: {  	s10 =	sld [smem:$0x3F94];
	_ =	sdelay $0x3  }
0x33: {  	p0 =	seq.s32 s10, $0x1;
	s10 =	sld [smem:$0x3F96];
	_ =	sdelay $0x3  }
0x34: {  	[smem:$0x3F96] =	sst s10  }
0x35: {  	s10 =	sld [smem:$0x3F95];
	_ =	sdelay $0x3  }
0x36: {  	p1 =	seq.s32 s10, $0x1;
	s10 =	sld [smem:$0x3F96];
	_ =	sdelay $0x3  }
0x37: {  	[smem:$0x3F96] =	sst s10  }
0x38: {  	s10 =	sld [smem:$0x3F97]  }
0x39: {  	_ = 	snop;
	(pc) =	sbr.ind lr, $3  }
0x3a: {  	_ = 	snop  }
0x3b: {  	_ = 	snop  }
0x3c: {  	p2 =	seq.s32 s10, $0x1;
	s10 =	sld [smem:$0x3F96]  }
0x3d: {  	_ =	shalt  }
0x3e: {  	_ =	shalt  }
0x3f: {  	_ =	shalt  }
0x40: {  	_ =	shalt  }
0x41: {  	_ =	shalt  }
0x42: {  	_ =	shalt  }
0x43: {  	_ =	shalt  }
0x44: {  	_ =	shalt  }
0x45: {  	_ =	shalt  }
0x46: {  	_ =	shalt  }
0x47: {  	_ =	shalt  }
0x48: {  	_ =	shalt  }
0x49: {  	_ =	shalt  }
0x4a: {  	_ =	shalt  }
0x4b: {  	_ =	shalt  }
0x4c: {  	_ =	shalt  }
0x4d: {  	_ =	shalt  }
0x4e: {  	_ =	shalt  }
0x4f: {  	_ =	shalt  }
0x50: {  	_ =	shalt  }
0x51: {  	_ =	shalt  }
0x52: {  	_ =	shalt  }
0x53: {  	_ =	shalt  }
0x54: {  	_ =	shalt  }
0x55: {  	_ =	shalt  }
0x56: {  	_ =	shalt  }
0x57: {  	_ =	shalt  }
0x58: {  	_ =	shalt  }
0x59: {  	_ =	shalt  }
0x5a: {  	_ =	shalt  }
0x5b: {  	_ =	shalt  }
0x5c: {  	_ =	shalt  }
0x5d: {  	_ =	shalt  }
0x5e: {  	_ =	shalt  }
0x5f: {  	_ =	shalt  }
0x60: {  	_ =	shalt  }
0x61: {  	_ =	shalt  }
0x62: {  	_ =	shalt  }
0x63: {  	_ =	shalt  }
0x64: {  	_ =	shalt  }
0x65: {  	_ =	shalt  }
0x66: {  	_ =	shalt  }
0x67: {  	_ =	shalt  }
0x68: {  	_ =	shalt  }
0x69: {  	_ =	shalt  }
0x6a: {  	_ =	shalt  }
0x6b: {  	_ =	shalt  }
0x6c: {  	_ =	shalt  }
0x6d: {  	_ =	shalt  }
0x6e: {  	_ =	shalt  }
0x6f: {  	_ =	shalt  }
0x70: {  	_ =	shalt  }
0x71: {  	_ =	shalt  }
0x72: {  	_ =	shalt  }
0x73: {  	_ =	shalt  }
0x74: {  	_ =	shalt  }
0x75: {  	_ =	shalt  }
0x76: {  	_ =	shalt  }
0x77: {  	_ =	shalt  }
0x78: {  	_ =	shalt  }
0x79: {  	_ =	shalt  }
0x7a: {  	_ =	shalt  }
0x7b: {  	_ =	shalt  }
0x7c: {  	_ =	shalt  }
0x7d: {  	_ =	shalt  }
0x7e: {  	_ =	shalt  }
0x7f: {  	_ =	shalt  }
0x80: {  	_ =	shalt  }
0x81: {  	_ =	shalt  }
0x82: {  	_ =	shalt  }
0x83: {  	_ =	shalt  }
0x84: {  	_ =	shalt  }
0x85: {  	_ =	shalt  }
0x86: {  	_ =	shalt  }
0x87: {  	_ =	shalt  }
.Lfunc_end0:
.L_simem_size_0:
called_computation_lowered:
.L_overlay_start_0:
0x88: {  	s2 =	sld [smem:$0x3FD9]  }
0x89: {  	s3 =	sld [smem:$0x3FFE];
	_ =	sdelay $0x1  }
0x8a: {  	s1 =	srdreg.scid  }
0x8b: {  	s0 =	sand.u32 $0x1, s1  }
0x8c: {  	s16 =	sshll.u32 s0, $0xA;
	s2 =	sadd.s32 s3, s2  }
0x8d: {  	s2 =	sadd.s32 s2, s16  }
0x8e: {  	[smem:$0x3FA2] =	sst s2  }
0x8f: {  	_ = 	snop  }
0x90: {  	(tm) =	ssettm $0x1  }
0x91: {  	s17 =	sld [smem:$0x3FFB];
	_ =	sdelay $0x3  }
0x92: {  	_ =	strace s17  }
0x93: {  	s2 =	sld [smem:$0x3FFC];
	_ =	sdelay $0x3  }
0x94: {  	_ =	strace s2  }
0x95: {  	s2 =	sld [smem:$0x3FFD];
	_ =	sdelay $0x3  }
0x96: {  	_ =	strace s2  }
0x97: {  	_ =	strace $0x8FFFFFFF  }
0x98: {  	s18 =	sld [smem:$0x3FDB];
	_ =	sdelay $0x1  }
0x99: {  	s19 =	simm.s32 $_scs_section_size  }
0x9a: {  	s4 =	simm.s32 $_size__tile_overlayer_lowered;
	s5 =	simm.s32 $_tile_overlayer_lowered  }
0x9b: {  	s22 =	simm.s32 $0x1BFF;
	s21 =	sshll.u32 s5, $0x1;
	s2 =	sadd.s32 s19, s18  }
0x9c: {  	s6 =	simm.s32 $0x0;
	s20 =	sshll.u32 s4, $0x1;
	s4 =	sadd.s32 s21, s2  }
0x9d: {  	[timem:s6], [sflag:s22] =	dma.local [hbm:s4], s20  }
0x9e: {  	_ =	swait.ge [sflag:s22], s20  }
0x9f: {  	s3 =	ssub.s32 $0x0, s20;
	[sflag:s22] =	ssyncset.done $0x0  }
0xa0: {  	[sflag:s22] =	ssyncadd.s32 s3;
	_ =	sdelay $0x1  }
0xa1: {  	s23 =	simm.s32 $0x1B8B  }
0xa2: {  	_ =	swait.ge [sflag:s23], $0x1  }
0xa3: {  	[sflag:s23] =	ssyncset.done $0x0  }
0xa4: {  	s25 =	simm.s32 $0x1B8E;
	s24 =	sld [smem:$0x3FFE];
	[sflag:s23] =	ssyncadd.s32 $0xFFFFFFFF  }
0xa5: {  	s26 =	simm.s32 $execute0_lowered;
	[smem:$0x3FD2] =	sst s25  }
0xa6: {  	s4 =	sshll.u32 s26, $0x1;
	_ =	strace $0x80000046;
	[dreg:$0x1] =	wrdreg $0xFFFFFFFF  }
0xa7: {  	s28 =	simm.s32 $_size_execute0_lowered;
	s2 =	sadd.s32 s2, s4;
	[dreg:$0x0] =	wrdreg $0x0  }
0xa8: {  	s4 =	sshll.u32 s28, $0x1;
	[dreg:$0x2] =	wrdreg s2  }
0xa9: {  	[dreg:$0x3] =	wrdreg s4  }
0xaa: {  	[dreg:$0x4] =	wrdreg $0xC0  }
0xab: {  	_ =	task [dreg:s6], $0x5FFFF  }
0xac: {  	[dreg:$0x1] =	wrdreg $0xFFFFFFFF  }
0xad: {  	[dreg:$0x0] =	wrdreg $0x60  }
0xae: {  	[dreg:$0x2] =	wrdreg s24  }
0xaf: {  	[dreg:$0x3] =	wrdreg $0x9  }
0xb0: {  	_ =	task.clear_ibuf [dreg:s6], $0x4FFFF;
	_ =	strace $0x90000046  }
0xb1: {  	s29 =	simm.s32 $0x9;
	_ =	strace $0x80000048  }
0xb2: {  	_ =	swait.ge [sflag:s29], $0x1  }
0xb3: {  	[sflag:s29] =	ssyncadd.s32 $0xFFFFFFFF  }
0xb4: {  	_ =	strace $0x90000048  }
0xb5: {  	_ =	sfence  }
0xb6: {  	s30 =	sld [smem:$0x0];
	_ =	sdelay $0x2  }
0xb7: {  	s31 =	sshll.u32 s1, $0xD;
	s1 =	sshrl.u32 s1, $0x2  }
0xb8: {  	s3 =	sand.u32 $0x4000, s31;
	s1 =	sadd.s32 s1, s30  }
0xb9: {  	s0 =	sor.u32 s3, s0;
	s1 =	sshll.u32 s1, $0x11  }
0xba: {  	s0 =	sor.u32 s1, s0  }
0xbb: {  	s0 =	sadd.s32 $0x8F2B, s0  }
0xbc: {  	[sflag:s0] =	ssyncadd.remote.s32 $0x1  }
0xbd: {  	_ =	sfence.sel $0xFFFF  }
0xbe: {  	[dreg:$0x0] =	wrdreg $0xFFFFFFFF;
	(pc) =	sbr.abs _section_cstart, $3  }
0xbf: {  	[dreg:$0x1] =	wrdreg $0xFFFFFFFF  }
0xc0: {  	_ =	task.clear_ibuf [dreg:s6], $0x2FFFF;
	_ =	strace $0x9FFFFFFF  }
0xc1: {  	(tm) =	ssettm $0x7FFFFFFF  }
tec
execute0_lowered:
.L_overlay_start_1:
0x0: {  	(tag) =	ssettag $0x1  }
0x1: {  	s1 =	srdreg.scid  }
0x2: {  	s0 =	stileid.u32;
	s5 =	rddreg [dreg:$0x0]  }
0x3: {  	s2 =	simm.s32 $0x0;
	s12 =	simm.s32 $0xA780;
	s13 =	simm.s32 $0xE780  }
0x4: {  	s14 =	simm.s32 $0x12780;
	s15 =	simm.s32 $0x16780;
	s16 =	simm.s32 $0x1  }
0x5: {  	s17 =	simm.s32 $0x2;
	s18 =	simm.s32 $0x10;
	s19 =	simm.s32 $0x2700  }
0x6: {  	s4 =	sand.u32 $0x1, s1;
	s30 =	sshll.u32 s0, $0x1;
	s9 =	smul.u32 $0x4E200, s0  }
0x7: {  	s1 =	rddreg [dreg:$0x1];
	s6 =	sor.u32 s4, s30;
	s11 =	smul.u32 $0x27100, s4  }
0x8: {  	s20 =	simm.s32 $0x0;
	[smem:$0x7FF] =	sst s2;
	s3 =	smul.u32 $0x2710, s6  }
0x9: {  	_ =	strace $0x80000047;
	s8 =	ssub.s32 $0x2, s4;
	s6 =	smul.u32 $0x138800, s6  }
0xa: {  	s10 =	sshrl.u32 s8, $0x1;
	s7 =	sshrl.u32 s3, $0x3;
	s3 =	sadd.s32 $0x10800, s5  }
0xb: {  	s6 =	sshrl.u32 s6, $0x3;
	s7 =	sadd.s32 s7, s5;
	s5 =	sadd.s32 $0x5EC00, s5  }
0xc: {  	s8 =	ssub.s32 s8, s10;
	s10 =	simm.s32 $0x2780;
	s6 =	sadd.s32 s5, s6  }
0xd: {  	s9 =	sadd.s32 s9, s5;
	s4 =	sadd.s32 $0x6A00, s7;
	s5 =	sadd.s32 $0x27000, s6  }
0xe: {  	s31 =	sadd.s32 s11, s9;
	s6 =	smax.u32 s8, $0x1;
	s8 =	simm.s32 $0x3  }
0xf: {  	s9 =	simm.s32 $0x80;
	s11 =	simm.s32 $0x6780;
	s7 =	sadd.s32 $0x2800, s31  }
.LBB2_1:
0x10: {  	[tilespmem:s2], [sflag:$0x3] =	stream.linear.gather [hbm4b:s4+s2], $0x2710, $0x38;
	[tilespmem:$0x1A780] =	vst v63  }
0x11: {  	_ =	swait.ge [sflag:s8], $0x2710  }
0x12: {  	p0 =	por $0x1, $0x1;
	[sflag:s8] =	ssyncset.done $0x0  }
0x13: {  	s21 =	simm.s32 @!p0 $0x2;
	[sflag:s8] =	ssyncadd.s32 $0xFFFFD8F0  }
0x14: {  	_ =	swait.ge @!p0 [sflag:s21], $0x4000  }
0x15: {  	[sflag:s21] =	ssyncset.done @!p0 $0x0  }
0x16: {  	[sflag:s21] =	ssyncadd.s32 @!p0 $0xFFFFC000  }
0x17: {  	_ =	swait.ge @!p0 [sflag:s21], $0x4000  }
0x18: {  	[sflag:s21] =	ssyncset.done @!p0 $0x0  }
0x19: {  	[sflag:s21] =	ssyncadd.s32 @!p0 $0xFFFFC000  }
0x1a: {  	_ =	swait.ge @!p0 [sflag:s21], $0x4000  }
0x1b: {  	[sflag:s21] =	ssyncset.done @!p0 $0x0  }
0x1c: {  	[sflag:s21] =	ssyncadd.s32 @!p0 $0xFFFFC000  }
0x1d: {  	_ =	swait.ge @!p0 [sflag:s21], $0x4000  }
0x1e: {  	[sflag:s21] =	ssyncset.done @!p0 $0x0  }
0x1f: {  	[sflag:s21] =	ssyncadd.s32 @!p0 $0xFFFFC000  }
0x20: {  	_ =	swait.ge @!p0 [sflag:s21], $0x4000  }
0x21: {  	[sflag:s21] =	ssyncset.done @!p0 $0x0  }
0x22: {  	[sflag:s21] =	ssyncadd.s32 @!p0 $0xFFFFC000  }
0x23: {  	_ =	swait.ge @!p0 [sflag:s21], $0x4000  }
0x24: {  	[sflag:s21] =	ssyncset.done @!p0 $0x0  }
0x25: {  	s30 =	simm.s32 $0x0;
	[sflag:s21] =	ssyncadd.s32 @!p0 $0xFFFFC000  }
0x26: {  	[tilespmem:s10], [sflag:$0x1] =	stream.indirect.gather [hbm4b:s3+s9], $0x80, s30, s9, $0xb8;
	[tilespmem:$0x1A780] =	vst v63  }
0x27: {  	s31 =	simm.s32 $0x80  }
0x28: {  	[tilespmem:s11], [sflag:$0x1] =	stream.indirect.gather [hbm4b:s3+s9], $0x80, s31, s9, $0xb8;
	[tilespmem:$0x1A780] =	vst v63  }
0x29: {  	s22 =	simm.s32 $0x100  }
0x2a: {  	[tilespmem:s12], [sflag:$0x1] =	stream.indirect.gather [hbm4b:s3+s9], $0x80, s22, s9, $0xb8;
	[tilespmem:$0x1A780] =	vst v63  }
0x2b: {  	s23 =	simm.s32 $0x180  }
0x2c: {  	[tilespmem:s13], [sflag:$0x1] =	stream.indirect.gather [hbm4b:s3+s9], $0x80, s23, s9, $0xb8;
	[tilespmem:$0x1A780] =	vst v63  }
0x2d: {  	s24 =	simm.s32 $0x200  }
0x2e: {  	[tilespmem:s14], [sflag:$0x1] =	stream.indirect.gather [hbm4b:s3+s9], $0x80, s24, s9, $0xb8;
	[tilespmem:$0x1A780] =	vst v63  }
0x2f: {  	s25 =	simm.s32 $0x280  }
0x30: {  	[tilespmem:s15], [sflag:$0x1] =	stream.indirect.gather [hbm4b:s3+s9], $0x80, s25, s9, $0xb8;
	[tilespmem:$0x1A780] =	vst v63  }
0x31: {  	_ =	swait.ge [sflag:s16], $0x4000  }
0x32: {  	[sflag:s16] =	ssyncset.done $0x0  }
0x33: {  	s26 =	sadd.s32 $0xFFFFD800, s7;
	[sflag:s16] =	ssyncadd.s32 $0xFFFFC000  }
0x34: {  	[hbm4b:s26+s2] =	stream.linear.scatter [tilespmem:s10], [sflag:$0x2], $0x4000, $0x38;
	[tilespmem:$0x1A780] =	vst v63  }
0x35: {  	_ =	swait.ge [sflag:s16], $0x4000  }
0x36: {  	[sflag:s16] =	ssyncset.done $0x0  }
0x37: {  	s28 =	sadd.s32 $0xFFFFE000, s7;
	[sflag:s16] =	ssyncadd.s32 $0xFFFFC000  }
0x38: {  	[hbm4b:s28+s2] =	stream.linear.scatter [tilespmem:s11], [sflag:$0x2], $0x4000, $0x38;
	[tilespmem:$0x1A780] =	vst v63  }
0x39: {  	_ =	swait.ge [sflag:s16], $0x4000  }
0x3a: {  	[sflag:s16] =	ssyncset.done $0x0  }
0x3b: {  	s29 =	sadd.s32 $0xFFFFE800, s7;
	[sflag:s16] =	ssyncadd.s32 $0xFFFFC000  }
0x3c: {  	[hbm4b:s29+s2] =	stream.linear.scatter [tilespmem:s12], [sflag:$0x2], $0x4000, $0x38;
	[tilespmem:$0x1A780] =	vst v63  }
0x3d: {  	_ =	swait.ge [sflag:s16], $0x4000  }
0x3e: {  	[sflag:s16] =	ssyncset.done $0x0  }
0x3f: {  	s30 =	sadd.s32 $0xFFFFF000, s7;
	[sflag:s16] =	ssyncadd.s32 $0xFFFFC000  }
0x40: {  	[hbm4b:s30+s2] =	stream.linear.scatter [tilespmem:s13], [sflag:$0x2], $0x4000, $0x38;
	[tilespmem:$0x1A780] =	vst v63  }
0x41: {  	_ =	swait.ge [sflag:s16], $0x4000  }
0x42: {  	[sflag:s16] =	ssyncset.done $0x0  }
0x43: {  	p1 =	por $0x0, $0x0;
	s31 =	sadd.s32 $0xFFFFF800, s7;
	[sflag:s16] =	ssyncadd.s32 $0xFFFFC000  }
0x44: {  	[hbm4b:s31+s2] =	stream.linear.scatter [tilespmem:s14], [sflag:$0x2], $0x4000, $0x38;
	[tilespmem:$0x1A780] =	vst v63  }
0x45: {  	s21 =	sadd.s32 $0x3000, s7;
	s22 =	simm.s32 $0xC00;
	_ =	swait.ge [sflag:s16], $0x4000  }
0x46: {  	s23 =	simm.s32 $0x1800;
	s24 =	smov.u32 s7;
	[sflag:s16] =	ssyncset.done $0x0  }
.LBB2_2:
0x47: {  	s25 =	simm.s32 @!p1 $0x2  }
0x48: {  	[sflag:s16] =	ssyncadd.s32 $0xFFFFC000;
	s26 =	smov.u32 s23;
	s23 =	sadd.s32 $0xC00, s23  }
0x49: {  	[hbm4b:s24+s2] =	stream.linear.scatter [tilespmem:s15], [sflag:$0x2], $0x4000, $0x38;
	[tilespmem:$0x1A780] =	vst v63  }
0x4a: {  	p0 =	sne.s32 s23, $0x9C00;
	s24 =	smov.u32 s21;
	_ =	swait.ge @!p1 [sflag:s25], $0x4000  }
0x4b: {  	[sflag:s25] =	ssyncset.done @!p1 $0x0  }
0x4c: {  	[sflag:s25] =	ssyncadd.s32 @!p1 $0xFFFFC000  }
0x4d: {  	_ =	swait.ge @!p1 [sflag:s25], $0x4000  }
0x4e: {  	[sflag:s25] =	ssyncset.done @!p1 $0x0  }
0x4f: {  	[sflag:s25] =	ssyncadd.s32 @!p1 $0xFFFFC000  }
0x50: {  	_ =	swait.ge @!p1 [sflag:s25], $0x4000  }
0x51: {  	[sflag:s25] =	ssyncset.done @!p1 $0x0  }
0x52: {  	[sflag:s25] =	ssyncadd.s32 @!p1 $0xFFFFC000  }
0x53: {  	_ =	swait.ge @!p1 [sflag:s25], $0x4000  }
0x54: {  	[sflag:s25] =	ssyncset.done @!p1 $0x0  }
0x55: {  	[sflag:s25] =	ssyncadd.s32 @!p1 $0xFFFFC000  }
0x56: {  	_ =	swait.ge @!p1 [sflag:s25], $0x4000  }
0x57: {  	[sflag:s25] =	ssyncset.done @!p1 $0x0  }
0x58: {  	[sflag:s25] =	ssyncadd.s32 @!p1 $0xFFFFC000  }
0x59: {  	_ =	swait.ge @!p1 [sflag:s25], $0x4000  }
0x5a: {  	[sflag:s25] =	ssyncset.done @!p1 $0x0  }
0x5b: {  	[sflag:s25] =	ssyncadd.s32 @!p1 $0xFFFFC000;
	s25 =	sshra.s32 s22, $0x2;
	s22 =	smov.u32 s26  }
0x5c: {  	[tilespmem:s10], [sflag:$0x1] =	stream.indirect.gather [hbm4b:s3+s9], $0x80, s25, s9, $0xb8;
	[tilespmem:$0x1A780] =	vst v63  }
0x5d: {  	s26 =	sadd.s32 $0x80, s25  }
0x5e: {  	[tilespmem:s11], [sflag:$0x1] =	stream.indirect.gather [hbm4b:s3+s9], $0x80, s26, s9, $0xb8;
	[tilespmem:$0x1A780] =	vst v63  }
0x5f: {  	s26 =	sadd.s32 $0x100, s25  }
0x60: {  	[tilespmem:s12], [sflag:$0x1] =	stream.indirect.gather [hbm4b:s3+s9], $0x80, s26, s9, $0xb8;
	[tilespmem:$0x1A780] =	vst v63  }
0x61: {  	s26 =	sadd.s32 $0x180, s25  }
0x62: {  	[tilespmem:s13], [sflag:$0x1] =	stream.indirect.gather [hbm4b:s3+s9], $0x80, s26, s9, $0xb8;
	[tilespmem:$0x1A780] =	vst v63  }
0x63: {  	s26 =	sadd.s32 $0x200, s25  }
0x64: {  	[tilespmem:s14], [sflag:$0x1] =	stream.indirect.gather [hbm4b:s3+s9], $0x80, s26, s9, $0xb8;
	[tilespmem:$0x1A780] =	vst v63  }
0x65: {  	s25 =	sadd.s32 $0x280, s25  }
0x66: {  	[tilespmem:s15], [sflag:$0x1] =	stream.indirect.gather [hbm4b:s3+s9], $0x80, s25, s9, $0xb8;
	[tilespmem:$0x1A780] =	vst v63  }
0x67: {  	_ =	swait.ge [sflag:s16], $0x4000  }
0x68: {  	[sflag:s16] =	ssyncset.done $0x0  }
0x69: {  	s25 =	sadd.s32 $0xFFFFD800, s21;
	[sflag:s16] =	ssyncadd.s32 $0xFFFFC000  }
0x6a: {  	[hbm4b:s25+s2] =	stream.linear.scatter [tilespmem:s10], [sflag:$0x2], $0x4000, $0x38;
	[tilespmem:$0x1A780] =	vst v63  }
0x6b: {  	_ =	swait.ge [sflag:s16], $0x4000  }
0x6c: {  	[sflag:s16] =	ssyncset.done $0x0  }
0x6d: {  	s25 =	sadd.s32 $0xFFFFE000, s21;
	[sflag:s16] =	ssyncadd.s32 $0xFFFFC000  }
0x6e: {  	[hbm4b:s25+s2] =	stream.linear.scatter [tilespmem:s11], [sflag:$0x2], $0x4000, $0x38;
	[tilespmem:$0x1A780] =	vst v63  }
0x6f: {  	_ =	swait.ge [sflag:s16], $0x4000  }
0x70: {  	[sflag:s16] =	ssyncset.done $0x0  }
0x71: {  	s25 =	sadd.s32 $0xFFFFE800, s21;
	[sflag:s16] =	ssyncadd.s32 $0xFFFFC000  }
0x72: {  	[hbm4b:s25+s2] =	stream.linear.scatter [tilespmem:s12], [sflag:$0x2], $0x4000, $0x38;
	[tilespmem:$0x1A780] =	vst v63  }
0x73: {  	_ =	swait.ge [sflag:s16], $0x4000  }
0x74: {  	[sflag:s16] =	ssyncset.done $0x0  }
0x75: {  	s25 =	sadd.s32 $0xFFFFF000, s21;
	[sflag:s16] =	ssyncadd.s32 $0xFFFFC000  }
0x76: {  	[hbm4b:s25+s2] =	stream.linear.scatter [tilespmem:s13], [sflag:$0x2], $0x4000, $0x38;
	[tilespmem:$0x1A780] =	vst v63  }
0x77: {  	_ =	swait.ge [sflag:s16], $0x4000  }
.Ltmp0:
0x78: {  	[sflag:s16] =	ssyncset.done $0x0;
	(pc) =	sbr.rel @p0 .LBB2_2-.Ltmp0, $4  }
0x79: {  	s25 =	sadd.s32 $0xFFFFF800, s21;
	[sflag:s16] =	ssyncadd.s32 $0xFFFFC000  }
0x7a: {  	[hbm4b:s25+s2] =	stream.linear.scatter [tilespmem:s14], [sflag:$0x2], $0x4000, $0x38;
	[tilespmem:$0x1A780] =	vst v63  }
0x7b: {  	_ =	swait.ge [sflag:s16], $0x4000  }
0x7c: {  	p1 =	seq.s32 s22, $0x0;
	s21 =	sadd.s32 $0x3000, s21;
	[sflag:s16] =	ssyncset.done $0x0  }
0x7d: {  	s23 =	simm.s32 @!p1 $0x2;
	[sflag:s16] =	ssyncadd.s32 $0xFFFFC000  }
0x7e: {  	[hbm4b:s24+s2] =	stream.linear.scatter [tilespmem:s15], [sflag:$0x2], $0x4000, $0x38;
	[tilespmem:$0x1A780] =	vst v63  }
0x7f: {  	_ =	swait.ge @!p1 [sflag:s23], $0x4000  }
0x80: {  	[sflag:s23] =	ssyncset.done @!p1 $0x0  }
0x81: {  	[sflag:s23] =	ssyncadd.s32 @!p1 $0xFFFFC000  }
0x82: {  	_ =	swait.ge @!p1 [sflag:s23], $0x4000  }
0x83: {  	[sflag:s23] =	ssyncset.done @!p1 $0x0  }
0x84: {  	[sflag:s23] =	ssyncadd.s32 @!p1 $0xFFFFC000  }
0x85: {  	_ =	swait.ge @!p1 [sflag:s23], $0x4000  }
0x86: {  	[sflag:s23] =	ssyncset.done @!p1 $0x0  }
0x87: {  	[sflag:s23] =	ssyncadd.s32 @!p1 $0xFFFFC000  }
0x88: {  	_ =	swait.ge @!p1 [sflag:s23], $0x4000  }
0x89: {  	[sflag:s23] =	ssyncset.done @!p1 $0x0  }
0x8a: {  	[sflag:s23] =	ssyncadd.s32 @!p1 $0xFFFFC000  }
0x8b: {  	_ =	swait.ge @!p1 [sflag:s23], $0x4000  }
0x8c: {  	[sflag:s23] =	ssyncset.done @!p1 $0x0  }
0x8d: {  	[sflag:s23] =	ssyncadd.s32 @!p1 $0xFFFFC000  }
0x8e: {  	_ =	swait.ge @!p1 [sflag:s23], $0x4000  }
0x8f: {  	[sflag:s23] =	ssyncset.done @!p1 $0x0  }
0x90: {  	s22 =	sshra.s32 s22, $0x2;
	[sflag:s23] =	ssyncadd.s32 @!p1 $0xFFFFC000  }
0x91: {  	[tilespmem:s10], [sflag:$0x1] =	stream.indirect.gather [hbm4b:s3+s9], $0x80, s22, s9, $0xb8;
	[tilespmem:$0x1A780] =	vst v63  }
0x92: {  	s30 =	sadd.s32 $0x80, s22  }
0x93: {  	[tilespmem:s11], [sflag:$0x1] =	stream.indirect.gather [hbm4b:s3+s9], $0x80, s30, s9, $0xb8;
	[tilespmem:$0x1A780] =	vst v63  }
0x94: {  	s31 =	sadd.s32 $0x100, s22  }
0x95: {  	[tilespmem:s12], [sflag:$0x1] =	stream.indirect.gather [hbm4b:s3+s9], $0x80, s31, s9, $0xb8;
	[tilespmem:$0x1A780] =	vst v63  }
0x96: {  	s24 =	sadd.s32 $0x180, s22  }
0x97: {  	[tilespmem:s13], [sflag:$0x1] =	stream.indirect.gather [hbm4b:s3+s9], $0x80, s24, s9, $0xb8;
	[tilespmem:$0x1A780] =	vst v63  }
0x98: {  	s25 =	sadd.s32 $0x200, s22  }
0x99: {  	[tilespmem:s14], [sflag:$0x1] =	stream.indirect.gather [hbm4b:s3+s9], $0x80, s25, s9, $0xb8;
	[tilespmem:$0x1A780] =	vst v63  }
0x9a: {  	s22 =	sadd.s32 $0x280, s22  }
0x9b: {  	[tilespmem:s15], [sflag:$0x1] =	stream.indirect.gather [hbm4b:s3+s9], $0x80, s22, s9, $0xb8;
	[tilespmem:$0x1A780] =	vst v63  }
0x9c: {  	_ =	swait.ge [sflag:s16], $0x4000  }
0x9d: {  	[sflag:s16] =	ssyncset.done $0x0  }
0x9e: {  	s26 =	sadd.s32 $0xFFFFD800, s21;
	[sflag:s16] =	ssyncadd.s32 $0xFFFFC000  }
0x9f: {  	[hbm4b:s26+s2] =	stream.linear.scatter [tilespmem:s10], [sflag:$0x2], $0x4000, $0x38;
	[tilespmem:$0x1A780] =	vst v63  }
0xa0: {  	_ =	swait.ge [sflag:s16], $0x4000  }
0xa1: {  	[sflag:s16] =	ssyncset.done $0x0  }
0xa2: {  	s28 =	sadd.s32 $0xFFFFE000, s21;
	[sflag:s16] =	ssyncadd.s32 $0xFFFFC000  }
0xa3: {  	[hbm4b:s28+s2] =	stream.linear.scatter [tilespmem:s11], [sflag:$0x2], $0x4000, $0x38;
	[tilespmem:$0x1A780] =	vst v63  }
0xa4: {  	_ =	swait.ge [sflag:s16], $0x4000  }
0xa5: {  	[sflag:s16] =	ssyncset.done $0x0  }
0xa6: {  	s29 =	sadd.s32 $0xFFFFE800, s21;
	[sflag:s16] =	ssyncadd.s32 $0xFFFFC000  }
0xa7: {  	[hbm4b:s29+s2] =	stream.linear.scatter [tilespmem:s12], [sflag:$0x2], $0x4000, $0x38;
	[tilespmem:$0x1A780] =	vst v63  }
0xa8: {  	_ =	swait.ge [sflag:s16], $0x4000  }
0xa9: {  	[sflag:s16] =	ssyncset.done $0x0  }
0xaa: {  	s30 =	sadd.s32 $0xFFFFF000, s21;
	[sflag:s16] =	ssyncadd.s32 $0xFFFFC000  }
0xab: {  	[hbm4b:s30+s2] =	stream.linear.scatter [tilespmem:s13], [sflag:$0x2], $0x4000, $0x38;
	[tilespmem:$0x1A780] =	vst v63  }
0xac: {  	_ =	swait.ge [sflag:s16], $0x4000  }
0xad: {  	[sflag:s16] =	ssyncset.done $0x0  }
0xae: {  	s31 =	sadd.s32 $0xFFFFF800, s21;
	[sflag:s16] =	ssyncadd.s32 $0xFFFFC000  }
0xaf: {  	[hbm4b:s31+s2] =	stream.linear.scatter [tilespmem:s14], [sflag:$0x2], $0x4000, $0x38;
	[tilespmem:$0x1A780] =	vst v63  }
0xb0: {  	_ =	swait.ge [sflag:s16], $0x4000  }
0xb1: {  	[sflag:s16] =	ssyncset.done $0x0  }
0xb2: {  	[sflag:s16] =	ssyncadd.s32 $0xFFFFC000  }
0xb3: {  	[hbm4b:s21+s2] =	stream.linear.scatter [tilespmem:s15], [sflag:$0x2], $0x4000, $0x38;
	[tilespmem:$0x1A780] =	vst v63  }
0xb4: {  	_ =	swait.ge [sflag:s17], $0x4000  }
0xb5: {  	[sflag:s17] =	ssyncset.done $0x0  }
0xb6: {  	[sflag:s17] =	ssyncadd.s32 $0xFFFFC000  }
0xb7: {  	_ =	swait.ge [sflag:s17], $0x4000  }
0xb8: {  	[sflag:s17] =	ssyncset.done $0x0  }
0xb9: {  	[sflag:s17] =	ssyncadd.s32 $0xFFFFC000  }
0xba: {  	_ =	swait.ge [sflag:s17], $0x4000  }
0xbb: {  	[sflag:s17] =	ssyncset.done $0x0  }
0xbc: {  	[sflag:s17] =	ssyncadd.s32 $0xFFFFC000  }
0xbd: {  	_ =	swait.ge [sflag:s17], $0x4000  }
0xbe: {  	[sflag:s17] =	ssyncset.done $0x0  }
0xbf: {  	[sflag:s17] =	ssyncadd.s32 $0xFFFFC000  }
0xc0: {  	_ =	swait.ge [sflag:s17], $0x4000  }
0xc1: {  	[sflag:s17] =	ssyncset.done $0x0  }
0xc2: {  	[sflag:s17] =	ssyncadd.s32 $0xFFFFC000  }
0xc3: {  	_ =	swait.ge [sflag:s17], $0x4000  }
0xc4: {  	[sflag:s17] =	ssyncset.done $0x0  }
0xc5: {  	[sflag:s17] =	ssyncadd.s32 $0xFFFFC000  }
0xc6: {  	[tilespmem:s10], [sflag:$0x1] =	stream.indirect.gather [hbm4b:s3+s18], $0x80, s19, s18, $0xb8;
	[tilespmem:$0x1A780] =	vst v63  }
0xc7: {  	s20 =	sadd.s32 $0x1, s20;
	_ =	swait.ge [sflag:s16], $0x800  }
0xc8: {  	p0 =	sne.s32 s20, s6;
	[sflag:s16] =	ssyncset.done $0x0  }
.Ltmp1:
0xc9: {  	[sflag:s16] =	ssyncadd.s32 $0xFFFFF800;
	(pc) =	sbr.rel @p0 .LBB2_1-.Ltmp1, $4  }
0xca: {  	[hbm4b:s5+s2] =	stream.linear.scatter [tilespmem:s10], [sflag:$0x3], $0x800, $0x38;
	[tilespmem:$0x1A780] =	vst v63  }
0xcb: {  	_ =	swait.ge [sflag:s8], $0x800  }
0xcc: {  	[sflag:s8] =	ssyncset.done $0x0  }
0xcd: {  	[sflag:s8] =	ssyncadd.s32 $0xFFFFF800  }
0xce: {  	_ =	sfence.sel $0x180000  }
0xcf: {  	[bflag:$0x0] =	sbarrier.arrive $0xFFFF  }
0xd0: {  	p0 =	sne.s32 s0, $0x0;
	_ =	strace $0x90000047  }
0xd1: {  	s0 =	sadd.s32 @!p0 $0x100000, s1;
	[bflag:$0x2] =	sbarrier.arrive $0xFFFF  }
0xd2: {  	[sflag:s0] =	ssyncadd.tile.s32 @!p0 $0x1;
	_ =	shalt  }
.Lfunc_end2:
_tile_overlayer_lowered:
.L_overlay_start_2:
0xd3: {  	(tag) =	ssettag $0x2  }
0xd4: {  	s0 =	rddreg [dreg:$0x0];
	s2 =	stileid.u32  }
0xd5: {  	s1 =	rddreg [dreg:$0x1];
	p0 =	sne.s32 s2, $0x0  }
0xd6: {  	s3 =	rddreg [dreg:$0x2];
	[bflag:$0x3] =	sbarrier.arrive $0xFFFF;
	s2 =	simm.s32 @!p0 $0x1C03  }
0xd7: {  	[timem:s3], [sflag:s2] =	dma.local @!p0 [hbm:s0], s1  }
0xd8: {  	s0 =	simm.s32 @!p0 $0x3  }
0xd9: {  	_ =	swait.ge @!p0 [sflag:s0], s1  }
0xda: {  	s1 =	ssub.s32 @!p0 $0x0, s1;
	[sflag:s0] =	ssyncset.done @!p0 $0x0  }
0xdb: {  	[sflag:s0] =	ssyncadd.s32 @!p0 s1  }
0xdc: {  	[bflag:$0x3] =	sbarrier.arrive $0xFFFF  }
0xdd: {  	_ =	shalt  }

</sc_bundles>
